<compile_context>
chip_gen: v7x
topology: tpu7x:2x2x1
jax: 0.10.2.dev20260603
libtpu: 0.0.44.dev20260713+nightly
codegen_flags: <defaults>
</compile_context>

<pallas_src>
import functools

import jax
import jax.numpy as jnp
from jax import lax
from jax.experimental import pallas as pl
from jax.experimental.pallas import tpu as pltpu
from jax.experimental.pallas import tpu_sc as plsc

N_NODES = 50000
N_CELLS = 100000
NODE_TYPE_SIZE = 9
LATENT = 128
MP_STEPS = 15
OUTPUT_SIZE = 3

NRANGE = 4
RANGE = 12800
NP = NRANGE * RANGE
RPT = RANGE // 16
TRASH = RANGE
CAP = 159744
CPT = CAP // 16
NCH = CPT // 128
E = 6 * N_CELLS
EP = 602112
RT = EP // 32
C = 128
KG = 3
NG = RT // (KG * C)
BE = 1024
BN = 1024

_MESH = dict(core_axis_name="c", subcore_axis_name="s", num_cores=2,
             num_subcores=16)


def _dot(x, w):
    return jnp.dot(x.astype(jnp.bfloat16), w,
                   preferred_element_type=jnp.float32)


def _ln(x, g, b):
    mu = jnp.mean(x, axis=-1, keepdims=True)
    var = jnp.mean(x * x, axis=-1, keepdims=True) - mu * mu
    return (x - mu) * lax.rsqrt(var + 1e-5) * g + b



def _gather2_body(tab, ia, ib, oa, ob, rows_v, ia_v, ib_v, sem):
    c = lax.axis_index("c")
    s = lax.axis_index("s")
    base = (c * 16 + s) * RT
    pltpu.sync_copy(ia.at[pl.ds(base, RT)], ia_v)
    pltpu.sync_copy(ib.at[pl.ds(base, RT)], ib_v)

    def run(idx_v, out):
        def body(jg, carry):
            off = jg * (KG * C)
            cps = [
                pltpu.async_copy(tab.at[idx_v.at[pl.ds(off + k * C, C)]],
                                 rows_v.at[pl.ds(k * C, C)], sem)
                for k in range(KG)
            ]
            for cp in cps:
                cp.wait()
            pltpu.sync_copy(rows_v, out.at[pl.ds(base + off, KG * C)])
            return carry
        lax.fori_loop(0, NG, body, 0)

    run(ia_v, oa)
    run(ib_v, ob)


def _make_gather2(v_rows, d, dt):
    mesh = plsc.VectorSubcoreMesh(**_MESH)
    return pl.kernel(
        _gather2_body,
        out_type=(jax.ShapeDtypeStruct((EP, d), dt),
                  jax.ShapeDtypeStruct((EP, d), dt)),
        mesh=mesh,
        scratch_types=[
            pltpu.VMEM((KG * C, d), dt),
            pltpu.VMEM((RT,), jnp.int32),
            pltpu.VMEM((RT,), jnp.int32),
            pltpu.SemaphoreType.DMA,
        ],
    )


def _segsum_body(el, eids, ridx, zz, agg, spm, rows_v, eid_v, idx_v, sem):
    c = lax.axis_index("c")
    t = lax.axis_index("s")
    for r in range(NRANGE // 2):
        g = c * (NRANGE // 2) + r
        pltpu.sync_copy(zz.at[pl.ds(t * RPT, RPT)],
                        spm.at[pl.ds(t * RPT, RPT)])
        plsc.subcore_barrier()
        tbase = g * CAP + t * CPT

        def body(j, carry):
            off = tbase + j * C
            pltpu.sync_copy(eids.at[pl.ds(off, C)], eid_v)
            pltpu.async_copy(el.at[eid_v], rows_v, sem).wait()
            pltpu.sync_copy(ridx.at[pl.ds(off, C)], idx_v)
            pltpu.sync_copy(rows_v, spm.at[idx_v], add=True)
            return carry

        lax.fori_loop(0, NCH, body, 0)
        plsc.subcore_barrier()
        pltpu.sync_copy(spm.at[pl.ds(t * RPT, RPT)],
                        agg.at[pl.ds(g * RANGE + t * RPT, RPT)])
        plsc.subcore_barrier()


def _make_segsum():
    mesh = plsc.VectorSubcoreMesh(**_MESH)
    return pl.kernel(
        _segsum_body,
        out_type=jax.ShapeDtypeStruct((NP, LATENT), jnp.float32),
        mesh=mesh,
        scratch_types=[
            pltpu.VMEM_SHARED((RANGE + 8, LATENT), jnp.float32),
            pltpu.VMEM((C, LATENT), jnp.float32),
            pltpu.VMEM((C,), jnp.int32),
            pltpu.VMEM((C,), jnp.int32),
            pltpu.SemaphoreType.DMA,
        ],
    )



def _node_enc_k(wp, pwp, nt, w1v, w1o, b1, w2, b2, w3, b3, g, b, out, outb):
    vel = wp[...] - pwp[...]
    oh = (nt[...] == lax.broadcasted_iota(jnp.int32, (BN, NODE_TYPE_SIZE), 1))
    h = jnp.maximum(_dot(vel, w1v[...]) + _dot(oh.astype(jnp.float32), w1o[...])
                    + b1[...], 0.0)
    h = jnp.maximum(_dot(h, w2[...]) + b2[...], 0.0)
    h = _dot(h, w3[...]) + b3[...]
    y = _ln(h, g[...], b[...])
    out[...] = y
    outb[...] = y.astype(jnp.bfloat16)


def _edge_enc_k(gs, gr, w1, b1, w2, b2, w3, b3, g, b, out):
    d = gs[...] - gr[...]
    rw = d[:, 0:3]
    rm = d[:, 3:5]
    nw = jnp.sqrt(jnp.sum(rw * rw, axis=1, keepdims=True))
    nm = jnp.sqrt(jnp.sum(rm * rm, axis=1, keepdims=True))
    f = jnp.concatenate([rw, nw, rm, nm, jnp.zeros((BE, 1), jnp.float32)],
                        axis=1)
    h = jnp.maximum(_dot(f, w1[...]) + b1[...], 0.0)
    h = jnp.maximum(_dot(h, w2[...]) + b2[...], 0.0)
    h = _dot(h, w3[...]) + b3[...]
    out[...] = _ln(h, g[...], b[...])


def _edge_blk_k(el, gs, gr, w1a, w1b, w1c, b1, w2, b2, w3, b3, g, b, out):
    x = el[...]
    h = jnp.maximum(_dot(x, w1a[...]) + _dot(gs[...], w1b[...])
                    + _dot(gr[...], w1c[...]) + b1[...], 0.0)
    h = jnp.maximum(_dot(h, w2[...]) + b2[...], 0.0)
    h = _dot(h, w3[...]) + b3[...]
    out[...] = x + _ln(h, g[...], b[...])


def _node_blk_k(nl, agg, w1a, w1b, b1, w2, b2, w3, b3, g, b, out, outb):
    x = nl[...]
    h = jnp.maximum(_dot(x, w1a[...]) + _dot(agg[...], w1b[...]) + b1[...], 0.0)
    h = jnp.maximum(_dot(h, w2[...]) + b2[...], 0.0)
    h = _dot(h, w3[...]) + b3[...]
    y = x + _ln(h, g[...], b[...])
    out[...] = y
    outb[...] = y.astype(jnp.bfloat16)


def _dec_k(nl, wp, pwp, w1, b1, w2, b2, w3, b3, out):
    h = jnp.maximum(_dot(nl[...], w1[...]) + b1[...], 0.0)
    h = jnp.maximum(_dot(h, w2[...]) + b2[...], 0.0)
    acc = _dot(h, w3[...]) + b3[...]
    out[...] = 2.0 * wp[...] + acc - pwp[...]



def _prep_mlp(mlp, fold_std=None, fold_mean=None, out_scale=None,
              out_shift=None):
    (w1, b1), (w2, b2), (w3, b3) = mlp
    w1 = jnp.asarray(w1, jnp.float32)
    b1 = jnp.asarray(b1, jnp.float32)
    if fold_std is not None:
        w1 = w1 / fold_std[:, None]
        b1 = b1 - fold_mean @ w1
    w3 = jnp.asarray(w3, jnp.float32)
    b3 = jnp.asarray(b3, jnp.float32)
    if out_scale is not None:
        w3 = w3 * out_scale[None, :]
        b3 = b3 * out_scale + out_shift
    cast = lambda a: jnp.asarray(a, jnp.bfloat16)
    return (cast(w1), b1[None, :], cast(w2),
            jnp.asarray(b2, jnp.float32)[None, :], cast(w3), b3[None, :])


def kernel(world_pos, prev_world_pos, node_type, cells, mesh_pos, params):
    f32 = jnp.float32
    s0 = jnp.concatenate([cells[:, 0], cells[:, 1], cells[:, 2]])
    r0 = jnp.concatenate([cells[:, 1], cells[:, 2], cells[:, 0]])
    senders = jnp.concatenate([s0, r0]).astype(jnp.int32)
    receivers = jnp.concatenate([r0, s0]).astype(jnp.int32)
    perm = jnp.argsort(receivers)
    rs = receivers[perm]
    ss = senders[perm]
    pad = EP - E
    ss_g = jnp.concatenate([ss, jnp.zeros((pad,), jnp.int32)])
    rs_g = jnp.concatenate([rs, jnp.zeros((pad,), jnp.int32)])
    rs_p = jnp.concatenate([rs, jnp.full((pad,), NP, jnp.int32)])
    rb = jnp.searchsorted(rs_p,
                          jnp.arange(NRANGE + 1, dtype=jnp.int32) * RANGE)
    rb = rb.astype(jnp.int32)
    k = jnp.arange(CAP, dtype=jnp.int32)
    eid2 = rb[:NRANGE, None] + k[None, :]
    valid = eid2 < rb[1:, None]
    eid2 = jnp.where(valid, eid2, EP - 1)
    rvals = rs_p[eid2]
    ridx2 = jnp.where(
        valid,
        rvals - jnp.arange(NRANGE, dtype=jnp.int32)[:, None] * RANGE, TRASH)
    eids_flat = eid2.reshape(-1)
    ridx_flat = ridx2.astype(jnp.int32).reshape(-1)
    zeros_hbm = jnp.zeros((RANGE, LATENT), f32)

    def padn(x, val=0):
        return jnp.concatenate(
            [x, jnp.full((NP - N_NODES,) + x.shape[1:], val, x.dtype)])

    wp_p = padn(world_pos)
    pwp_p = padn(prev_world_pos)
    nt_p = padn(node_type.astype(jnp.int32))
    wpm = jnp.concatenate(
        [world_pos, mesh_pos, jnp.zeros((N_NODES, 123), f32)], axis=1)

    p = params
    nn_std = jnp.asarray(p['node_norm']['std'], f32)
    nn_mean = jnp.asarray(p['node_norm']['mean'], f32)
    en_std = jnp.asarray(p['edge_norm']['std'], f32)
    en_mean = jnp.asarray(p['edge_norm']['mean'], f32)
    on_std = jnp.asarray(p['output_norm']['std'], f32)
    on_mean = jnp.asarray(p['output_norm']['mean'], f32)

    ne_w1, ne_b1, ne_w2, ne_b2, ne_w3, ne_b3 = _prep_mlp(
        p['node_enc']['mlp'], fold_std=nn_std, fold_mean=nn_mean)
    ne_w1v, ne_w1o = ne_w1[:3], ne_w1[3:]
    ne_g, ne_b = (jnp.asarray(a, f32)[None, :] for a in p['node_enc']['ln'])

    ee_w1, ee_b1, ee_w2, ee_b2, ee_w3, ee_b3 = _prep_mlp(
        p['edge_enc']['mlp'], fold_std=en_std, fold_mean=en_mean)
    ee_w1 = jnp.concatenate(
        [ee_w1, jnp.zeros((1, LATENT), jnp.bfloat16)])
    ee_g, ee_b = (jnp.asarray(a, f32)[None, :] for a in p['edge_enc']['ln'])

    def stack(getter):
        return jnp.stack([getter(blk) for blk in p['blocks']])

    bf = jnp.bfloat16
    ew = {
        'w1a': stack(lambda k: jnp.asarray(k['edge']['mlp'][0][0][:128], bf)),
        'w1b': stack(lambda k: jnp.asarray(k['edge']['mlp'][0][0][128:256], bf)),
        'w1c': stack(lambda k: jnp.asarray(k['edge']['mlp'][0][0][256:], bf)),
        'b1': stack(lambda k: k['edge']['mlp'][0][1][None, :]),
        'w2': stack(lambda k: jnp.asarray(k['edge']['mlp'][1][0], bf)),
        'b2': stack(lambda k: k['edge']['mlp'][1][1][None, :]),
        'w3': stack(lambda k: jnp.asarray(k['edge']['mlp'][2][0], bf)),
        'b3': stack(lambda k: k['edge']['mlp'][2][1][None, :]),
        'g': stack(lambda k: k['edge']['ln'][0][None, :]),
        'b': stack(lambda k: k['edge']['ln'][1][None, :]),
    }
    nw = {
        'w1a': stack(lambda k: jnp.asarray(k['node']['mlp'][0][0][:128], bf)),
        'w1b': stack(lambda k: jnp.asarray(k['node']['mlp'][0][0][128:], bf)),
        'b1': stack(lambda k: k['node']['mlp'][0][1][None, :]),
        'w2': stack(lambda k: jnp.asarray(k['node']['mlp'][1][0], bf)),
        'b2': stack(lambda k: k['node']['mlp'][1][1][None, :]),
        'w3': stack(lambda k: jnp.asarray(k['node']['mlp'][2][0], bf)),
        'b3': stack(lambda k: k['node']['mlp'][2][1][None, :]),
        'g': stack(lambda k: k['node']['ln'][0][None, :]),
        'b': stack(lambda k: k['node']['ln'][1][None, :]),
    }
    de_w1, de_b1, de_w2, de_b2, de_w3, de_b3 = _prep_mlp(
        p['dec']['mlp'], out_scale=on_std, out_shift=on_mean)

    gEN = NP // BN
    gEE = EP // BE
    W = pl.BlockSpec(index_map=lambda i: (0, 0))

    node_enc = pl.pallas_call(
        _node_enc_k, grid=(gEN,),
        in_specs=[pl.BlockSpec((BN, 3), lambda i: (i, 0)),
                  pl.BlockSpec((BN, 3), lambda i: (i, 0)),
                  pl.BlockSpec((BN, 1), lambda i: (i, 0))] + [W] * 9,
        out_specs=(pl.BlockSpec((BN, LATENT), lambda i: (i, 0)),
                   pl.BlockSpec((BN, LATENT), lambda i: (i, 0))),
        out_shape=(jax.ShapeDtypeStruct((NP, LATENT), f32),
                   jax.ShapeDtypeStruct((NP, LATENT), jnp.bfloat16)))

    edge_enc = pl.pallas_call(
        _edge_enc_k, grid=(gEE,),
        in_specs=[pl.BlockSpec((BE, LATENT), lambda i: (i, 0)),
                  pl.BlockSpec((BE, LATENT), lambda i: (i, 0))] + [W] * 8,
        out_specs=pl.BlockSpec((BE, LATENT), lambda i: (i, 0)),
        out_shape=jax.ShapeDtypeStruct((EP, LATENT), f32))

    edge_blk = pl.pallas_call(
        _edge_blk_k, grid=(gEE,),
        in_specs=[pl.BlockSpec((BE, LATENT), lambda i: (i, 0))] * 3 + [W] * 10,
        out_specs=pl.BlockSpec((BE, LATENT), lambda i: (i, 0)),
        out_shape=jax.ShapeDtypeStruct((EP, LATENT), f32))

    node_blk = pl.pallas_call(
        _node_blk_k, grid=(gEN,),
        in_specs=[pl.BlockSpec((BN, LATENT), lambda i: (i, 0))] * 2 + [W] * 9,
        out_specs=(pl.BlockSpec((BN, LATENT), lambda i: (i, 0)),
                   pl.BlockSpec((BN, LATENT), lambda i: (i, 0))),
        out_shape=(jax.ShapeDtypeStruct((NP, LATENT), f32),
                   jax.ShapeDtypeStruct((NP, LATENT), jnp.bfloat16)))

    dec = pl.pallas_call(
        _dec_k, grid=(gEN,),
        in_specs=[pl.BlockSpec((BN, LATENT), lambda i: (i, 0)),
                  pl.BlockSpec((BN, 3), lambda i: (i, 0)),
                  pl.BlockSpec((BN, 3), lambda i: (i, 0))] + [W] * 6,
        out_specs=pl.BlockSpec((BN, 3), lambda i: (i, 0)),
        out_shape=jax.ShapeDtypeStruct((NP, 3), f32))

    gather_feat = _make_gather2(N_NODES, LATENT, f32)
    gather_lat = _make_gather2(NP, LATENT, f32)
    segsum = _make_segsum()

    node_lat, node_lat_b = node_enc(wp_p, pwp_p, nt_p, ne_w1v, ne_w1o, ne_b1,
                                    ne_w2, ne_b2, ne_w3, ne_b3, ne_g, ne_b)
    gs8, gr8 = gather_feat(wpm, ss_g, rs_g)
    edge_lat = edge_enc(gs8, gr8, ee_w1, ee_b1, ee_w2, ee_b2, ee_w3, ee_b3,
                        ee_g, ee_b)

    def step(carry, wts):
        e, n = wts
        node_lat, node_lat_b, edge_lat = carry
        gs, gr = gather_lat(node_lat, ss_g, rs_g)
        edge_lat = edge_blk(edge_lat, gs, gr, e['w1a'], e['w1b'], e['w1c'],
                            e['b1'], e['w2'], e['b2'], e['w3'], e['b3'],
                            e['g'], e['b'])
        agg = segsum(edge_lat, eids_flat, ridx_flat, zeros_hbm)
        node_lat, node_lat_b = node_blk(node_lat, agg, n['w1a'], n['w1b'],
                                        n['b1'], n['w2'], n['b2'], n['w3'],
                                        n['b3'], n['g'], n['b'])
        return (node_lat, node_lat_b, edge_lat), None

    (node_lat, node_lat_b, edge_lat), _ = lax.scan(
        step, (node_lat, node_lat_b, edge_lat), (ew, nw))

    pos = dec(node_lat, wp_p, pwp_p, de_w1, de_b1, de_w2, de_b2, de_w3,
              de_b3)
    return pos[:N_NODES]

# --- scband reference (transcript-rebuilt; emitter-appended) ---
"""Pipeline reference for scband-model-7945689497778 (READ-ONLY COPY).

The authoritative reference and input builder live on the scoring server;
editing this copy changes nothing except your own understanding.
"""

import jax, jax.numpy as jnp
import numpy as np

N_NODES = 50000
N_CELLS = 100000
NODE_TYPE_SIZE = 9
LATENT = 128
MP_STEPS = 15
OUTPUT_SIZE = 3


def _mlp_params(key, sizes):
    params = []
    for i in range(len(sizes) - 1):
        key, k1 = jax.random.split(key)
        scale = 1.0 / np.sqrt(sizes[i])
        W = jax.random.normal(k1, (sizes[i], sizes[i + 1]), dtype=jnp.float32) * scale
        b = jnp.zeros((sizes[i + 1],), dtype=jnp.float32)
        params.append((W, b))
    return params


def _ln_params(size):
    return (jnp.ones((size,), jnp.float32), jnp.zeros((size,), jnp.float32))


def _apply_mlp(params, x):
    for W, b in params[:-1]:
        x = jax.nn.relu(x @ W + b)
    W, b = params[-1]
    return x @ W + b


def _apply_ln(ln, x):
    g, b = ln
    mu = jnp.mean(x, axis=-1, keepdims=True)
    var = jnp.var(x, axis=-1, keepdims=True)
    return (x - mu) / jnp.sqrt(var + 1e-5) * g + b


def _normalize(norm, x):
    return (x - norm['mean']) / norm['std']


def _inverse(norm, x):
    return x * norm['std'] + norm['mean']


def _make_params(key):
    ks = jax.random.split(key, 4 + 2 * MP_STEPS)
    p = {}
    p['node_enc'] = {'mlp': _mlp_params(ks[0], [3 + NODE_TYPE_SIZE, LATENT, LATENT, LATENT]), 'ln': _ln_params(LATENT)}
    p['edge_enc'] = {'mlp': _mlp_params(ks[1], [7, LATENT, LATENT, LATENT]), 'ln': _ln_params(LATENT)}
    blocks = []
    for i in range(MP_STEPS):
        blocks.append({
            'edge': {'mlp': _mlp_params(ks[2 + 2 * i], [3 * LATENT, LATENT, LATENT, LATENT]), 'ln': _ln_params(LATENT)},
            'node': {'mlp': _mlp_params(ks[3 + 2 * i], [2 * LATENT, LATENT, LATENT, LATENT]), 'ln': _ln_params(LATENT)},
        })
    p['blocks'] = blocks
    p['dec'] = {'mlp': _mlp_params(ks[2 + 2 * MP_STEPS], [LATENT, LATENT, LATENT, OUTPUT_SIZE])}
    p['node_norm'] = {'mean': jnp.zeros((3 + NODE_TYPE_SIZE,), jnp.float32), 'std': jnp.ones((3 + NODE_TYPE_SIZE,), jnp.float32)}
    p['edge_norm'] = {'mean': jnp.zeros((7,), jnp.float32), 'std': jnp.ones((7,), jnp.float32)}
    p['output_norm'] = {'mean': jnp.zeros((OUTPUT_SIZE,), jnp.float32), 'std': jnp.ones((OUTPUT_SIZE,), jnp.float32)}
    return p


def _triangles_to_edges(cells):
    # edges (0,1),(1,2),(2,0) of each triangle, both directions
    s = jnp.concatenate([cells[:, 0], cells[:, 1], cells[:, 2]])
    r = jnp.concatenate([cells[:, 1], cells[:, 2], cells[:, 0]])
    senders = jnp.concatenate([s, r])
    receivers = jnp.concatenate([r, s])
    return senders, receivers


def setup_inputs(seed: int = 0):
    key = jax.random.key(seed)
    k1, k2, k3, k4, k5, k6 = jax.random.split(key, 6)
    world_pos = jax.random.normal(k1, (N_NODES, 3), dtype=jnp.float32)
    prev_world_pos = world_pos + 0.01 * jax.random.normal(k2, (N_NODES, 3), dtype=jnp.float32)
    node_type = jax.random.randint(k3, (N_NODES, 1), 0, NODE_TYPE_SIZE)
    cells = jax.random.randint(k4, (N_CELLS, 3), 0, N_NODES)
    mesh_pos = jax.random.normal(k5, (N_NODES, 2), dtype=jnp.float32)
    params = _make_params(k6)
    return {'world_pos': world_pos, 'prev_world_pos': prev_world_pos, 'node_type': node_type, 'cells': cells, 'mesh_pos': mesh_pos, 'params': params}


def reference(world_pos, prev_world_pos, node_type, cells, mesh_pos, params):
    # _build_graph (is_training=False)
    velocity = world_pos - prev_world_pos
    one_hot = jax.nn.one_hot(node_type[:, 0], NODE_TYPE_SIZE, dtype=jnp.float32)
    node_features = jnp.concatenate([velocity, one_hot], axis=-1)
    senders, receivers = _triangles_to_edges(cells)
    rel_w = world_pos[senders] - world_pos[receivers]
    rel_m = mesh_pos[senders] - mesh_pos[receivers]
    edge_features = jnp.concatenate([
        rel_w, jnp.linalg.norm(rel_w, axis=-1, keepdims=True),
        rel_m, jnp.linalg.norm(rel_m, axis=-1, keepdims=True)], axis=-1)
    # EncodeProcessDecode: encoder
    node_lat = _apply_ln(params['node_enc']['ln'], _apply_mlp(params['node_enc']['mlp'], _normalize(params['node_norm'], node_features)))
    edge_lat = _apply_ln(params['edge_enc']['ln'], _apply_mlp(params['edge_enc']['mlp'], _normalize(params['edge_norm'], edge_features)))
    # processor: 15 GraphNetBlocks with residuals
    for blk in params['blocks']:
        e_in = jnp.concatenate([edge_lat, node_lat[senders], node_lat[receivers]], axis=-1)
        edge_lat = edge_lat + _apply_ln(blk['edge']['ln'], _apply_mlp(blk['edge']['mlp'], e_in))
        agg = jax.ops.segment_sum(edge_lat, receivers, num_segments=N_NODES)
        n_in = jnp.concatenate([node_lat, agg], axis=-1)
        node_lat = node_lat + _apply_ln(blk['node']['ln'], _apply_mlp(blk['node']['mlp'], n_in))
    # decoder (no layernorm)
    net_out = _apply_mlp(params['dec']['mlp'], node_lat)
    # _update: integrate acceleration
    acceleration = _inverse(params['output_norm'], net_out)
    position = 2 * world_pos + acceleration - prev_world_pos
    return position

if __name__ == "__main__":
    import jax
    _d = setup_inputs()
    print(jax.jit(kernel)(*tuple(_d.values())))

</pallas_src>

<mosaic_0001>
#map = affine_map<(d0, d1) -> (0, 0)>
#map1 = affine_map<(d0, d1) -> (0)>
module attributes {stable_mosaic.version = 14 : i64} {
  func.func @_gather2_body(%arg0: i32, %arg1: i32, %arg2: memref<50000x128xf32, #tpu.memory_space<hbm>>, %arg3: memref<602112xi32, #tpu.memory_space<hbm>>, %arg4: memref<602112xi32, #tpu.memory_space<hbm>>, %arg5: memref<602112x128xf32, #tpu.memory_space<hbm>>, %arg6: memref<602112x128xf32, #tpu.memory_space<hbm>>, %arg7: memref<384x128xf32, #tpu.memory_space<vmem>>, %arg8: memref<18816xi32, #tpu.memory_space<vmem>>, %arg9: memref<18816xi32, #tpu.memory_space<vmem>>, %arg10: memref<!tpu.dma_semaphore, #tpu.memory_space<semaphore_mem>>) attributes {dimension_semantics = [#tpu.dimension_semantics<core_parallel>, #tpu.dimension_semantics<subcore_parallel>], iteration_bounds = array<i64: 2, 16>, scalar_prefetch = 0 : i64, scratch_operands = 4 : i64, tpu.core_type = #tpu.core_type<sc_vector_subcore>, window_params = [{transform_indices = #map}, {transform_indices = #map1}, {transform_indices = #map1}, {transform_indices = #map}, {transform_indices = #map}]} {
    %mul3A = arith.constant 16 : i32
    %mul3A_0 = arith.muli %arg0, %mul3A : i32
    %add3A = arith.addi %mul3A_0, %arg1 : i32
    %mul3A_1 = arith.constant 18816 : i32
    %mul3A_2 = arith.muli %add3A, %mul3A_1 : i32
    "tpu.region"() ({
      %run_scoped3A = tpu.sem_alloc : memref<!tpu.dma_semaphore, #tpu.memory_space<semaphore_mem>>
      %dma_start3A = tpu.memref_slice %arg3[%mul3A_2] : memref<602112xi32, #tpu.memory_space<hbm>> -> memref<18816xi32, #tpu.memory_space<hbm>>
      %dma_start3A_14 = tpu.memref_slice %arg3[%mul3A_2] : memref<602112xi32, #tpu.memory_space<hbm>> -> memref<18816xi32, #tpu.memory_space<hbm>>
      tpu.enqueue_dma source(%dma_start3A_14 : memref<18816xi32, #tpu.memory_space<hbm>>) target(%arg8 : memref<18816xi32, #tpu.memory_space<vmem>>) target_semaphore(%run_scoped3A : memref<!tpu.dma_semaphore, #tpu.memory_space<semaphore_mem>>)
      %dma_wait3A = tpu.memref_slice %arg3[%mul3A_2] : memref<602112xi32, #tpu.memory_space<hbm>> -> memref<18816xi32, #tpu.memory_space<hbm>>
      %dma_wait3A_15 = tpu.memref_slice %arg3[%mul3A_2] : memref<602112xi32, #tpu.memory_space<hbm>> -> memref<18816xi32, #tpu.memory_space<hbm>>
      tpu.wait_dma2 semaphore(%run_scoped3A : memref<!tpu.dma_semaphore, #tpu.memory_space<semaphore_mem>>) src(%dma_wait3A_15 : memref<18816xi32, #tpu.memory_space<hbm>>) dst(%arg8 : memref<18816xi32, #tpu.memory_space<vmem>>)
      tpu.yield
    }) : () -> ()
    "tpu.region"() ({
      %run_scoped3A = tpu.sem_alloc : memref<!tpu.dma_semaphore, #tpu.memory_space<semaphore_mem>>
      %dma_start3A = tpu.memref_slice %arg4[%mul3A_2] : memref<602112xi32, #tpu.memory_space<hbm>> -> memref<18816xi32, #tpu.memory_space<hbm>>
      %dma_start3A_14 = tpu.memref_slice %arg4[%mul3A_2] : memref<602112xi32, #tpu.memory_space<hbm>> -> memref<18816xi32, #tpu.memory_space<hbm>>
      tpu.enqueue_dma source(%dma_start3A_14 : memref<18816xi32, #tpu.memory_space<hbm>>) target(%arg9 : memref<18816xi32, #tpu.memory_space<vmem>>) target_semaphore(%run_scoped3A : memref<!tpu.dma_semaphore, #tpu.memory_space<semaphore_mem>>)
      %dma_wait3A = tpu.memref_slice %arg4[%mul3A_2] : memref<602112xi32, #tpu.memory_space<hbm>> -> memref<18816xi32, #tpu.memory_space<hbm>>
      %dma_wait3A_15 = tpu.memref_slice %arg4[%mul3A_2] : memref<602112xi32, #tpu.memory_space<hbm>> -> memref<18816xi32, #tpu.memory_space<hbm>>
      tpu.wait_dma2 semaphore(%run_scoped3A : memref<!tpu.dma_semaphore, #tpu.memory_space<semaphore_mem>>) src(%dma_wait3A_15 : memref<18816xi32, #tpu.memory_space<hbm>>) dst(%arg9 : memref<18816xi32, #tpu.memory_space<vmem>>)
      tpu.yield
    }) : () -> ()
    %scan3A = arith.constant 0 : i32
    %scan3A_3 = arith.constant 0 : i32
    %scan3A_4 = arith.constant 49 : i32
    %scan3A_5 = arith.addi %scan3A_3, %scan3A_4 : i32
    %scan3A_6 = arith.constant 1 : i32
    scf.for %scan3A_14 = %scan3A_3 to %scan3A_5 step %scan3A_6  : i32 {
      %mul3A_15 = arith.constant 384 : i32
      %mul3A_16 = arith.muli %scan3A_14, %mul3A_15 : i32
      %add3A_17 = arith.constant 0 : i32
      %add3A_18 = arith.addi %mul3A_16, %add3A_17 : i32
      %dma_start3A = arith.constant 0 : i32
      %dma_start3A_19 = arith.constant 0 : i32
      %dma_start3A_20 = tpu.memref_slice %arg7[%dma_start3A, %dma_start3A_19] : memref<384x128xf32, #tpu.memory_space<vmem>> -> memref<128x128xf32, #tpu.memory_space<vmem>>
      %dma_start3A_21 = tpu.memref_slice %arg8[%add3A_18] : memref<18816xi32, #tpu.memory_space<vmem>> -> memref<128xi32, #tpu.memory_space<vmem>>
      %dma_start3A_22 = arith.constant 0 : i32
      %dma_start3A_23 = arith.constant 0 : i32
      %dma_start3A_24 = tpu.memref_slice %arg2[%dma_start3A_22, %dma_start3A_23] : memref<50000x128xf32, #tpu.memory_space<hbm>> -> memref<50000x128xf32, #tpu.memory_space<hbm>>
      tpu.enqueue_indirect_dma source(%dma_start3A_24 : memref<50000x128xf32, #tpu.memory_space<hbm>>) target(%dma_start3A_20 : memref<128x128xf32, #tpu.memory_space<vmem>>) offsets(%dma_start3A_21 : memref<128xi32, #tpu.memory_space<vmem>>) semaphore(%arg10 : memref<!tpu.dma_semaphore, #tpu.memory_space<semaphore_mem>>)
      %add3A_25 = arith.constant 128 : i32
      %add3A_26 = arith.addi %mul3A_16, %add3A_25 : i32
      %dma_start3A_27 = arith.constant 128 : i32
      %dma_start3A_28 = arith.constant 0 : i32
      %dma_start3A_29 = tpu.memref_slice %arg7[%dma_start3A_27, %dma_start3A_28] : memref<384x128xf32, #tpu.memory_space<vmem>> -> memref<128x128xf32, #tpu.memory_space<vmem>>
      %dma_start3A_30 = tpu.memref_slice %arg8[%add3A_26] : memref<18816xi32, #tpu.memory_space<vmem>> -> memref<128xi32, #tpu.memory_space<vmem>>
      %dma_start3A_31 = arith.constant 0 : i32
      %dma_start3A_32 = arith.constant 0 : i32
      %dma_start3A_33 = tpu.memref_slice %arg2[%dma_start3A_31, %dma_start3A_32] : memref<50000x128xf32, #tpu.memory_space<hbm>> -> memref<50000x128xf32, #tpu.memory_space<hbm>>
      tpu.enqueue_indirect_dma source(%dma_start3A_33 : memref<50000x128xf32, #tpu.memory_space<hbm>>) target(%dma_start3A_29 : memref<128x128xf32, #tpu.memory_space<vmem>>) offsets(%dma_start3A_30 : memref<128xi32, #tpu.memory_space<vmem>>) semaphore(%arg10 : memref<!tpu.dma_semaphore, #tpu.memory_space<semaphore_mem>>)
      %add3A_34 = arith.constant 256 : i32
      %add3A_35 = arith.addi %mul3A_16, %add3A_34 : i32
      %dma_start3A_36 = arith.constant 256 : i32
      %dma_start3A_37 = arith.constant 0 : i32
      %dma_start3A_38 = tpu.memref_slice %arg7[%dma_start3A_36, %dma_start3A_37] : memref<384x128xf32, #tpu.memory_space<vmem>> -> memref<128x128xf32, #tpu.memory_space<vmem>>
      %dma_start3A_39 = tpu.memref_slice %arg8[%add3A_35] : memref<18816xi32, #tpu.memory_space<vmem>> -> memref<128xi32, #tpu.memory_space<vmem>>
      %dma_start3A_40 = arith.constant 0 : i32
      %dma_start3A_41 = arith.constant 0 : i32
      %dma_start3A_42 = tpu.memref_slice %arg2[%dma_start3A_40, %dma_start3A_41] : memref<50000x128xf32, #tpu.memory_space<hbm>> -> memref<50000x128xf32, #tpu.memory_space<hbm>>
      tpu.enqueue_indirect_dma source(%dma_start3A_42 : memref<50000x128xf32, #tpu.memory_space<hbm>>) target(%dma_start3A_38 : memref<128x128xf32, #tpu.memory_space<vmem>>) offsets(%dma_start3A_39 : memref<128xi32, #tpu.memory_space<vmem>>) semaphore(%arg10 : memref<!tpu.dma_semaphore, #tpu.memory_space<semaphore_mem>>)
      %dma_wait3A = arith.constant 0 : i32
      %dma_wait3A_43 = arith.constant 0 : i32
      %dma_wait3A_44 = tpu.memref_slice %arg7[%dma_wait3A, %dma_wait3A_43] : memref<384x128xf32, #tpu.memory_space<vmem>> -> memref<128x128xf32, #tpu.memory_space<vmem>>
      %dma_wait3A_45 = tpu.memref_slice %arg8[%add3A_18] : memref<18816xi32, #tpu.memory_space<vmem>> -> memref<128xi32, #tpu.memory_space<vmem>>
      %dma_wait3A_46 = arith.constant 0 : i32
      %dma_wait3A_47 = arith.constant 0 : i32
      %dma_wait3A_48 = tpu.memref_slice %arg2[%dma_wait3A_46, %dma_wait3A_47] : memref<50000x128xf32, #tpu.memory_space<hbm>> -> memref<50000x128xf32, #tpu.memory_space<hbm>>
      tpu.wait_indirect_dma semaphore(%arg10 : memref<!tpu.dma_semaphore, #tpu.memory_space<semaphore_mem>>) src(%dma_wait3A_48 : memref<50000x128xf32, #tpu.memory_space<hbm>>) dst(%dma_wait3A_44 : memref<128x128xf32, #tpu.memory_space<vmem>>)
      %dma_wait3A_49 = arith.constant 128 : i32
      %dma_wait3A_50 = arith.constant 0 : i32
      %dma_wait3A_51 = tpu.memref_slice %arg7[%dma_wait3A_49, %dma_wait3A_50] : memref<384x128xf32, #tpu.memory_space<vmem>> -> memref<128x128xf32, #tpu.memory_space<vmem>>
      %dma_wait3A_52 = tpu.memref_slice %arg8[%add3A_26] : memref<18816xi32, #tpu.memory_space<vmem>> -> memref<128xi32, #tpu.memory_space<vmem>>
      %dma_wait3A_53 = arith.constant 0 : i32
      %dma_wait3A_54 = arith.constant 0 : i32
      %dma_wait3A_55 = tpu.memref_slice %arg2[%dma_wait3A_53, %dma_wait3A_54] : memref<50000x128xf32, #tpu.memory_space<hbm>> -> memref<50000x128xf32, #tpu.memory_space<hbm>>
      tpu.wait_indirect_dma semaphore(%arg10 : memref<!tpu.dma_semaphore, #tpu.memory_space<semaphore_mem>>) src(%dma_wait3A_55 : memref<50000x128xf32, #tpu.memory_space<hbm>>) dst(%dma_wait3A_51 : memref<128x128xf32, #tpu.memory_space<vmem>>)
      %dma_wait3A_56 = arith.constant 256 : i32
      %dma_wait3A_57 = arith.constant 0 : i32
      %dma_wait3A_58 = tpu.memref_slice %arg7[%dma_wait3A_56, %dma_wait3A_57] : memref<384x128xf32, #tpu.memory_space<vmem>> -> memref<128x128xf32, #tpu.memory_space<vmem>>
      %dma_wait3A_59 = tpu.memref_slice %arg8[%add3A_35] : memref<18816xi32, #tpu.memory_space<vmem>> -> memref<128xi32, #tpu.memory_space<vmem>>
      %dma_wait3A_60 = arith.constant 0 : i32
      %dma_wait3A_61 = arith.constant 0 : i32
      %dma_wait3A_62 = tpu.memref_slice %arg2[%dma_wait3A_60, %dma_wait3A_61] : memref<50000x128xf32, #tpu.memory_space<hbm>> -> memref<50000x128xf32, #tpu.memory_space<hbm>>
      tpu.wait_indirect_dma semaphore(%arg10 : memref<!tpu.dma_semaphore, #tpu.memory_space<semaphore_mem>>) src(%dma_wait3A_62 : memref<50000x128xf32, #tpu.memory_space<hbm>>) dst(%dma_wait3A_58 : memref<128x128xf32, #tpu.memory_space<vmem>>)
      %add3A_63 = arith.addi %mul3A_2, %mul3A_16 : i32
      "tpu.region"() ({
        %run_scoped3A = tpu.sem_alloc : memref<!tpu.dma_semaphore, #tpu.memory_space<semaphore_mem>>
        %dma_start3A_64 = arith.constant 0 : i32
        %dma_start3A_65 = tpu.memref_slice %arg5[%add3A_63, %dma_start3A_64] : memref<602112x128xf32, #tpu.memory_space<hbm>> -> memref<384x128xf32, #tpu.memory_space<hbm>>
        %dma_start3A_66 = arith.constant 0 : i32
        %dma_start3A_67 = tpu.memref_slice %arg5[%add3A_63, %dma_start3A_66] : memref<602112x128xf32, #tpu.memory_space<hbm>> -> memref<384x128xf32, #tpu.memory_space<hbm>>
        tpu.enqueue_dma source(%arg7 : memref<384x128xf32, #tpu.memory_space<vmem>>) target(%dma_start3A_67 : memref<384x128xf32, #tpu.memory_space<hbm>>) target_semaphore(%run_scoped3A : memref<!tpu.dma_semaphore, #tpu.memory_space<semaphore_mem>>)
        %dma_wait3A_68 = arith.constant 0 : i32
        %dma_wait3A_69 = tpu.memref_slice %arg5[%add3A_63, %dma_wait3A_68] : memref<602112x128xf32, #tpu.memory_space<hbm>> -> memref<384x128xf32, #tpu.memory_space<hbm>>
        %dma_wait3A_70 = arith.constant 0 : i32
        %dma_wait3A_71 = tpu.memref_slice %arg5[%add3A_63, %dma_wait3A_70] : memref<602112x128xf32, #tpu.memory_space<hbm>> -> memref<384x128xf32, #tpu.memory_space<hbm>>
        tpu.wait_dma2 semaphore(%run_scoped3A : memref<!tpu.dma_semaphore, #tpu.memory_space<semaphore_mem>>) src(%arg7 : memref<384x128xf32, #tpu.memory_space<vmem>>) dst(%dma_wait3A_71 : memref<384x128xf32, #tpu.memory_space<hbm>>)
        tpu.yield
      }) : () -> ()
    }
    %scan3A_7 = arith.constant 49 : i32
    %scan3A_8 = arith.constant 0 : i32
    %scan3A_9 = arith.constant 0 : i32
    %scan3A_10 = arith.constant 49 : i32
    %scan3A_11 = arith.addi %scan3A_9, %scan3A_10 : i32
    %scan3A_12 = arith.constant 1 : i32
    scf.for %scan3A_14 = %scan3A_9 to %scan3A_11 step %scan3A_12  : i32 {
      %mul3A_15 = arith.constant 384 : i32
      %mul3A_16 = arith.muli %scan3A_14, %mul3A_15 : i32
      %add3A_17 = arith.constant 0 : i32
      %add3A_18 = arith.addi %mul3A_16, %add3A_17 : i32
      %dma_start3A = arith.constant 0 : i32
      %dma_start3A_19 = arith.constant 0 : i32
      %dma_start3A_20 = tpu.memref_slice %arg7[%dma_start3A, %dma_start3A_19] : memref<384x128xf32, #tpu.memory_space<vmem>> -> memref<128x128xf32, #tpu.memory_space<vmem>>
      %dma_start3A_21 = tpu.memref_slice %arg9[%add3A_18] : memref<18816xi32, #tpu.memory_space<vmem>> -> memref<128xi32, #tpu.memory_space<vmem>>
      %dma_start3A_22 = arith.constant 0 : i32
      %dma_start3A_23 = arith.constant 0 : i32
      %dma_start3A_24 = tpu.memref_slice %arg2[%dma_start3A_22, %dma_start3A_23] : memref<50000x128xf32, #tpu.memory_space<hbm>> -> memref<50000x128xf32, #tpu.memory_space<hbm>>
      tpu.enqueue_indirect_dma source(%dma_start3A_24 : memref<50000x128xf32, #tpu.memory_space<hbm>>) target(%dma_start3A_20 : memref<128x128xf32, #tpu.memory_space<vmem>>) offsets(%dma_start3A_21 : memref<128xi32, #tpu.memory_space<vmem>>) semaphore(%arg10 : memref<!tpu.dma_semaphore, #tpu.memory_space<semaphore_mem>>)
      %add3A_25 = arith.constant 128 : i32
      %add3A_26 = arith.addi %mul3A_16, %add3A_25 : i32
      %dma_start3A_27 = arith.constant 128 : i32
      %dma_start3A_28 = arith.constant 0 : i32
      %dma_start3A_29 = tpu.memref_slice %arg7[%dma_start3A_27, %dma_start3A_28] : memref<384x128xf32, #tpu.memory_space<vmem>> -> memref<128x128xf32, #tpu.memory_space<vmem>>
      %dma_start3A_30 = tpu.memref_slice %arg9[%add3A_26] : memref<18816xi32, #tpu.memory_space<vmem>> -> memref<128xi32, #tpu.memory_space<vmem>>
      %dma_start3A_31 = arith.constant 0 : i32
      %dma_start3A_32 = arith.constant 0 : i32
      %dma_start3A_33 = tpu.memref_slice %arg2[%dma_start3A_31, %dma_start3A_32] : memref<50000x128xf32, #tpu.memory_space<hbm>> -> memref<50000x128xf32, #tpu.memory_space<hbm>>
      tpu.enqueue_indirect_dma source(%dma_start3A_33 : memref<50000x128xf32, #tpu.memory_space<hbm>>) target(%dma_start3A_29 : memref<128x128xf32, #tpu.memory_space<vmem>>) offsets(%dma_start3A_30 : memref<128xi32, #tpu.memory_space<vmem>>) semaphore(%arg10 : memref<!tpu.dma_semaphore, #tpu.memory_space<semaphore_mem>>)
      %add3A_34 = arith.constant 256 : i32
      %add3A_35 = arith.addi %mul3A_16, %add3A_34 : i32
      %dma_start3A_36 = arith.constant 256 : i32
      %dma_start3A_37 = arith.constant 0 : i32
      %dma_start3A_38 = tpu.memref_slice %arg7[%dma_start3A_36, %dma_start3A_37] : memref<384x128xf32, #tpu.memory_space<vmem>> -> memref<128x128xf32, #tpu.memory_space<vmem>>
      %dma_start3A_39 = tpu.memref_slice %arg9[%add3A_35] : memref<18816xi32, #tpu.memory_space<vmem>> -> memref<128xi32, #tpu.memory_space<vmem>>
      %dma_start3A_40 = arith.constant 0 : i32
      %dma_start3A_41 = arith.constant 0 : i32
      %dma_start3A_42 = tpu.memref_slice %arg2[%dma_start3A_40, %dma_start3A_41] : memref<50000x128xf32, #tpu.memory_space<hbm>> -> memref<50000x128xf32, #tpu.memory_space<hbm>>
      tpu.enqueue_indirect_dma source(%dma_start3A_42 : memref<50000x128xf32, #tpu.memory_space<hbm>>) target(%dma_start3A_38 : memref<128x128xf32, #tpu.memory_space<vmem>>) offsets(%dma_start3A_39 : memref<128xi32, #tpu.memory_space<vmem>>) semaphore(%arg10 : memref<!tpu.dma_semaphore, #tpu.memory_space<semaphore_mem>>)
      %dma_wait3A = arith.constant 0 : i32
      %dma_wait3A_43 = arith.constant 0 : i32
      %dma_wait3A_44 = tpu.memref_slice %arg7[%dma_wait3A, %dma_wait3A_43] : memref<384x128xf32, #tpu.memory_space<vmem>> -> memref<128x128xf32, #tpu.memory_space<vmem>>
      %dma_wait3A_45 = tpu.memref_slice %arg9[%add3A_18] : memref<18816xi32, #tpu.memory_space<vmem>> -> memref<128xi32, #tpu.memory_space<vmem>>
      %dma_wait3A_46 = arith.constant 0 : i32
      %dma_wait3A_47 = arith.constant 0 : i32
      %dma_wait3A_48 = tpu.memref_slice %arg2[%dma_wait3A_46, %dma_wait3A_47] : memref<50000x128xf32, #tpu.memory_space<hbm>> -> memref<50000x128xf32, #tpu.memory_space<hbm>>
      tpu.wait_indirect_dma semaphore(%arg10 : memref<!tpu.dma_semaphore, #tpu.memory_space<semaphore_mem>>) src(%dma_wait3A_48 : memref<50000x128xf32, #tpu.memory_space<hbm>>) dst(%dma_wait3A_44 : memref<128x128xf32, #tpu.memory_space<vmem>>)
      %dma_wait3A_49 = arith.constant 128 : i32
      %dma_wait3A_50 = arith.constant 0 : i32
      %dma_wait3A_51 = tpu.memref_slice %arg7[%dma_wait3A_49, %dma_wait3A_50] : memref<384x128xf32, #tpu.memory_space<vmem>> -> memref<128x128xf32, #tpu.memory_space<vmem>>
      %dma_wait3A_52 = tpu.memref_slice %arg9[%add3A_26] : memref<18816xi32, #tpu.memory_space<vmem>> -> memref<128xi32, #tpu.memory_space<vmem>>
      %dma_wait3A_53 = arith.constant 0 : i32
      %dma_wait3A_54 = arith.constant 0 : i32
      %dma_wait3A_55 = tpu.memref_slice %arg2[%dma_wait3A_53, %dma_wait3A_54] : memref<50000x128xf32, #tpu.memory_space<hbm>> -> memref<50000x128xf32, #tpu.memory_space<hbm>>
      tpu.wait_indirect_dma semaphore(%arg10 : memref<!tpu.dma_semaphore, #tpu.memory_space<semaphore_mem>>) src(%dma_wait3A_55 : memref<50000x128xf32, #tpu.memory_space<hbm>>) dst(%dma_wait3A_51 : memref<128x128xf32, #tpu.memory_space<vmem>>)
      %dma_wait3A_56 = arith.constant 256 : i32
      %dma_wait3A_57 = arith.constant 0 : i32
      %dma_wait3A_58 = tpu.memref_slice %arg7[%dma_wait3A_56, %dma_wait3A_57] : memref<384x128xf32, #tpu.memory_space<vmem>> -> memref<128x128xf32, #tpu.memory_space<vmem>>
      %dma_wait3A_59 = tpu.memref_slice %arg9[%add3A_35] : memref<18816xi32, #tpu.memory_space<vmem>> -> memref<128xi32, #tpu.memory_space<vmem>>
      %dma_wait3A_60 = arith.constant 0 : i32
      %dma_wait3A_61 = arith.constant 0 : i32
      %dma_wait3A_62 = tpu.memref_slice %arg2[%dma_wait3A_60, %dma_wait3A_61] : memref<50000x128xf32, #tpu.memory_space<hbm>> -> memref<50000x128xf32, #tpu.memory_space<hbm>>
      tpu.wait_indirect_dma semaphore(%arg10 : memref<!tpu.dma_semaphore, #tpu.memory_space<semaphore_mem>>) src(%dma_wait3A_62 : memref<50000x128xf32, #tpu.memory_space<hbm>>) dst(%dma_wait3A_58 : memref<128x128xf32, #tpu.memory_space<vmem>>)
      %add3A_63 = arith.addi %mul3A_2, %mul3A_16 : i32
      "tpu.region"() ({
        %run_scoped3A = tpu.sem_alloc : memref<!tpu.dma_semaphore, #tpu.memory_space<semaphore_mem>>
        %dma_start3A_64 = arith.constant 0 : i32
        %dma_start3A_65 = tpu.memref_slice %arg6[%add3A_63, %dma_start3A_64] : memref<602112x128xf32, #tpu.memory_space<hbm>> -> memref<384x128xf32, #tpu.memory_space<hbm>>
        %dma_start3A_66 = arith.constant 0 : i32
        %dma_start3A_67 = tpu.memref_slice %arg6[%add3A_63, %dma_start3A_66] : memref<602112x128xf32, #tpu.memory_space<hbm>> -> memref<384x128xf32, #tpu.memory_space<hbm>>
        tpu.enqueue_dma source(%arg7 : memref<384x128xf32, #tpu.memory_space<vmem>>) target(%dma_start3A_67 : memref<384x128xf32, #tpu.memory_space<hbm>>) target_semaphore(%run_scoped3A : memref<!tpu.dma_semaphore, #tpu.memory_space<semaphore_mem>>)
        %dma_wait3A_68 = arith.constant 0 : i32
        %dma_wait3A_69 = tpu.memref_slice %arg6[%add3A_63, %dma_wait3A_68] : memref<602112x128xf32, #tpu.memory_space<hbm>> -> memref<384x128xf32, #tpu.memory_space<hbm>>
        %dma_wait3A_70 = arith.constant 0 : i32
        %dma_wait3A_71 = tpu.memref_slice %arg6[%add3A_63, %dma_wait3A_70] : memref<602112x128xf32, #tpu.memory_space<hbm>> -> memref<384x128xf32, #tpu.memory_space<hbm>>
        tpu.wait_dma2 semaphore(%run_scoped3A : memref<!tpu.dma_semaphore, #tpu.memory_space<semaphore_mem>>) src(%arg7 : memref<384x128xf32, #tpu.memory_space<vmem>>) dst(%dma_wait3A_71 : memref<384x128xf32, #tpu.memory_space<hbm>>)
        tpu.yield
      }) : () -> ()
    }
    %scan3A_13 = arith.constant 49 : i32
    return
  }
}

#map = affine_map<(d0, d1) -> (0, 0)>
#map1 = affine_map<(d0, d1) -> (0)>
module attributes {stable_mosaic.version = 14 : i64} {
  func.func @_gather2_body(%arg0: i32, %arg1: i32, %arg2: memref<51200x128xf32, #tpu.memory_space<hbm>>, %arg3: memref<602112xi32, #tpu.memory_space<hbm>>, %arg4: memref<602112xi32, #tpu.memory_space<hbm>>, %arg5: memref<602112x128xf32, #tpu.memory_space<hbm>>, %arg6: memref<602112x128xf32, #tpu.memory_space<hbm>>, %arg7: memref<384x128xf32, #tpu.memory_space<vmem>>, %arg8: memref<18816xi32, #tpu.memory_space<vmem>>, %arg9: memref<18816xi32, #tpu.memory_space<vmem>>, %arg10: memref<!tpu.dma_semaphore, #tpu.memory_space<semaphore_mem>>) attributes {dimension_semantics = [#tpu.dimension_semantics<core_parallel>, #tpu.dimension_semantics<subcore_parallel>], iteration_bounds = array<i64: 2, 16>, scalar_prefetch = 0 : i64, scratch_operands = 4 : i64, tpu.core_type = #tpu.core_type<sc_vector_subcore>, window_params = [{transform_indices = #map}, {transform_indices = #map1}, {transform_indices = #map1}, {transform_indices = #map}, {transform_indices = #map}]} {
    %mul3A = arith.constant 16 : i32
    %mul3A_0 = arith.muli %arg0, %mul3A : i32
    %add3A = arith.addi %mul3A_0, %arg1 : i32
    %mul3A_1 = arith.constant 18816 : i32
    %mul3A_2 = arith.muli %add3A, %mul3A_1 : i32
    "tpu.region"() ({
      %run_scoped3A = tpu.sem_alloc : memref<!tpu.dma_semaphore, #tpu.memory_space<semaphore_mem>>
      %dma_start3A = tpu.memref_slice %arg3[%mul3A_2] : memref<602112xi32, #tpu.memory_space<hbm>> -> memref<18816xi32, #tpu.memory_space<hbm>>
      %dma_start3A_14 = tpu.memref_slice %arg3[%mul3A_2] : memref<602112xi32, #tpu.memory_space<hbm>> -> memref<18816xi32, #tpu.memory_space<hbm>>
      tpu.enqueue_dma source(%dma_start3A_14 : memref<18816xi32, #tpu.memory_space<hbm>>) target(%arg8 : memref<18816xi32, #tpu.memory_space<vmem>>) target_semaphore(%run_scoped3A : memref<!tpu.dma_semaphore, #tpu.memory_space<semaphore_mem>>)
      %dma_wait3A = tpu.memref_slice %arg3[%mul3A_2] : memref<602112xi32, #tpu.memory_space<hbm>> -> memref<18816xi32, #tpu.memory_space<hbm>>
      %dma_wait3A_15 = tpu.memref_slice %arg3[%mul3A_2] : memref<602112xi32, #tpu.memory_space<hbm>> -> memref<18816xi32, #tpu.memory_space<hbm>>
      tpu.wait_dma2 semaphore(%run_scoped3A : memref<!tpu.dma_semaphore, #tpu.memory_space<semaphore_mem>>) src(%dma_wait3A_15 : memref<18816xi32, #tpu.memory_space<hbm>>) dst(%arg8 : memref<18816xi32, #tpu.memory_space<vmem>>)
      tpu.yield
    }) : () -> ()
    "tpu.region"() ({
      %run_scoped3A = tpu.sem_alloc : memref<!tpu.dma_semaphore, #tpu.memory_space<semaphore_mem>>
      %dma_start3A = tpu.memref_slice %arg4[%mul3A_2] : memref<602112xi32, #tpu.memory_space<hbm>> -> memref<18816xi32, #tpu.memory_space<hbm>>
      %dma_start3A_14 = tpu.memref_slice %arg4[%mul3A_2] : memref<602112xi32, #tpu.memory_space<hbm>> -> memref<18816xi32, #tpu.memory_space<hbm>>
      tpu.enqueue_dma source(%dma_start3A_14 : memref<18816xi32, #tpu.memory_space<hbm>>) target(%arg9 : memref<18816xi32, #tpu.memory_space<vmem>>) target_semaphore(%run_scoped3A : memref<!tpu.dma_semaphore, #tpu.memory_space<semaphore_mem>>)
      %dma_wait3A = tpu.memref_slice %arg4[%mul3A_2] : memref<602112xi32, #tpu.memory_space<hbm>> -> memref<18816xi32, #tpu.memory_space<hbm>>
      %dma_wait3A_15 = tpu.memref_slice %arg4[%mul3A_2] : memref<602112xi32, #tpu.memory_space<hbm>> -> memref<18816xi32, #tpu.memory_space<hbm>>
      tpu.wait_dma2 semaphore(%run_scoped3A : memref<!tpu.dma_semaphore, #tpu.memory_space<semaphore_mem>>) src(%dma_wait3A_15 : memref<18816xi32, #tpu.memory_space<hbm>>) dst(%arg9 : memref<18816xi32, #tpu.memory_space<vmem>>)
      tpu.yield
    }) : () -> ()
    %scan3A = arith.constant 0 : i32
    %scan3A_3 = arith.constant 0 : i32
    %scan3A_4 = arith.constant 49 : i32
    %scan3A_5 = arith.addi %scan3A_3, %scan3A_4 : i32
    %scan3A_6 = arith.constant 1 : i32
    scf.for %scan3A_14 = %scan3A_3 to %scan3A_5 step %scan3A_6  : i32 {
      %mul3A_15 = arith.constant 384 : i32
      %mul3A_16 = arith.muli %scan3A_14, %mul3A_15 : i32
      %add3A_17 = arith.constant 0 : i32
      %add3A_18 = arith.addi %mul3A_16, %add3A_17 : i32
      %dma_start3A = arith.constant 0 : i32
      %dma_start3A_19 = arith.constant 0 : i32
      %dma_start3A_20 = tpu.memref_slice %arg7[%dma_start3A, %dma_start3A_19] : memref<384x128xf32, #tpu.memory_space<vmem>> -> memref<128x128xf32, #tpu.memory_space<vmem>>
      %dma_start3A_21 = tpu.memref_slice %arg8[%add3A_18] : memref<18816xi32, #tpu.memory_space<vmem>> -> memref<128xi32, #tpu.memory_space<vmem>>
      %dma_start3A_22 = arith.constant 0 : i32
      %dma_start3A_23 = arith.constant 0 : i32
      %dma_start3A_24 = tpu.memref_slice %arg2[%dma_start3A_22, %dma_start3A_23] : memref<51200x128xf32, #tpu.memory_space<hbm>> -> memref<51200x128xf32, #tpu.memory_space<hbm>>
      tpu.enqueue_indirect_dma source(%dma_start3A_24 : memref<51200x128xf32, #tpu.memory_space<hbm>>) target(%dma_start3A_20 : memref<128x128xf32, #tpu.memory_space<vmem>>) offsets(%dma_start3A_21 : memref<128xi32, #tpu.memory_space<vmem>>) semaphore(%arg10 : memref<!tpu.dma_semaphore, #tpu.memory_space<semaphore_mem>>)
      %add3A_25 = arith.constant 128 : i32
      %add3A_26 = arith.addi %mul3A_16, %add3A_25 : i32
      %dma_start3A_27 = arith.constant 128 : i32
      %dma_start3A_28 = arith.constant 0 : i32
      %dma_start3A_29 = tpu.memref_slice %arg7[%dma_start3A_27, %dma_start3A_28] : memref<384x128xf32, #tpu.memory_space<vmem>> -> memref<128x128xf32, #tpu.memory_space<vmem>>
      %dma_start3A_30 = tpu.memref_slice %arg8[%add3A_26] : memref<18816xi32, #tpu.memory_space<vmem>> -> memref<128xi32, #tpu.memory_space<vmem>>
      %dma_start3A_31 = arith.constant 0 : i32
      %dma_start3A_32 = arith.constant 0 : i32
      %dma_start3A_33 = tpu.memref_slice %arg2[%dma_start3A_31, %dma_start3A_32] : memref<51200x128xf32, #tpu.memory_space<hbm>> -> memref<51200x128xf32, #tpu.memory_space<hbm>>
      tpu.enqueue_indirect_dma source(%dma_start3A_33 : memref<51200x128xf32, #tpu.memory_space<hbm>>) target(%dma_start3A_29 : memref<128x128xf32, #tpu.memory_space<vmem>>) offsets(%dma_start3A_30 : memref<128xi32, #tpu.memory_space<vmem>>) semaphore(%arg10 : memref<!tpu.dma_semaphore, #tpu.memory_space<semaphore_mem>>)
      %add3A_34 = arith.constant 256 : i32
      %add3A_35 = arith.addi %mul3A_16, %add3A_34 : i32
      %dma_start3A_36 = arith.constant 256 : i32
      %dma_start3A_37 = arith.constant 0 : i32
      %dma_start3A_38 = tpu.memref_slice %arg7[%dma_start3A_36, %dma_start3A_37] : memref<384x128xf32, #tpu.memory_space<vmem>> -> memref<128x128xf32, #tpu.memory_space<vmem>>
      %dma_start3A_39 = tpu.memref_slice %arg8[%add3A_35] : memref<18816xi32, #tpu.memory_space<vmem>> -> memref<128xi32, #tpu.memory_space<vmem>>
      %dma_start3A_40 = arith.constant 0 : i32
      %dma_start3A_41 = arith.constant 0 : i32
      %dma_start3A_42 = tpu.memref_slice %arg2[%dma_start3A_40, %dma_start3A_41] : memref<51200x128xf32, #tpu.memory_space<hbm>> -> memref<51200x128xf32, #tpu.memory_space<hbm>>
      tpu.enqueue_indirect_dma source(%dma_start3A_42 : memref<51200x128xf32, #tpu.memory_space<hbm>>) target(%dma_start3A_38 : memref<128x128xf32, #tpu.memory_space<vmem>>) offsets(%dma_start3A_39 : memref<128xi32, #tpu.memory_space<vmem>>) semaphore(%arg10 : memref<!tpu.dma_semaphore, #tpu.memory_space<semaphore_mem>>)
      %dma_wait3A = arith.constant 0 : i32
      %dma_wait3A_43 = arith.constant 0 : i32
      %dma_wait3A_44 = tpu.memref_slice %arg7[%dma_wait3A, %dma_wait3A_43] : memref<384x128xf32, #tpu.memory_space<vmem>> -> memref<128x128xf32, #tpu.memory_space<vmem>>
      %dma_wait3A_45 = tpu.memref_slice %arg8[%add3A_18] : memref<18816xi32, #tpu.memory_space<vmem>> -> memref<128xi32, #tpu.memory_space<vmem>>
      %dma_wait3A_46 = arith.constant 0 : i32
      %dma_wait3A_47 = arith.constant 0 : i32
      %dma_wait3A_48 = tpu.memref_slice %arg2[%dma_wait3A_46, %dma_wait3A_47] : memref<51200x128xf32, #tpu.memory_space<hbm>> -> memref<51200x128xf32, #tpu.memory_space<hbm>>
      tpu.wait_indirect_dma semaphore(%arg10 : memref<!tpu.dma_semaphore, #tpu.memory_space<semaphore_mem>>) src(%dma_wait3A_48 : memref<51200x128xf32, #tpu.memory_space<hbm>>) dst(%dma_wait3A_44 : memref<128x128xf32, #tpu.memory_space<vmem>>)
      %dma_wait3A_49 = arith.constant 128 : i32
      %dma_wait3A_50 = arith.constant 0 : i32
      %dma_wait3A_51 = tpu.memref_slice %arg7[%dma_wait3A_49, %dma_wait3A_50] : memref<384x128xf32, #tpu.memory_space<vmem>> -> memref<128x128xf32, #tpu.memory_space<vmem>>
      %dma_wait3A_52 = tpu.memref_slice %arg8[%add3A_26] : memref<18816xi32, #tpu.memory_space<vmem>> -> memref<128xi32, #tpu.memory_space<vmem>>
      %dma_wait3A_53 = arith.constant 0 : i32
      %dma_wait3A_54 = arith.constant 0 : i32
      %dma_wait3A_55 = tpu.memref_slice %arg2[%dma_wait3A_53, %dma_wait3A_54] : memref<51200x128xf32, #tpu.memory_space<hbm>> -> memref<51200x128xf32, #tpu.memory_space<hbm>>
      tpu.wait_indirect_dma semaphore(%arg10 : memref<!tpu.dma_semaphore, #tpu.memory_space<semaphore_mem>>) src(%dma_wait3A_55 : memref<51200x128xf32, #tpu.memory_space<hbm>>) dst(%dma_wait3A_51 : memref<128x128xf32, #tpu.memory_space<vmem>>)
      %dma_wait3A_56 = arith.constant 256 : i32
      %dma_wait3A_57 = arith.constant 0 : i32
      %dma_wait3A_58 = tpu.memref_slice %arg7[%dma_wait3A_56, %dma_wait3A_57] : memref<384x128xf32, #tpu.memory_space<vmem>> -> memref<128x128xf32, #tpu.memory_space<vmem>>
      %dma_wait3A_59 = tpu.memref_slice %arg8[%add3A_35] : memref<18816xi32, #tpu.memory_space<vmem>> -> memref<128xi32, #tpu.memory_space<vmem>>
      %dma_wait3A_60 = arith.constant 0 : i32
      %dma_wait3A_61 = arith.constant 0 : i32
      %dma_wait3A_62 = tpu.memref_slice %arg2[%dma_wait3A_60, %dma_wait3A_61] : memref<51200x128xf32, #tpu.memory_space<hbm>> -> memref<51200x128xf32, #tpu.memory_space<hbm>>
      tpu.wait_indirect_dma semaphore(%arg10 : memref<!tpu.dma_semaphore, #tpu.memory_space<semaphore_mem>>) src(%dma_wait3A_62 : memref<51200x128xf32, #tpu.memory_space<hbm>>) dst(%dma_wait3A_58 : memref<128x128xf32, #tpu.memory_space<vmem>>)
      %add3A_63 = arith.addi %mul3A_2, %mul3A_16 : i32
      "tpu.region"() ({
        %run_scoped3A = tpu.sem_alloc : memref<!tpu.dma_semaphore, #tpu.memory_space<semaphore_mem>>
        %dma_start3A_64 = arith.constant 0 : i32
        %dma_start3A_65 = tpu.memref_slice %arg5[%add3A_63, %dma_start3A_64] : memref<602112x128xf32, #tpu.memory_space<hbm>> -> memref<384x128xf32, #tpu.memory_space<hbm>>
        %dma_start3A_66 = arith.constant 0 : i32
        %dma_start3A_67 = tpu.memref_slice %arg5[%add3A_63, %dma_start3A_66] : memref<602112x128xf32, #tpu.memory_space<hbm>> -> memref<384x128xf32, #tpu.memory_space<hbm>>
        tpu.enqueue_dma source(%arg7 : memref<384x128xf32, #tpu.memory_space<vmem>>) target(%dma_start3A_67 : memref<384x128xf32, #tpu.memory_space<hbm>>) target_semaphore(%run_scoped3A : memref<!tpu.dma_semaphore, #tpu.memory_space<semaphore_mem>>)
        %dma_wait3A_68 = arith.constant 0 : i32
        %dma_wait3A_69 = tpu.memref_slice %arg5[%add3A_63, %dma_wait3A_68] : memref<602112x128xf32, #tpu.memory_space<hbm>> -> memref<384x128xf32, #tpu.memory_space<hbm>>
        %dma_wait3A_70 = arith.constant 0 : i32
        %dma_wait3A_71 = tpu.memref_slice %arg5[%add3A_63, %dma_wait3A_70] : memref<602112x128xf32, #tpu.memory_space<hbm>> -> memref<384x128xf32, #tpu.memory_space<hbm>>
        tpu.wait_dma2 semaphore(%run_scoped3A : memref<!tpu.dma_semaphore, #tpu.memory_space<semaphore_mem>>) src(%arg7 : memref<384x128xf32, #tpu.memory_space<vmem>>) dst(%dma_wait3A_71 : memref<384x128xf32, #tpu.memory_space<hbm>>)
        tpu.yield
      }) : () -> ()
    }
    %scan3A_7 = arith.constant 49 : i32
    %scan3A_8 = arith.constant 0 : i32
    %scan3A_9 = arith.constant 0 : i32
    %scan3A_10 = arith.constant 49 : i32
    %scan3A_11 = arith.addi %scan3A_9, %scan3A_10 : i32
    %scan3A_12 = arith.constant 1 : i32
    scf.for %scan3A_14 = %scan3A_9 to %scan3A_11 step %scan3A_12  : i32 {
      %mul3A_15 = arith.constant 384 : i32
      %mul3A_16 = arith.muli %scan3A_14, %mul3A_15 : i32
      %add3A_17 = arith.constant 0 : i32
      %add3A_18 = arith.addi %mul3A_16, %add3A_17 : i32
      %dma_start3A = arith.constant 0 : i32
      %dma_start3A_19 = arith.constant 0 : i32
      %dma_start3A_20 = tpu.memref_slice %arg7[%dma_start3A, %dma_start3A_19] : memref<384x128xf32, #tpu.memory_space<vmem>> -> memref<128x128xf32, #tpu.memory_space<vmem>>
      %dma_start3A_21 = tpu.memref_slice %arg9[%add3A_18] : memref<18816xi32, #tpu.memory_space<vmem>> -> memref<128xi32, #tpu.memory_space<vmem>>
      %dma_start3A_22 = arith.constant 0 : i32
      %dma_start3A_23 = arith.constant 0 : i32
      %dma_start3A_24 = tpu.memref_slice %arg2[%dma_start3A_22, %dma_start3A_23] : memref<51200x128xf32, #tpu.memory_space<hbm>> -> memref<51200x128xf32, #tpu.memory_space<hbm>>
      tpu.enqueue_indirect_dma source(%dma_start3A_24 : memref<51200x128xf32, #tpu.memory_space<hbm>>) target(%dma_start3A_20 : memref<128x128xf32, #tpu.memory_space<vmem>>) offsets(%dma_start3A_21 : memref<128xi32, #tpu.memory_space<vmem>>) semaphore(%arg10 : memref<!tpu.dma_semaphore, #tpu.memory_space<semaphore_mem>>)
      %add3A_25 = arith.constant 128 : i32
      %add3A_26 = arith.addi %mul3A_16, %add3A_25 : i32
      %dma_start3A_27 = arith.constant 128 : i32
      %dma_start3A_28 = arith.constant 0 : i32
      %dma_start3A_29 = tpu.memref_slice %arg7[%dma_start3A_27, %dma_start3A_28] : memref<384x128xf32, #tpu.memory_space<vmem>> -> memref<128x128xf32, #tpu.memory_space<vmem>>
      %dma_start3A_30 = tpu.memref_slice %arg9[%add3A_26] : memref<18816xi32, #tpu.memory_space<vmem>> -> memref<128xi32, #tpu.memory_space<vmem>>
      %dma_start3A_31 = arith.constant 0 : i32
      %dma_start3A_32 = arith.constant 0 : i32
      %dma_start3A_33 = tpu.memref_slice %arg2[%dma_start3A_31, %dma_start3A_32] : memref<51200x128xf32, #tpu.memory_space<hbm>> -> memref<51200x128xf32, #tpu.memory_space<hbm>>
      tpu.enqueue_indirect_dma source(%dma_start3A_33 : memref<51200x128xf32, #tpu.memory_space<hbm>>) target(%dma_start3A_29 : memref<128x128xf32, #tpu.memory_space<vmem>>) offsets(%dma_start3A_30 : memref<128xi32, #tpu.memory_space<vmem>>) semaphore(%arg10 : memref<!tpu.dma_semaphore, #tpu.memory_space<semaphore_mem>>)
      %add3A_34 = arith.constant 256 : i32
      %add3A_35 = arith.addi %mul3A_16, %add3A_34 : i32
      %dma_start3A_36 = arith.constant 256 : i32
      %dma_start3A_37 = arith.constant 0 : i32
      %dma_start3A_38 = tpu.memref_slice %arg7[%dma_start3A_36, %dma_start3A_37] : memref<384x128xf32, #tpu.memory_space<vmem>> -> memref<128x128xf32, #tpu.memory_space<vmem>>
      %dma_start3A_39 = tpu.memref_slice %arg9[%add3A_35] : memref<18816xi32, #tpu.memory_space<vmem>> -> memref<128xi32, #tpu.memory_space<vmem>>
      %dma_start3A_40 = arith.constant 0 : i32
      %dma_start3A_41 = arith.constant 0 : i32
      %dma_start3A_42 = tpu.memref_slice %arg2[%dma_start3A_40, %dma_start3A_41] : memref<51200x128xf32, #tpu.memory_space<hbm>> -> memref<51200x128xf32, #tpu.memory_space<hbm>>
      tpu.enqueue_indirect_dma source(%dma_start3A_42 : memref<51200x128xf32, #tpu.memory_space<hbm>>) target(%dma_start3A_38 : memref<128x128xf32, #tpu.memory_space<vmem>>) offsets(%dma_start3A_39 : memref<128xi32, #tpu.memory_space<vmem>>) semaphore(%arg10 : memref<!tpu.dma_semaphore, #tpu.memory_space<semaphore_mem>>)
      %dma_wait3A = arith.constant 0 : i32
      %dma_wait3A_43 = arith.constant 0 : i32
      %dma_wait3A_44 = tpu.memref_slice %arg7[%dma_wait3A, %dma_wait3A_43] : memref<384x128xf32, #tpu.memory_space<vmem>> -> memref<128x128xf32, #tpu.memory_space<vmem>>
      %dma_wait3A_45 = tpu.memref_slice %arg9[%add3A_18] : memref<18816xi32, #tpu.memory_space<vmem>> -> memref<128xi32, #tpu.memory_space<vmem>>
      %dma_wait3A_46 = arith.constant 0 : i32
      %dma_wait3A_47 = arith.constant 0 : i32
      %dma_wait3A_48 = tpu.memref_slice %arg2[%dma_wait3A_46, %dma_wait3A_47] : memref<51200x128xf32, #tpu.memory_space<hbm>> -> memref<51200x128xf32, #tpu.memory_space<hbm>>
      tpu.wait_indirect_dma semaphore(%arg10 : memref<!tpu.dma_semaphore, #tpu.memory_space<semaphore_mem>>) src(%dma_wait3A_48 : memref<51200x128xf32, #tpu.memory_space<hbm>>) dst(%dma_wait3A_44 : memref<128x128xf32, #tpu.memory_space<vmem>>)
      %dma_wait3A_49 = arith.constant 128 : i32
      %dma_wait3A_50 = arith.constant 0 : i32
      %dma_wait3A_51 = tpu.memref_slice %arg7[%dma_wait3A_49, %dma_wait3A_50] : memref<384x128xf32, #tpu.memory_space<vmem>> -> memref<128x128xf32, #tpu.memory_space<vmem>>
      %dma_wait3A_52 = tpu.memref_slice %arg9[%add3A_26] : memref<18816xi32, #tpu.memory_space<vmem>> -> memref<128xi32, #tpu.memory_space<vmem>>
      %dma_wait3A_53 = arith.constant 0 : i32
      %dma_wait3A_54 = arith.constant 0 : i32
      %dma_wait3A_55 = tpu.memref_slice %arg2[%dma_wait3A_53, %dma_wait3A_54] : memref<51200x128xf32, #tpu.memory_space<hbm>> -> memref<51200x128xf32, #tpu.memory_space<hbm>>
      tpu.wait_indirect_dma semaphore(%arg10 : memref<!tpu.dma_semaphore, #tpu.memory_space<semaphore_mem>>) src(%dma_wait3A_55 : memref<51200x128xf32, #tpu.memory_space<hbm>>) dst(%dma_wait3A_51 : memref<128x128xf32, #tpu.memory_space<vmem>>)
      %dma_wait3A_56 = arith.constant 256 : i32
      %dma_wait3A_57 = arith.constant 0 : i32
      %dma_wait3A_58 = tpu.memref_slice %arg7[%dma_wait3A_56, %dma_wait3A_57] : memref<384x128xf32, #tpu.memory_space<vmem>> -> memref<128x128xf32, #tpu.memory_space<vmem>>
      %dma_wait3A_59 = tpu.memref_slice %arg9[%add3A_35] : memref<18816xi32, #tpu.memory_space<vmem>> -> memref<128xi32, #tpu.memory_space<vmem>>
      %dma_wait3A_60 = arith.constant 0 : i32
      %dma_wait3A_61 = arith.constant 0 : i32
      %dma_wait3A_62 = tpu.memref_slice %arg2[%dma_wait3A_60, %dma_wait3A_61] : memref<51200x128xf32, #tpu.memory_space<hbm>> -> memref<51200x128xf32, #tpu.memory_space<hbm>>
      tpu.wait_indirect_dma semaphore(%arg10 : memref<!tpu.dma_semaphore, #tpu.memory_space<semaphore_mem>>) src(%dma_wait3A_62 : memref<51200x128xf32, #tpu.memory_space<hbm>>) dst(%dma_wait3A_58 : memref<128x128xf32, #tpu.memory_space<vmem>>)
      %add3A_63 = arith.addi %mul3A_2, %mul3A_16 : i32
      "tpu.region"() ({
        %run_scoped3A = tpu.sem_alloc : memref<!tpu.dma_semaphore, #tpu.memory_space<semaphore_mem>>
        %dma_start3A_64 = arith.constant 0 : i32
        %dma_start3A_65 = tpu.memref_slice %arg6[%add3A_63, %dma_start3A_64] : memref<602112x128xf32, #tpu.memory_space<hbm>> -> memref<384x128xf32, #tpu.memory_space<hbm>>
        %dma_start3A_66 = arith.constant 0 : i32
        %dma_start3A_67 = tpu.memref_slice %arg6[%add3A_63, %dma_start3A_66] : memref<602112x128xf32, #tpu.memory_space<hbm>> -> memref<384x128xf32, #tpu.memory_space<hbm>>
        tpu.enqueue_dma source(%arg7 : memref<384x128xf32, #tpu.memory_space<vmem>>) target(%dma_start3A_67 : memref<384x128xf32, #tpu.memory_space<hbm>>) target_semaphore(%run_scoped3A : memref<!tpu.dma_semaphore, #tpu.memory_space<semaphore_mem>>)
        %dma_wait3A_68 = arith.constant 0 : i32
        %dma_wait3A_69 = tpu.memref_slice %arg6[%add3A_63, %dma_wait3A_68] : memref<602112x128xf32, #tpu.memory_space<hbm>> -> memref<384x128xf32, #tpu.memory_space<hbm>>
        %dma_wait3A_70 = arith.constant 0 : i32
        %dma_wait3A_71 = tpu.memref_slice %arg6[%add3A_63, %dma_wait3A_70] : memref<602112x128xf32, #tpu.memory_space<hbm>> -> memref<384x128xf32, #tpu.memory_space<hbm>>
        tpu.wait_dma2 semaphore(%run_scoped3A : memref<!tpu.dma_semaphore, #tpu.memory_space<semaphore_mem>>) src(%arg7 : memref<384x128xf32, #tpu.memory_space<vmem>>) dst(%dma_wait3A_71 : memref<384x128xf32, #tpu.memory_space<hbm>>)
        tpu.yield
      }) : () -> ()
    }
    %scan3A_13 = arith.constant 49 : i32
    return
  }
}

#map = affine_map<(d0, d1) -> (0, 0)>
#map1 = affine_map<(d0, d1) -> (0)>
module attributes {stable_mosaic.version = 14 : i64} {
  func.func @_segsum_body(%arg0: i32, %arg1: i32, %arg2: memref<602112x128xf32, #tpu.memory_space<hbm>>, %arg3: memref<638976xi32, #tpu.memory_space<hbm>>, %arg4: memref<638976xi32, #tpu.memory_space<hbm>>, %arg5: memref<12800x128xf32, #tpu.memory_space<hbm>>, %arg6: memref<51200x128xf32, #tpu.memory_space<hbm>>, %arg7: memref<12808x128xf32, #tpu.memory_space<vmem_shared>>, %arg8: memref<128x128xf32, #tpu.memory_space<vmem>>, %arg9: memref<128xi32, #tpu.memory_space<vmem>>, %arg10: memref<128xi32, #tpu.memory_space<vmem>>, %arg11: memref<!tpu.dma_semaphore, #tpu.memory_space<semaphore_mem>>) attributes {dimension_semantics = [#tpu.dimension_semantics<core_parallel>, #tpu.dimension_semantics<subcore_parallel>], iteration_bounds = array<i64: 2, 16>, scalar_prefetch = 0 : i64, scratch_operands = 5 : i64, tpu.core_type = #tpu.core_type<sc_vector_subcore>, window_params = [{transform_indices = #map}, {transform_indices = #map1}, {transform_indices = #map1}, {transform_indices = #map}, {transform_indices = #map}]} {
    %mul3A = arith.constant 2 : i32
    %mul3A_0 = arith.muli %arg0, %mul3A : i32
    %add3A = arith.constant 0 : i32
    %add3A_1 = arith.addi %mul3A_0, %add3A : i32
    %mul3A_2 = arith.constant 800 : i32
    %mul3A_3 = arith.muli %arg1, %mul3A_2 : i32
    %mul3A_4 = arith.constant 800 : i32
    %mul3A_5 = arith.muli %arg1, %mul3A_4 : i32
    "tpu.region"() ({
      %run_scoped3A = tpu.sem_alloc : memref<!tpu.dma_semaphore, #tpu.memory_space<semaphore_mem>>
      %dma_start3A = arith.constant 0 : i32
      %dma_start3A_54 = tpu.memref_slice %arg7[%mul3A_5, %dma_start3A] : memref<12808x128xf32, #tpu.memory_space<vmem_shared>> -> memref<800x128xf32, #tpu.memory_space<vmem_shared>>
      %dma_start3A_55 = arith.constant 0 : i32
      %dma_start3A_56 = tpu.memref_slice %arg5[%mul3A_3, %dma_start3A_55] : memref<12800x128xf32, #tpu.memory_space<hbm>> -> memref<800x128xf32, #tpu.memory_space<hbm>>
      tpu.enqueue_dma source(%dma_start3A_56 : memref<800x128xf32, #tpu.memory_space<hbm>>) target(%dma_start3A_54 : memref<800x128xf32, #tpu.memory_space<vmem_shared>>) target_semaphore(%run_scoped3A : memref<!tpu.dma_semaphore, #tpu.memory_space<semaphore_mem>>)
      %dma_wait3A = arith.constant 0 : i32
      %dma_wait3A_57 = tpu.memref_slice %arg7[%mul3A_5, %dma_wait3A] : memref<12808x128xf32, #tpu.memory_space<vmem_shared>> -> memref<800x128xf32, #tpu.memory_space<vmem_shared>>
      %dma_wait3A_58 = arith.constant 0 : i32
      %dma_wait3A_59 = tpu.memref_slice %arg5[%mul3A_3, %dma_wait3A_58] : memref<12800x128xf32, #tpu.memory_space<hbm>> -> memref<800x128xf32, #tpu.memory_space<hbm>>
      tpu.wait_dma2 semaphore(%run_scoped3A : memref<!tpu.dma_semaphore, #tpu.memory_space<semaphore_mem>>) src(%dma_wait3A_59 : memref<800x128xf32, #tpu.memory_space<hbm>>) dst(%dma_wait3A_57 : memref<800x128xf32, #tpu.memory_space<vmem_shared>>)
      tpu.yield
    }) : () -> ()
    %barrier3A = arith.constant 0 : index
    tpu.barrier barrier_id(%barrier3A)
    %mul3A_6 = arith.constant 159744 : i32
    %mul3A_7 = arith.muli %add3A_1, %mul3A_6 : i32
    %mul3A_8 = arith.constant 9984 : i32
    %mul3A_9 = arith.muli %arg1, %mul3A_8 : i32
    %add3A_10 = arith.addi %mul3A_7, %mul3A_9 : i32
    %scan3A = arith.constant 0 : i32
    %scan3A_11 = arith.constant 0 : i32
    %scan3A_12 = arith.constant 78 : i32
    %scan3A_13 = arith.addi %scan3A_11, %scan3A_12 : i32
    %scan3A_14 = arith.constant 1 : i32
    scf.for %scan3A_54 = %scan3A_11 to %scan3A_13 step %scan3A_14  : i32 {
      %mul3A_55 = arith.constant 128 : i32
      %mul3A_56 = arith.muli %scan3A_54, %mul3A_55 : i32
      %add3A_57 = arith.addi %add3A_10, %mul3A_56 : i32
      "tpu.region"() ({
        %run_scoped3A = tpu.sem_alloc : memref<!tpu.dma_semaphore, #tpu.memory_space<semaphore_mem>>
        %dma_start3A_62 = tpu.memref_slice %arg3[%add3A_57] : memref<638976xi32, #tpu.memory_space<hbm>> -> memref<128xi32, #tpu.memory_space<hbm>>
        %dma_start3A_63 = tpu.memref_slice %arg3[%add3A_57] : memref<638976xi32, #tpu.memory_space<hbm>> -> memref<128xi32, #tpu.memory_space<hbm>>
        tpu.enqueue_dma source(%dma_start3A_63 : memref<128xi32, #tpu.memory_space<hbm>>) target(%arg9 : memref<128xi32, #tpu.memory_space<vmem>>) target_semaphore(%run_scoped3A : memref<!tpu.dma_semaphore, #tpu.memory_space<semaphore_mem>>)
        %dma_wait3A_64 = tpu.memref_slice %arg3[%add3A_57] : memref<638976xi32, #tpu.memory_space<hbm>> -> memref<128xi32, #tpu.memory_space<hbm>>
        %dma_wait3A_65 = tpu.memref_slice %arg3[%add3A_57] : memref<638976xi32, #tpu.memory_space<hbm>> -> memref<128xi32, #tpu.memory_space<hbm>>
        tpu.wait_dma2 semaphore(%run_scoped3A : memref<!tpu.dma_semaphore, #tpu.memory_space<semaphore_mem>>) src(%dma_wait3A_65 : memref<128xi32, #tpu.memory_space<hbm>>) dst(%arg9 : memref<128xi32, #tpu.memory_space<vmem>>)
        tpu.yield
      }) : () -> ()
      %dma_start3A = arith.constant 0 : i32
      %dma_start3A_58 = arith.constant 0 : i32
      %dma_start3A_59 = tpu.memref_slice %arg2[%dma_start3A, %dma_start3A_58] : memref<602112x128xf32, #tpu.memory_space<hbm>> -> memref<602112x128xf32, #tpu.memory_space<hbm>>
      tpu.enqueue_indirect_dma source(%dma_start3A_59 : memref<602112x128xf32, #tpu.memory_space<hbm>>) target(%arg8 : memref<128x128xf32, #tpu.memory_space<vmem>>) offsets(%arg9 : memref<128xi32, #tpu.memory_space<vmem>>) semaphore(%arg11 : memref<!tpu.dma_semaphore, #tpu.memory_space<semaphore_mem>>)
      %dma_wait3A = arith.constant 0 : i32
      %dma_wait3A_60 = arith.constant 0 : i32
      %dma_wait3A_61 = tpu.memref_slice %arg2[%dma_wait3A, %dma_wait3A_60] : memref<602112x128xf32, #tpu.memory_space<hbm>> -> memref<602112x128xf32, #tpu.memory_space<hbm>>
      tpu.wait_indirect_dma semaphore(%arg11 : memref<!tpu.dma_semaphore, #tpu.memory_space<semaphore_mem>>) src(%dma_wait3A_61 : memref<602112x128xf32, #tpu.memory_space<hbm>>) dst(%arg8 : memref<128x128xf32, #tpu.memory_space<vmem>>)
      "tpu.region"() ({
        %run_scoped3A = tpu.sem_alloc : memref<!tpu.dma_semaphore, #tpu.memory_space<semaphore_mem>>
        %dma_start3A_62 = tpu.memref_slice %arg4[%add3A_57] : memref<638976xi32, #tpu.memory_space<hbm>> -> memref<128xi32, #tpu.memory_space<hbm>>
        %dma_start3A_63 = tpu.memref_slice %arg4[%add3A_57] : memref<638976xi32, #tpu.memory_space<hbm>> -> memref<128xi32, #tpu.memory_space<hbm>>
        tpu.enqueue_dma source(%dma_start3A_63 : memref<128xi32, #tpu.memory_space<hbm>>) target(%arg10 : memref<128xi32, #tpu.memory_space<vmem>>) target_semaphore(%run_scoped3A : memref<!tpu.dma_semaphore, #tpu.memory_space<semaphore_mem>>)
        %dma_wait3A_64 = tpu.memref_slice %arg4[%add3A_57] : memref<638976xi32, #tpu.memory_space<hbm>> -> memref<128xi32, #tpu.memory_space<hbm>>
        %dma_wait3A_65 = tpu.memref_slice %arg4[%add3A_57] : memref<638976xi32, #tpu.memory_space<hbm>> -> memref<128xi32, #tpu.memory_space<hbm>>
        tpu.wait_dma2 semaphore(%run_scoped3A : memref<!tpu.dma_semaphore, #tpu.memory_space<semaphore_mem>>) src(%dma_wait3A_65 : memref<128xi32, #tpu.memory_space<hbm>>) dst(%arg10 : memref<128xi32, #tpu.memory_space<vmem>>)
        tpu.yield
      }) : () -> ()
      "tpu.region"() ({
        %run_scoped3A = tpu.sem_alloc : memref<!tpu.dma_semaphore, #tpu.memory_space<semaphore_mem>>
        %dma_start3A_62 = arith.constant 0 : i32
        %dma_start3A_63 = arith.constant 0 : i32
        %dma_start3A_64 = tpu.memref_slice %arg7[%dma_start3A_62, %dma_start3A_63] : memref<12808x128xf32, #tpu.memory_space<vmem_shared>> -> memref<12808x128xf32, #tpu.memory_space<vmem_shared>>
        tpu.enqueue_indirect_dma source(%arg8 : memref<128x128xf32, #tpu.memory_space<vmem>>) target(%dma_start3A_64 : memref<12808x128xf32, #tpu.memory_space<vmem_shared>>) offsets(%arg10 : memref<128xi32, #tpu.memory_space<vmem>>) semaphore(%run_scoped3A : memref<!tpu.dma_semaphore, #tpu.memory_space<semaphore_mem>>) {add = true}
        %dma_wait3A_65 = arith.constant 0 : i32
        %dma_wait3A_66 = arith.constant 0 : i32
        %dma_wait3A_67 = tpu.memref_slice %arg7[%dma_wait3A_65, %dma_wait3A_66] : memref<12808x128xf32, #tpu.memory_space<vmem_shared>> -> memref<12808x128xf32, #tpu.memory_space<vmem_shared>>
        tpu.wait_indirect_dma semaphore(%run_scoped3A : memref<!tpu.dma_semaphore, #tpu.memory_space<semaphore_mem>>) src(%arg8 : memref<128x128xf32, #tpu.memory_space<vmem>>) dst(%dma_wait3A_67 : memref<12808x128xf32, #tpu.memory_space<vmem_shared>>)
        tpu.yield
      }) : () -> ()
    }
    %scan3A_15 = arith.constant 78 : i32
    %barrier3A_16 = arith.constant 0 : index
    tpu.barrier barrier_id(%barrier3A_16)
    %mul3A_17 = arith.constant 800 : i32
    %mul3A_18 = arith.muli %arg1, %mul3A_17 : i32
    %mul3A_19 = arith.constant 12800 : i32
    %mul3A_20 = arith.muli %add3A_1, %mul3A_19 : i32
    %mul3A_21 = arith.constant 800 : i32
    %mul3A_22 = arith.muli %arg1, %mul3A_21 : i32
    %add3A_23 = arith.addi %mul3A_20, %mul3A_22 : i32
    "tpu.region"() ({
      %run_scoped3A = tpu.sem_alloc : memref<!tpu.dma_semaphore, #tpu.memory_space<semaphore_mem>>
      %dma_start3A = arith.constant 0 : i32
      %dma_start3A_54 = tpu.memref_slice %arg6[%add3A_23, %dma_start3A] : memref<51200x128xf32, #tpu.memory_space<hbm>> -> memref<800x128xf32, #tpu.memory_space<hbm>>
      %dma_start3A_55 = arith.constant 0 : i32
      %dma_start3A_56 = tpu.memref_slice %arg7[%mul3A_18, %dma_start3A_55] : memref<12808x128xf32, #tpu.memory_space<vmem_shared>> -> memref<800x128xf32, #tpu.memory_space<vmem_shared>>
      tpu.enqueue_dma source(%dma_start3A_56 : memref<800x128xf32, #tpu.memory_space<vmem_shared>>) target(%dma_start3A_54 : memref<800x128xf32, #tpu.memory_space<hbm>>) target_semaphore(%run_scoped3A : memref<!tpu.dma_semaphore, #tpu.memory_space<semaphore_mem>>)
      %dma_wait3A = arith.constant 0 : i32
      %dma_wait3A_57 = tpu.memref_slice %arg6[%add3A_23, %dma_wait3A] : memref<51200x128xf32, #tpu.memory_space<hbm>> -> memref<800x128xf32, #tpu.memory_space<hbm>>
      %dma_wait3A_58 = arith.constant 0 : i32
      %dma_wait3A_59 = tpu.memref_slice %arg7[%mul3A_18, %dma_wait3A_58] : memref<12808x128xf32, #tpu.memory_space<vmem_shared>> -> memref<800x128xf32, #tpu.memory_space<vmem_shared>>
      tpu.wait_dma2 semaphore(%run_scoped3A : memref<!tpu.dma_semaphore, #tpu.memory_space<semaphore_mem>>) src(%dma_wait3A_59 : memref<800x128xf32, #tpu.memory_space<vmem_shared>>) dst(%dma_wait3A_57 : memref<800x128xf32, #tpu.memory_space<hbm>>)
      tpu.yield
    }) : () -> ()
    %barrier3A_24 = arith.constant 0 : index
    tpu.barrier barrier_id(%barrier3A_24)
    %mul3A_25 = arith.constant 2 : i32
    %mul3A_26 = arith.muli %arg0, %mul3A_25 : i32
    %add3A_27 = arith.constant 1 : i32
    %add3A_28 = arith.addi %mul3A_26, %add3A_27 : i32
    %mul3A_29 = arith.constant 800 : i32
    %mul3A_30 = arith.muli %arg1, %mul3A_29 : i32
    %mul3A_31 = arith.constant 800 : i32
    %mul3A_32 = arith.muli %arg1, %mul3A_31 : i32
    "tpu.region"() ({
      %run_scoped3A = tpu.sem_alloc : memref<!tpu.dma_semaphore, #tpu.memory_space<semaphore_mem>>
      %dma_start3A = arith.constant 0 : i32
      %dma_start3A_54 = tpu.memref_slice %arg7[%mul3A_32, %dma_start3A] : memref<12808x128xf32, #tpu.memory_space<vmem_shared>> -> memref<800x128xf32, #tpu.memory_space<vmem_shared>>
      %dma_start3A_55 = arith.constant 0 : i32
      %dma_start3A_56 = tpu.memref_slice %arg5[%mul3A_30, %dma_start3A_55] : memref<12800x128xf32, #tpu.memory_space<hbm>> -> memref<800x128xf32, #tpu.memory_space<hbm>>
      tpu.enqueue_dma source(%dma_start3A_56 : memref<800x128xf32, #tpu.memory_space<hbm>>) target(%dma_start3A_54 : memref<800x128xf32, #tpu.memory_space<vmem_shared>>) target_semaphore(%run_scoped3A : memref<!tpu.dma_semaphore, #tpu.memory_space<semaphore_mem>>)
      %dma_wait3A = arith.constant 0 : i32
      %dma_wait3A_57 = tpu.memref_slice %arg7[%mul3A_32, %dma_wait3A] : memref<12808x128xf32, #tpu.memory_space<vmem_shared>> -> memref<800x128xf32, #tpu.memory_space<vmem_shared>>
      %dma_wait3A_58 = arith.constant 0 : i32
      %dma_wait3A_59 = tpu.memref_slice %arg5[%mul3A_30, %dma_wait3A_58] : memref<12800x128xf32, #tpu.memory_space<hbm>> -> memref<800x128xf32, #tpu.memory_space<hbm>>
      tpu.wait_dma2 semaphore(%run_scoped3A : memref<!tpu.dma_semaphore, #tpu.memory_space<semaphore_mem>>) src(%dma_wait3A_59 : memref<800x128xf32, #tpu.memory_space<hbm>>) dst(%dma_wait3A_57 : memref<800x128xf32, #tpu.memory_space<vmem_shared>>)
      tpu.yield
    }) : () -> ()
    %barrier3A_33 = arith.constant 0 : index
    tpu.barrier barrier_id(%barrier3A_33)
    %mul3A_34 = arith.constant 159744 : i32
    %mul3A_35 = arith.muli %add3A_28, %mul3A_34 : i32
    %mul3A_36 = arith.constant 9984 : i32
    %mul3A_37 = arith.muli %arg1, %mul3A_36 : i32
    %add3A_38 = arith.addi %mul3A_35, %mul3A_37 : i32
    %scan3A_39 = arith.constant 0 : i32
    %scan3A_40 = arith.constant 0 : i32
    %scan3A_41 = arith.constant 78 : i32
    %scan3A_42 = arith.addi %scan3A_40, %scan3A_41 : i32
    %scan3A_43 = arith.constant 1 : i32
    scf.for %scan3A_54 = %scan3A_40 to %scan3A_42 step %scan3A_43  : i32 {
      %mul3A_55 = arith.constant 128 : i32
      %mul3A_56 = arith.muli %scan3A_54, %mul3A_55 : i32
      %add3A_57 = arith.addi %add3A_38, %mul3A_56 : i32
      "tpu.region"() ({
        %run_scoped3A = tpu.sem_alloc : memref<!tpu.dma_semaphore, #tpu.memory_space<semaphore_mem>>
        %dma_start3A_62 = tpu.memref_slice %arg3[%add3A_57] : memref<638976xi32, #tpu.memory_space<hbm>> -> memref<128xi32, #tpu.memory_space<hbm>>
        %dma_start3A_63 = tpu.memref_slice %arg3[%add3A_57] : memref<638976xi32, #tpu.memory_space<hbm>> -> memref<128xi32, #tpu.memory_space<hbm>>
        tpu.enqueue_dma source(%dma_start3A_63 : memref<128xi32, #tpu.memory_space<hbm>>) target(%arg9 : memref<128xi32, #tpu.memory_space<vmem>>) target_semaphore(%run_scoped3A : memref<!tpu.dma_semaphore, #tpu.memory_space<semaphore_mem>>)
        %dma_wait3A_64 = tpu.memref_slice %arg3[%add3A_57] : memref<638976xi32, #tpu.memory_space<hbm>> -> memref<128xi32, #tpu.memory_space<hbm>>
        %dma_wait3A_65 = tpu.memref_slice %arg3[%add3A_57] : memref<638976xi32, #tpu.memory_space<hbm>> -> memref<128xi32, #tpu.memory_space<hbm>>
        tpu.wait_dma2 semaphore(%run_scoped3A : memref<!tpu.dma_semaphore, #tpu.memory_space<semaphore_mem>>) src(%dma_wait3A_65 : memref<128xi32, #tpu.memory_space<hbm>>) dst(%arg9 : memref<128xi32, #tpu.memory_space<vmem>>)
        tpu.yield
      }) : () -> ()
      %dma_start3A = arith.constant 0 : i32
      %dma_start3A_58 = arith.constant 0 : i32
      %dma_start3A_59 = tpu.memref_slice %arg2[%dma_start3A, %dma_start3A_58] : memref<602112x128xf32, #tpu.memory_space<hbm>> -> memref<602112x128xf32, #tpu.memory_space<hbm>>
      tpu.enqueue_indirect_dma source(%dma_start3A_59 : memref<602112x128xf32, #tpu.memory_space<hbm>>) target(%arg8 : memref<128x128xf32, #tpu.memory_space<vmem>>) offsets(%arg9 : memref<128xi32, #tpu.memory_space<vmem>>) semaphore(%arg11 : memref<!tpu.dma_semaphore, #tpu.memory_space<semaphore_mem>>)
      %dma_wait3A = arith.constant 0 : i32
      %dma_wait3A_60 = arith.constant 0 : i32
      %dma_wait3A_61 = tpu.memref_slice %arg2[%dma_wait3A, %dma_wait3A_60] : memref<602112x128xf32, #tpu.memory_space<hbm>> -> memref<602112x128xf32, #tpu.memory_space<hbm>>
      tpu.wait_indirect_dma semaphore(%arg11 : memref<!tpu.dma_semaphore, #tpu.memory_space<semaphore_mem>>) src(%dma_wait3A_61 : memref<602112x128xf32, #tpu.memory_space<hbm>>) dst(%arg8 : memref<128x128xf32, #tpu.memory_space<vmem>>)
      "tpu.region"() ({
        %run_scoped3A = tpu.sem_alloc : memref<!tpu.dma_semaphore, #tpu.memory_space<semaphore_mem>>
        %dma_start3A_62 = tpu.memref_slice %arg4[%add3A_57] : memref<638976xi32, #tpu.memory_space<hbm>> -> memref<128xi32, #tpu.memory_space<hbm>>
        %dma_start3A_63 = tpu.memref_slice %arg4[%add3A_57] : memref<638976xi32, #tpu.memory_space<hbm>> -> memref<128xi32, #tpu.memory_space<hbm>>
        tpu.enqueue_dma source(%dma_start3A_63 : memref<128xi32, #tpu.memory_space<hbm>>) target(%arg10 : memref<128xi32, #tpu.memory_space<vmem>>) target_semaphore(%run_scoped3A : memref<!tpu.dma_semaphore, #tpu.memory_space<semaphore_mem>>)
        %dma_wait3A_64 = tpu.memref_slice %arg4[%add3A_57] : memref<638976xi32, #tpu.memory_space<hbm>> -> memref<128xi32, #tpu.memory_space<hbm>>
        %dma_wait3A_65 = tpu.memref_slice %arg4[%add3A_57] : memref<638976xi32, #tpu.memory_space<hbm>> -> memref<128xi32, #tpu.memory_space<hbm>>
        tpu.wait_dma2 semaphore(%run_scoped3A : memref<!tpu.dma_semaphore, #tpu.memory_space<semaphore_mem>>) src(%dma_wait3A_65 : memref<128xi32, #tpu.memory_space<hbm>>) dst(%arg10 : memref<128xi32, #tpu.memory_space<vmem>>)
        tpu.yield
      }) : () -> ()
      "tpu.region"() ({
        %run_scoped3A = tpu.sem_alloc : memref<!tpu.dma_semaphore, #tpu.memory_space<semaphore_mem>>
        %dma_start3A_62 = arith.constant 0 : i32
        %dma_start3A_63 = arith.constant 0 : i32
        %dma_start3A_64 = tpu.memref_slice %arg7[%dma_start3A_62, %dma_start3A_63] : memref<12808x128xf32, #tpu.memory_space<vmem_shared>> -> memref<12808x128xf32, #tpu.memory_space<vmem_shared>>
        tpu.enqueue_indirect_dma source(%arg8 : memref<128x128xf32, #tpu.memory_space<vmem>>) target(%dma_start3A_64 : memref<12808x128xf32, #tpu.memory_space<vmem_shared>>) offsets(%arg10 : memref<128xi32, #tpu.memory_space<vmem>>) semaphore(%run_scoped3A : memref<!tpu.dma_semaphore, #tpu.memory_space<semaphore_mem>>) {add = true}
        %dma_wait3A_65 = arith.constant 0 : i32
        %dma_wait3A_66 = arith.constant 0 : i32
        %dma_wait3A_67 = tpu.memref_slice %arg7[%dma_wait3A_65, %dma_wait3A_66] : memref<12808x128xf32, #tpu.memory_space<vmem_shared>> -> memref<12808x128xf32, #tpu.memory_space<vmem_shared>>
        tpu.wait_indirect_dma semaphore(%run_scoped3A : memref<!tpu.dma_semaphore, #tpu.memory_space<semaphore_mem>>) src(%arg8 : memref<128x128xf32, #tpu.memory_space<vmem>>) dst(%dma_wait3A_67 : memref<12808x128xf32, #tpu.memory_space<vmem_shared>>)
        tpu.yield
      }) : () -> ()
    }
    %scan3A_44 = arith.constant 78 : i32
    %barrier3A_45 = arith.constant 0 : index
    tpu.barrier barrier_id(%barrier3A_45)
    %mul3A_46 = arith.constant 800 : i32
    %mul3A_47 = arith.muli %arg1, %mul3A_46 : i32
    %mul3A_48 = arith.constant 12800 : i32
    %mul3A_49 = arith.muli %add3A_28, %mul3A_48 : i32
    %mul3A_50 = arith.constant 800 : i32
    %mul3A_51 = arith.muli %arg1, %mul3A_50 : i32
    %add3A_52 = arith.addi %mul3A_49, %mul3A_51 : i32
    "tpu.region"() ({
      %run_scoped3A = tpu.sem_alloc : memref<!tpu.dma_semaphore, #tpu.memory_space<semaphore_mem>>
      %dma_start3A = arith.constant 0 : i32
      %dma_start3A_54 = tpu.memref_slice %arg6[%add3A_52, %dma_start3A] : memref<51200x128xf32, #tpu.memory_space<hbm>> -> memref<800x128xf32, #tpu.memory_space<hbm>>
      %dma_start3A_55 = arith.constant 0 : i32
      %dma_start3A_56 = tpu.memref_slice %arg7[%mul3A_47, %dma_start3A_55] : memref<12808x128xf32, #tpu.memory_space<vmem_shared>> -> memref<800x128xf32, #tpu.memory_space<vmem_shared>>
      tpu.enqueue_dma source(%dma_start3A_56 : memref<800x128xf32, #tpu.memory_space<vmem_shared>>) target(%dma_start3A_54 : memref<800x128xf32, #tpu.memory_space<hbm>>) target_semaphore(%run_scoped3A : memref<!tpu.dma_semaphore, #tpu.memory_space<semaphore_mem>>)
      %dma_wait3A = arith.constant 0 : i32
      %dma_wait3A_57 = tpu.memref_slice %arg6[%add3A_52, %dma_wait3A] : memref<51200x128xf32, #tpu.memory_space<hbm>> -> memref<800x128xf32, #tpu.memory_space<hbm>>
      %dma_wait3A_58 = arith.constant 0 : i32
      %dma_wait3A_59 = tpu.memref_slice %arg7[%mul3A_47, %dma_wait3A_58] : memref<12808x128xf32, #tpu.memory_space<vmem_shared>> -> memref<800x128xf32, #tpu.memory_space<vmem_shared>>
      tpu.wait_dma2 semaphore(%run_scoped3A : memref<!tpu.dma_semaphore, #tpu.memory_space<semaphore_mem>>) src(%dma_wait3A_59 : memref<800x128xf32, #tpu.memory_space<vmem_shared>>) dst(%dma_wait3A_57 : memref<800x128xf32, #tpu.memory_space<hbm>>)
      tpu.yield
    }) : () -> ()
    %barrier3A_53 = arith.constant 0 : index
    tpu.barrier barrier_id(%barrier3A_53)
    return
  }
}

module attributes {stable_mosaic.version = 14 : i64} {
  func.func @_node_enc_k(%arg0: i32, %arg1: memref<1024x3xf32, #tpu.memory_space<vmem>>, %arg2: memref<1024x3xf32, #tpu.memory_space<vmem>>, %arg3: memref<1024x1xi32, #tpu.memory_space<vmem>>, %arg4: memref<3x128xbf16, #tpu.memory_space<vmem>>, %arg5: memref<9x128xbf16, #tpu.memory_space<vmem>>, %arg6: memref<1x128xf32, #tpu.memory_space<vmem>>, %arg7: memref<128x128xbf16, #tpu.memory_space<vmem>>, %arg8: memref<1x128xf32, #tpu.memory_space<vmem>>, %arg9: memref<128x128xbf16, #tpu.memory_space<vmem>>, %arg10: memref<1x128xf32, #tpu.memory_space<vmem>>, %arg11: memref<1x128xf32, #tpu.memory_space<vmem>>, %arg12: memref<1x128xf32, #tpu.memory_space<vmem>>, %arg13: memref<1024x128xf32, #tpu.memory_space<vmem>>, %arg14: memref<1024x128xbf16, #tpu.memory_space<vmem>>) attributes {dimension_semantics = [#tpu.dimension_semantics<arbitrary>], iteration_bounds = array<i64: 50>, scalar_prefetch = 0 : i64, scratch_operands = 0 : i64, tpu.core_type = #tpu.core_type<tc>, window_params = [{transform_indices = @transform_0, window_bounds = array<i64: 1024, 3>}, {transform_indices = @transform_1, window_bounds = array<i64: 1024, 3>}, {transform_indices = @transform_2, window_bounds = array<i64: 1024, 1>}, {pipeline_mode = #tpu.pipeline_mode<synchronous>, transform_indices = @transform_3, window_bounds = array<i64: 3, 128>}, {pipeline_mode = #tpu.pipeline_mode<synchronous>, transform_indices = @transform_4, window_bounds = array<i64: 9, 128>}, {pipeline_mode = #tpu.pipeline_mode<synchronous>, transform_indices = @transform_5, window_bounds = array<i64: 1, 128>}, {pipeline_mode = #tpu.pipeline_mode<synchronous>, transform_indices = @transform_6, window_bounds = array<i64: 128, 128>}, {pipeline_mode = #tpu.pipeline_mode<synchronous>, transform_indices = @transform_7, window_bounds = array<i64: 1, 128>}, {pipeline_mode = #tpu.pipeline_mode<synchronous>, transform_indices = @transform_8, window_bounds = array<i64: 128, 128>}, {pipeline_mode = #tpu.pipeline_mode<synchronous>, transform_indices = @transform_9, window_bounds = array<i64: 1, 128>}, {pipeline_mode = #tpu.pipeline_mode<synchronous>, transform_indices = @transform_10, window_bounds = array<i64: 1, 128>}, {pipeline_mode = #tpu.pipeline_mode<synchronous>, transform_indices = @transform_11, window_bounds = array<i64: 1, 128>}, {transform_indices = @transform_12, window_bounds = array<i64: 1024, 128>}, {transform_indices = @transform_13, window_bounds = array<i64: 1024, 128>}]} {
    %get3A = arith.constant 0 : index
    %get3A_0 = arith.constant 0 : index
    %get3A_1 = vector.load %arg1[%get3A, %get3A_0] : memref<1024x3xf32, #tpu.memory_space<vmem>>, vector<1024x3xf32>
    %get3A_2 = arith.constant 0 : index
    %get3A_3 = arith.constant 0 : index
    %get3A_4 = vector.load %arg2[%get3A_2, %get3A_3] : memref<1024x3xf32, #tpu.memory_space<vmem>>, vector<1024x3xf32>
    %sub3A = arith.subf %get3A_1, %get3A_4 : vector<1024x3xf32>
    %get3A_5 = arith.constant 0 : index
    %get3A_6 = arith.constant 0 : index
    %get3A_7 = vector.load %arg3[%get3A_5, %get3A_6] : memref<1024x1xi32, #tpu.memory_space<vmem>>, vector<1024x1xi32>
    %iota3A = tpu.iota {dimensions = array<i32: 1>} : vector<1024x9xi32>
    %eq3A = vector.broadcast %get3A_7 : vector<1024x1xi32> to vector<1024x9xi32>
    %eq3A_8 = arith.cmpi eq, %eq3A, %iota3A : vector<1024x9xi32>
    %get3A_9 = arith.constant 0 : index
    %get3A_10 = arith.constant 0 : index
    %get3A_11 = vector.load %arg4[%get3A_9, %get3A_10] : memref<3x128xbf16, #tpu.memory_space<vmem>>, vector<3x128xbf16>
    %convert_element_type3A = arith.truncf %sub3A : vector<1024x3xf32> to vector<1024x3xbf16>
    %dot_general3A = arith.constant dense<0.000000e+00> : vector<1024x128xf32>
    %dot_general3A_12 = tpu.matmul %convert_element_type3A, %get3A_11, %dot_general3A {dimension_numbers = #tpu.dot_dimension_numbers<[1], [0], [0], [1], [0, 0, 1, 1], [], []>, transpose_lhs_hint = false} : vector<1024x3xbf16>, vector<3x128xbf16>, vector<1024x128xf32> -> vector<1024x128xf32>
    %convert_element_type3A_13 = arith.extui %eq3A_8 : vector<1024x9xi1> to vector<1024x9xi32>
    %convert_element_type3A_14 = arith.sitofp %convert_element_type3A_13 : vector<1024x9xi32> to vector<1024x9xf32>
    %get3A_15 = arith.constant 0 : index
    %get3A_16 = arith.constant 0 : index
    %get3A_17 = vector.load %arg5[%get3A_15, %get3A_16] : memref<9x128xbf16, #tpu.memory_space<vmem>>, vector<9x128xbf16>
    %convert_element_type3A_18 = arith.truncf %convert_element_type3A_14 : vector<1024x9xf32> to vector<1024x9xbf16>
    %dot_general3A_19 = arith.constant dense<0.000000e+00> : vector<1024x128xf32>
    %dot_general3A_20 = tpu.matmul %convert_element_type3A_18, %get3A_17, %dot_general3A_19 {dimension_numbers = #tpu.dot_dimension_numbers<[1], [0], [0], [1], [0, 0, 1, 1], [], []>, transpose_lhs_hint = false} : vector<1024x9xbf16>, vector<9x128xbf16>, vector<1024x128xf32> -> vector<1024x128xf32>
    %add3A = arith.addf %dot_general3A_12, %dot_general3A_20 : vector<1024x128xf32>
    %get3A_21 = arith.constant 0 : index
    %get3A_22 = arith.constant 0 : index
    %get3A_23 = vector.load %arg6[%get3A_21, %get3A_22] : memref<1x128xf32, #tpu.memory_space<vmem>>, vector<1x128xf32>
    %add3A_24 = vector.broadcast %get3A_23 : vector<1x128xf32> to vector<1024x128xf32>
    %add3A_25 = arith.addf %add3A, %add3A_24 : vector<1024x128xf32>
    %max3A = arith.constant 0.000000e+00 : f32
    %max3A_26 = vector.broadcast %max3A : f32 to vector<1024x128xf32>
    %max3A_27 = arith.maximumf %add3A_25, %max3A_26 : vector<1024x128xf32>
    %get3A_28 = arith.constant 0 : index
    %get3A_29 = arith.constant 0 : index
    %get3A_30 = vector.load %arg7[%get3A_28, %get3A_29] : memref<128x128xbf16, #tpu.memory_space<vmem>>, vector<128x128xbf16>
    %convert_element_type3A_31 = arith.truncf %max3A_27 : vector<1024x128xf32> to vector<1024x128xbf16>
    %dot_general3A_32 = arith.constant dense<0.000000e+00> : vector<1024x128xf32>
    %dot_general3A_33 = tpu.matmul %convert_element_type3A_31, %get3A_30, %dot_general3A_32 {dimension_numbers = #tpu.dot_dimension_numbers<[1], [0], [0], [1], [0, 0, 1, 1], [], []>, transpose_lhs_hint = false} : vector<1024x128xbf16>, vector<128x128xbf16>, vector<1024x128xf32> -> vector<1024x128xf32>
    %get3A_34 = arith.constant 0 : index
    %get3A_35 = arith.constant 0 : index
    %get3A_36 = vector.load %arg8[%get3A_34, %get3A_35] : memref<1x128xf32, #tpu.memory_space<vmem>>, vector<1x128xf32>
    %add3A_37 = vector.broadcast %get3A_36 : vector<1x128xf32> to vector<1024x128xf32>
    %add3A_38 = arith.addf %dot_general3A_33, %add3A_37 : vector<1024x128xf32>
    %max3A_39 = arith.constant 0.000000e+00 : f32
    %max3A_40 = vector.broadcast %max3A_39 : f32 to vector<1024x128xf32>
    %max3A_41 = arith.maximumf %add3A_38, %max3A_40 : vector<1024x128xf32>
    %get3A_42 = arith.constant 0 : index
    %get3A_43 = arith.constant 0 : index
    %get3A_44 = vector.load %arg9[%get3A_42, %get3A_43] : memref<128x128xbf16, #tpu.memory_space<vmem>>, vector<128x128xbf16>
    %convert_element_type3A_45 = arith.truncf %max3A_41 : vector<1024x128xf32> to vector<1024x128xbf16>
    %dot_general3A_46 = arith.constant dense<0.000000e+00> : vector<1024x128xf32>
    %dot_general3A_47 = tpu.matmul %convert_element_type3A_45, %get3A_44, %dot_general3A_46 {dimension_numbers = #tpu.dot_dimension_numbers<[1], [0], [0], [1], [0, 0, 1, 1], [], []>, transpose_lhs_hint = false} : vector<1024x128xbf16>, vector<128x128xbf16>, vector<1024x128xf32> -> vector<1024x128xf32>
    %get3A_48 = arith.constant 0 : index
    %get3A_49 = arith.constant 0 : index
    %get3A_50 = vector.load %arg10[%get3A_48, %get3A_49] : memref<1x128xf32, #tpu.memory_space<vmem>>, vector<1x128xf32>
    %add3A_51 = vector.broadcast %get3A_50 : vector<1x128xf32> to vector<1024x128xf32>
    %add3A_52 = arith.addf %dot_general3A_47, %add3A_51 : vector<1024x128xf32>
    %get3A_53 = arith.constant 0 : index
    %get3A_54 = arith.constant 0 : index
    %get3A_55 = vector.load %arg11[%get3A_53, %get3A_54] : memref<1x128xf32, #tpu.memory_space<vmem>>, vector<1x128xf32>
    %get3A_56 = arith.constant 0 : index
    %get3A_57 = arith.constant 0 : index
    %get3A_58 = vector.load %arg12[%get3A_56, %get3A_57] : memref<1x128xf32, #tpu.memory_space<vmem>>, vector<1x128xf32>
    %reduce_sum3A = arith.constant dense<0.000000e+00> : vector<1024xf32>
    %reduce_sum3A_59 = vector.multi_reduction <add>, %add3A_52, %reduce_sum3A [1] : vector<1024x128xf32> to vector<1024xf32>
    %broadcast_in_dim3A = vector.shape_cast %reduce_sum3A_59 : vector<1024xf32> to vector<1024x1xf32>
    %div3A = arith.constant 1.280000e+02 : f32
    %div3A_60 = vector.broadcast %div3A : f32 to vector<1024x1xf32>
    %div3A_61 = arith.divf %broadcast_in_dim3A, %div3A_60 : vector<1024x1xf32>
    %mul3A = arith.mulf %add3A_52, %add3A_52 : vector<1024x128xf32>
    %reduce_sum3A_62 = arith.constant dense<0.000000e+00> : vector<1024xf32>
    %reduce_sum3A_63 = vector.multi_reduction <add>, %mul3A, %reduce_sum3A_62 [1] : vector<1024x128xf32> to vector<1024xf32>
    %broadcast_in_dim3A_64 = vector.shape_cast %reduce_sum3A_63 : vector<1024xf32> to vector<1024x1xf32>
    %div3A_65 = arith.constant 1.280000e+02 : f32
    %div3A_66 = vector.broadcast %div3A_65 : f32 to vector<1024x1xf32>
    %div3A_67 = arith.divf %broadcast_in_dim3A_64, %div3A_66 : vector<1024x1xf32>
    %mul3A_68 = arith.mulf %div3A_61, %div3A_61 : vector<1024x1xf32>
    %sub3A_69 = arith.subf %div3A_67, %mul3A_68 : vector<1024x1xf32>
    %sub3A_70 = vector.broadcast %div3A_61 : vector<1024x1xf32> to vector<1024x128xf32>
    %sub3A_71 = arith.subf %add3A_52, %sub3A_70 : vector<1024x128xf32>
    %add3A_72 = arith.constant 9.99999974E-6 : f32
    %add3A_73 = vector.broadcast %add3A_72 : f32 to vector<1024x1xf32>
    %add3A_74 = arith.addf %sub3A_69, %add3A_73 : vector<1024x1xf32>
    %rsqrt3A = math.rsqrt %add3A_74 : vector<1024x1xf32>
    %mul3A_75 = vector.broadcast %rsqrt3A : vector<1024x1xf32> to vector<1024x128xf32>
    %mul3A_76 = arith.mulf %sub3A_71, %mul3A_75 : vector<1024x128xf32>
    %mul3A_77 = vector.broadcast %get3A_55 : vector<1x128xf32> to vector<1024x128xf32>
    %mul3A_78 = arith.mulf %mul3A_76, %mul3A_77 : vector<1024x128xf32>
    %add3A_79 = vector.broadcast %get3A_58 : vector<1x128xf32> to vector<1024x128xf32>
    %add3A_80 = arith.addf %mul3A_78, %add3A_79 : vector<1024x128xf32>
    %swap3A = arith.constant 0 : index
    %swap3A_81 = arith.constant 0 : index
    %swap3A_82 = vector.load %arg13[%swap3A, %swap3A_81] : memref<1024x128xf32, #tpu.memory_space<vmem>>, vector<1024x128xf32>
    tpu.vector_store %arg13[%swap3A, %swap3A_81], %add3A_80 {strides = array<i32>} : memref<1024x128xf32, #tpu.memory_space<vmem>>, vector<1024x128xf32>,
    %convert_element_type3A_83 = arith.truncf %add3A_80 : vector<1024x128xf32> to vector<1024x128xbf16>
    %swap3A_84 = arith.constant 0 : index
    %swap3A_85 = arith.constant 0 : index
    %swap3A_86 = vector.load %arg14[%swap3A_84, %swap3A_85] : memref<1024x128xbf16, #tpu.memory_space<vmem>>, vector<1024x128xbf16>
    tpu.vector_store %arg14[%swap3A_84, %swap3A_85], %convert_element_type3A_83 {strides = array<i32>} : memref<1024x128xbf16, #tpu.memory_space<vmem>>, vector<1024x128xbf16>,
    return
  }
  func.func @transform_0(%arg0: i32) -> (i32, i32) {
    %c0_i32 = arith.constant 0 : i32
    %c0_i32_0 = arith.constant 0 : i32
    return %arg0, %c0_i32 : i32, i32
  }
  func.func @transform_1(%arg0: i32) -> (i32, i32) {
    %c0_i32 = arith.constant 0 : i32
    %c0_i32_0 = arith.constant 0 : i32
    return %arg0, %c0_i32 : i32, i32
  }
  func.func @transform_2(%arg0: i32) -> (i32, i32) {
    %c0_i32 = arith.constant 0 : i32
    %c0_i32_0 = arith.constant 0 : i32
    return %arg0, %c0_i32 : i32, i32
  }
  func.func @transform_3(%arg0: i32) -> (i32, i32) {
    %c0_i32 = arith.constant 0 : i32
    %c0_i32_0 = arith.constant 0 : i32
    %c0_i32_1 = arith.constant 0 : i32
    return %c0_i32, %c0_i32_0 : i32, i32
  }
  func.func @transform_4(%arg0: i32) -> (i32, i32) {
    %c0_i32 = arith.constant 0 : i32
    %c0_i32_0 = arith.constant 0 : i32
    %c0_i32_1 = arith.constant 0 : i32
    return %c0_i32, %c0_i32_0 : i32, i32
  }
  func.func @transform_5(%arg0: i32) -> (i32, i32) {
    %c0_i32 = arith.constant 0 : i32
    %c0_i32_0 = arith.constant 0 : i32
    %c0_i32_1 = arith.constant 0 : i32
    return %c0_i32, %c0_i32_0 : i32, i32
  }
  func.func @transform_6(%arg0: i32) -> (i32, i32) {
    %c0_i32 = arith.constant 0 : i32
    %c0_i32_0 = arith.constant 0 : i32
    %c0_i32_1 = arith.constant 0 : i32
    return %c0_i32, %c0_i32_0 : i32, i32
  }
  func.func @transform_7(%arg0: i32) -> (i32, i32) {
    %c0_i32 = arith.constant 0 : i32
    %c0_i32_0 = arith.constant 0 : i32
    %c0_i32_1 = arith.constant 0 : i32
    return %c0_i32, %c0_i32_0 : i32, i32
  }
  func.func @transform_8(%arg0: i32) -> (i32, i32) {
    %c0_i32 = arith.constant 0 : i32
    %c0_i32_0 = arith.constant 0 : i32
    %c0_i32_1 = arith.constant 0 : i32
    return %c0_i32, %c0_i32_0 : i32, i32
  }
  func.func @transform_9(%arg0: i32) -> (i32, i32) {
    %c0_i32 = arith.constant 0 : i32
    %c0_i32_0 = arith.constant 0 : i32
    %c0_i32_1 = arith.constant 0 : i32
    return %c0_i32, %c0_i32_0 : i32, i32
  }
  func.func @transform_10(%arg0: i32) -> (i32, i32) {
    %c0_i32 = arith.constant 0 : i32
    %c0_i32_0 = arith.constant 0 : i32
    %c0_i32_1 = arith.constant 0 : i32
    return %c0_i32, %c0_i32_0 : i32, i32
  }
  func.func @transform_11(%arg0: i32) -> (i32, i32) {
    %c0_i32 = arith.constant 0 : i32
    %c0_i32_0 = arith.constant 0 : i32
    %c0_i32_1 = arith.constant 0 : i32
    return %c0_i32, %c0_i32_0 : i32, i32
  }
  func.func @transform_12(%arg0: i32) -> (i32, i32) {
    %c0_i32 = arith.constant 0 : i32
    %c0_i32_0 = arith.constant 0 : i32
    return %arg0, %c0_i32 : i32, i32
  }
  func.func @transform_13(%arg0: i32) -> (i32, i32) {
    %c0_i32 = arith.constant 0 : i32
    %c0_i32_0 = arith.constant 0 : i32
    return %arg0, %c0_i32 : i32, i32
  }
}

module attributes {stable_mosaic.version = 14 : i64} {
  func.func @_edge_enc_k(%arg0: i32, %arg1: memref<1024x128xf32, #tpu.memory_space<vmem>>, %arg2: memref<1024x128xf32, #tpu.memory_space<vmem>>, %arg3: memref<8x128xbf16, #tpu.memory_space<vmem>>, %arg4: memref<1x128xf32, #tpu.memory_space<vmem>>, %arg5: memref<128x128xbf16, #tpu.memory_space<vmem>>, %arg6: memref<1x128xf32, #tpu.memory_space<vmem>>, %arg7: memref<128x128xbf16, #tpu.memory_space<vmem>>, %arg8: memref<1x128xf32, #tpu.memory_space<vmem>>, %arg9: memref<1x128xf32, #tpu.memory_space<vmem>>, %arg10: memref<1x128xf32, #tpu.memory_space<vmem>>, %arg11: memref<1024x128xf32, #tpu.memory_space<vmem>>) attributes {dimension_semantics = [#tpu.dimension_semantics<arbitrary>], iteration_bounds = array<i64: 588>, scalar_prefetch = 0 : i64, scratch_operands = 0 : i64, tpu.core_type = #tpu.core_type<tc>, window_params = [{transform_indices = @transform_0, window_bounds = array<i64: 1024, 128>}, {transform_indices = @transform_1, window_bounds = array<i64: 1024, 128>}, {pipeline_mode = #tpu.pipeline_mode<synchronous>, transform_indices = @transform_2, window_bounds = array<i64: 8, 128>}, {pipeline_mode = #tpu.pipeline_mode<synchronous>, transform_indices = @transform_3, window_bounds = array<i64: 1, 128>}, {pipeline_mode = #tpu.pipeline_mode<synchronous>, transform_indices = @transform_4, window_bounds = array<i64: 128, 128>}, {pipeline_mode = #tpu.pipeline_mode<synchronous>, transform_indices = @transform_5, window_bounds = array<i64: 1, 128>}, {pipeline_mode = #tpu.pipeline_mode<synchronous>, transform_indices = @transform_6, window_bounds = array<i64: 128, 128>}, {pipeline_mode = #tpu.pipeline_mode<synchronous>, transform_indices = @transform_7, window_bounds = array<i64: 1, 128>}, {pipeline_mode = #tpu.pipeline_mode<synchronous>, transform_indices = @transform_8, window_bounds = array<i64: 1, 128>}, {pipeline_mode = #tpu.pipeline_mode<synchronous>, transform_indices = @transform_9, window_bounds = array<i64: 1, 128>}, {transform_indices = @transform_10, window_bounds = array<i64: 1024, 128>}]} {
    %get3A = arith.constant 0 : index
    %get3A_0 = arith.constant 0 : index
    %get3A_1 = vector.load %arg1[%get3A, %get3A_0] : memref<1024x128xf32, #tpu.memory_space<vmem>>, vector<1024x128xf32>
    %get3A_2 = arith.constant 0 : index
    %get3A_3 = arith.constant 0 : index
    %get3A_4 = vector.load %arg2[%get3A_2, %get3A_3] : memref<1024x128xf32, #tpu.memory_space<vmem>>, vector<1024x128xf32>
    %sub3A = arith.subf %get3A_1, %get3A_4 : vector<1024x128xf32>
    %slice3A = vector.extract_strided_slice %sub3A {offsets = [0, 0], sizes = [1024, 3], strides = [1, 1]} : vector<1024x128xf32> to vector<1024x3xf32>
    %slice3A_5 = vector.extract_strided_slice %sub3A {offsets = [0, 3], sizes = [1024, 2], strides = [1, 1]} : vector<1024x128xf32> to vector<1024x2xf32>
    %mul3A = arith.mulf %slice3A, %slice3A : vector<1024x3xf32>
    %reduce_sum3A = arith.constant dense<0.000000e+00> : vector<1024xf32>
    %reduce_sum3A_6 = vector.multi_reduction <add>, %mul3A, %reduce_sum3A [1] : vector<1024x3xf32> to vector<1024xf32>
    %broadcast_in_dim3A = vector.shape_cast %reduce_sum3A_6 : vector<1024xf32> to vector<1024x1xf32>
    %sqrt3A = math.sqrt %broadcast_in_dim3A : vector<1024x1xf32>
    %mul3A_7 = arith.mulf %slice3A_5, %slice3A_5 : vector<1024x2xf32>
    %reduce_sum3A_8 = arith.constant dense<0.000000e+00> : vector<1024xf32>
    %reduce_sum3A_9 = vector.multi_reduction <add>, %mul3A_7, %reduce_sum3A_8 [1] : vector<1024x2xf32> to vector<1024xf32>
    %broadcast_in_dim3A_10 = vector.shape_cast %reduce_sum3A_9 : vector<1024xf32> to vector<1024x1xf32>
    %sqrt3A_11 = math.sqrt %broadcast_in_dim3A_10 : vector<1024x1xf32>
    %broadcast_in_dim3A_12 = arith.constant 0.000000e+00 : f32
    %broadcast_in_dim3A_13 = vector.broadcast %broadcast_in_dim3A_12 : f32 to vector<1024x1xf32>
    %concatenate3A = tpu.concatenate %slice3A, %sqrt3A, %slice3A_5, %sqrt3A_11, %broadcast_in_dim3A_13 in 1 : vector<1024x3xf32>, vector<1024x1xf32>, vector<1024x2xf32>, vector<1024x1xf32>, vector<1024x1xf32> -> vector<1024x8xf32>
    %get3A_14 = arith.constant 0 : index
    %get3A_15 = arith.constant 0 : index
    %get3A_16 = vector.load %arg3[%get3A_14, %get3A_15] : memref<8x128xbf16, #tpu.memory_space<vmem>>, vector<8x128xbf16>
    %convert_element_type3A = arith.truncf %concatenate3A : vector<1024x8xf32> to vector<1024x8xbf16>
    %dot_general3A = arith.constant dense<0.000000e+00> : vector<1024x128xf32>
    %dot_general3A_17 = tpu.matmul %convert_element_type3A, %get3A_16, %dot_general3A {dimension_numbers = #tpu.dot_dimension_numbers<[1], [0], [0], [1], [0, 0, 1, 1], [], []>, transpose_lhs_hint = false} : vector<1024x8xbf16>, vector<8x128xbf16>, vector<1024x128xf32> -> vector<1024x128xf32>
    %get3A_18 = arith.constant 0 : index
    %get3A_19 = arith.constant 0 : index
    %get3A_20 = vector.load %arg4[%get3A_18, %get3A_19] : memref<1x128xf32, #tpu.memory_space<vmem>>, vector<1x128xf32>
    %add3A = vector.broadcast %get3A_20 : vector<1x128xf32> to vector<1024x128xf32>
    %add3A_21 = arith.addf %dot_general3A_17, %add3A : vector<1024x128xf32>
    %max3A = arith.constant 0.000000e+00 : f32
    %max3A_22 = vector.broadcast %max3A : f32 to vector<1024x128xf32>
    %max3A_23 = arith.maximumf %add3A_21, %max3A_22 : vector<1024x128xf32>
    %get3A_24 = arith.constant 0 : index
    %get3A_25 = arith.constant 0 : index
    %get3A_26 = vector.load %arg5[%get3A_24, %get3A_25] : memref<128x128xbf16, #tpu.memory_space<vmem>>, vector<128x128xbf16>
    %convert_element_type3A_27 = arith.truncf %max3A_23 : vector<1024x128xf32> to vector<1024x128xbf16>
    %dot_general3A_28 = arith.constant dense<0.000000e+00> : vector<1024x128xf32>
    %dot_general3A_29 = tpu.matmul %convert_element_type3A_27, %get3A_26, %dot_general3A_28 {dimension_numbers = #tpu.dot_dimension_numbers<[1], [0], [0], [1], [0, 0, 1, 1], [], []>, transpose_lhs_hint = false} : vector<1024x128xbf16>, vector<128x128xbf16>, vector<1024x128xf32> -> vector<1024x128xf32>
    %get3A_30 = arith.constant 0 : index
    %get3A_31 = arith.constant 0 : index
    %get3A_32 = vector.load %arg6[%get3A_30, %get3A_31] : memref<1x128xf32, #tpu.memory_space<vmem>>, vector<1x128xf32>
    %add3A_33 = vector.broadcast %get3A_32 : vector<1x128xf32> to vector<1024x128xf32>
    %add3A_34 = arith.addf %dot_general3A_29, %add3A_33 : vector<1024x128xf32>
    %max3A_35 = arith.constant 0.000000e+00 : f32
    %max3A_36 = vector.broadcast %max3A_35 : f32 to vector<1024x128xf32>
    %max3A_37 = arith.maximumf %add3A_34, %max3A_36 : vector<1024x128xf32>
    %get3A_38 = arith.constant 0 : index
    %get3A_39 = arith.constant 0 : index
    %get3A_40 = vector.load %arg7[%get3A_38, %get3A_39] : memref<128x128xbf16, #tpu.memory_space<vmem>>, vector<128x128xbf16>
    %convert_element_type3A_41 = arith.truncf %max3A_37 : vector<1024x128xf32> to vector<1024x128xbf16>
    %dot_general3A_42 = arith.constant dense<0.000000e+00> : vector<1024x128xf32>
    %dot_general3A_43 = tpu.matmul %convert_element_type3A_41, %get3A_40, %dot_general3A_42 {dimension_numbers = #tpu.dot_dimension_numbers<[1], [0], [0], [1], [0, 0, 1, 1], [], []>, transpose_lhs_hint = false} : vector<1024x128xbf16>, vector<128x128xbf16>, vector<1024x128xf32> -> vector<1024x128xf32>
    %get3A_44 = arith.constant 0 : index
    %get3A_45 = arith.constant 0 : index
    %get3A_46 = vector.load %arg8[%get3A_44, %get3A_45] : memref<1x128xf32, #tpu.memory_space<vmem>>, vector<1x128xf32>
    %add3A_47 = vector.broadcast %get3A_46 : vector<1x128xf32> to vector<1024x128xf32>
    %add3A_48 = arith.addf %dot_general3A_43, %add3A_47 : vector<1024x128xf32>
    %get3A_49 = arith.constant 0 : index
    %get3A_50 = arith.constant 0 : index
    %get3A_51 = vector.load %arg9[%get3A_49, %get3A_50] : memref<1x128xf32, #tpu.memory_space<vmem>>, vector<1x128xf32>
    %get3A_52 = arith.constant 0 : index
    %get3A_53 = arith.constant 0 : index
    %get3A_54 = vector.load %arg10[%get3A_52, %get3A_53] : memref<1x128xf32, #tpu.memory_space<vmem>>, vector<1x128xf32>
    %reduce_sum3A_55 = arith.constant dense<0.000000e+00> : vector<1024xf32>
    %reduce_sum3A_56 = vector.multi_reduction <add>, %add3A_48, %reduce_sum3A_55 [1] : vector<1024x128xf32> to vector<1024xf32>
    %broadcast_in_dim3A_57 = vector.shape_cast %reduce_sum3A_56 : vector<1024xf32> to vector<1024x1xf32>
    %div3A = arith.constant 1.280000e+02 : f32
    %div3A_58 = vector.broadcast %div3A : f32 to vector<1024x1xf32>
    %div3A_59 = arith.divf %broadcast_in_dim3A_57, %div3A_58 : vector<1024x1xf32>
    %mul3A_60 = arith.mulf %add3A_48, %add3A_48 : vector<1024x128xf32>
    %reduce_sum3A_61 = arith.constant dense<0.000000e+00> : vector<1024xf32>
    %reduce_sum3A_62 = vector.multi_reduction <add>, %mul3A_60, %reduce_sum3A_61 [1] : vector<1024x128xf32> to vector<1024xf32>
    %broadcast_in_dim3A_63 = vector.shape_cast %reduce_sum3A_62 : vector<1024xf32> to vector<1024x1xf32>
    %div3A_64 = arith.constant 1.280000e+02 : f32
    %div3A_65 = vector.broadcast %div3A_64 : f32 to vector<1024x1xf32>
    %div3A_66 = arith.divf %broadcast_in_dim3A_63, %div3A_65 : vector<1024x1xf32>
    %mul3A_67 = arith.mulf %div3A_59, %div3A_59 : vector<1024x1xf32>
    %sub3A_68 = arith.subf %div3A_66, %mul3A_67 : vector<1024x1xf32>
    %sub3A_69 = vector.broadcast %div3A_59 : vector<1024x1xf32> to vector<1024x128xf32>
    %sub3A_70 = arith.subf %add3A_48, %sub3A_69 : vector<1024x128xf32>
    %add3A_71 = arith.constant 9.99999974E-6 : f32
    %add3A_72 = vector.broadcast %add3A_71 : f32 to vector<1024x1xf32>
    %add3A_73 = arith.addf %sub3A_68, %add3A_72 : vector<1024x1xf32>
    %rsqrt3A = math.rsqrt %add3A_73 : vector<1024x1xf32>
    %mul3A_74 = vector.broadcast %rsqrt3A : vector<1024x1xf32> to vector<1024x128xf32>
    %mul3A_75 = arith.mulf %sub3A_70, %mul3A_74 : vector<1024x128xf32>
    %mul3A_76 = vector.broadcast %get3A_51 : vector<1x128xf32> to vector<1024x128xf32>
    %mul3A_77 = arith.mulf %mul3A_75, %mul3A_76 : vector<1024x128xf32>
    %add3A_78 = vector.broadcast %get3A_54 : vector<1x128xf32> to vector<1024x128xf32>
    %add3A_79 = arith.addf %mul3A_77, %add3A_78 : vector<1024x128xf32>
    %swap3A = arith.constant 0 : index
    %swap3A_80 = arith.constant 0 : index
    %swap3A_81 = vector.load %arg11[%swap3A, %swap3A_80] : memref<1024x128xf32, #tpu.memory_space<vmem>>, vector<1024x128xf32>
    tpu.vector_store %arg11[%swap3A, %swap3A_80], %add3A_79 {strides = array<i32>} : memref<1024x128xf32, #tpu.memory_space<vmem>>, vector<1024x128xf32>,
    return
  }
  func.func @transform_0(%arg0: i32) -> (i32, i32) {
    %c0_i32 = arith.constant 0 : i32
    %c0_i32_0 = arith.constant 0 : i32
    return %arg0, %c0_i32 : i32, i32
  }
  func.func @transform_1(%arg0: i32) -> (i32, i32) {
    %c0_i32 = arith.constant 0 : i32
    %c0_i32_0 = arith.constant 0 : i32
    return %arg0, %c0_i32 : i32, i32
  }
  func.func @transform_2(%arg0: i32) -> (i32, i32) {
    %c0_i32 = arith.constant 0 : i32
    %c0_i32_0 = arith.constant 0 : i32
    %c0_i32_1 = arith.constant 0 : i32
    return %c0_i32, %c0_i32_0 : i32, i32
  }
  func.func @transform_3(%arg0: i32) -> (i32, i32) {
    %c0_i32 = arith.constant 0 : i32
    %c0_i32_0 = arith.constant 0 : i32
    %c0_i32_1 = arith.constant 0 : i32
    return %c0_i32, %c0_i32_0 : i32, i32
  }
  func.func @transform_4(%arg0: i32) -> (i32, i32) {
    %c0_i32 = arith.constant 0 : i32
    %c0_i32_0 = arith.constant 0 : i32
    %c0_i32_1 = arith.constant 0 : i32
    return %c0_i32, %c0_i32_0 : i32, i32
  }
  func.func @transform_5(%arg0: i32) -> (i32, i32) {
    %c0_i32 = arith.constant 0 : i32
    %c0_i32_0 = arith.constant 0 : i32
    %c0_i32_1 = arith.constant 0 : i32
    return %c0_i32, %c0_i32_0 : i32, i32
  }
  func.func @transform_6(%arg0: i32) -> (i32, i32) {
    %c0_i32 = arith.constant 0 : i32
    %c0_i32_0 = arith.constant 0 : i32
    %c0_i32_1 = arith.constant 0 : i32
    return %c0_i32, %c0_i32_0 : i32, i32
  }
  func.func @transform_7(%arg0: i32) -> (i32, i32) {
    %c0_i32 = arith.constant 0 : i32
    %c0_i32_0 = arith.constant 0 : i32
    %c0_i32_1 = arith.constant 0 : i32
    return %c0_i32, %c0_i32_0 : i32, i32
  }
  func.func @transform_8(%arg0: i32) -> (i32, i32) {
    %c0_i32 = arith.constant 0 : i32
    %c0_i32_0 = arith.constant 0 : i32
    %c0_i32_1 = arith.constant 0 : i32
    return %c0_i32, %c0_i32_0 : i32, i32
  }
  func.func @transform_9(%arg0: i32) -> (i32, i32) {
    %c0_i32 = arith.constant 0 : i32
    %c0_i32_0 = arith.constant 0 : i32
    %c0_i32_1 = arith.constant 0 : i32
    return %c0_i32, %c0_i32_0 : i32, i32
  }
  func.func @transform_10(%arg0: i32) -> (i32, i32) {
    %c0_i32 = arith.constant 0 : i32
    %c0_i32_0 = arith.constant 0 : i32
    return %arg0, %c0_i32 : i32, i32
  }
}

module attributes {stable_mosaic.version = 14 : i64} {
  func.func @_edge_blk_k(%arg0: i32, %arg1: memref<1024x128xf32, #tpu.memory_space<vmem>>, %arg2: memref<1024x128xf32, #tpu.memory_space<vmem>>, %arg3: memref<1024x128xf32, #tpu.memory_space<vmem>>, %arg4: memref<128x128xbf16, #tpu.memory_space<vmem>>, %arg5: memref<128x128xbf16, #tpu.memory_space<vmem>>, %arg6: memref<128x128xbf16, #tpu.memory_space<vmem>>, %arg7: memref<1x128xf32, #tpu.memory_space<vmem>>, %arg8: memref<128x128xbf16, #tpu.memory_space<vmem>>, %arg9: memref<1x128xf32, #tpu.memory_space<vmem>>, %arg10: memref<128x128xbf16, #tpu.memory_space<vmem>>, %arg11: memref<1x128xf32, #tpu.memory_space<vmem>>, %arg12: memref<1x128xf32, #tpu.memory_space<vmem>>, %arg13: memref<1x128xf32, #tpu.memory_space<vmem>>, %arg14: memref<1024x128xf32, #tpu.memory_space<vmem>>) attributes {dimension_semantics = [#tpu.dimension_semantics<arbitrary>], iteration_bounds = array<i64: 588>, scalar_prefetch = 0 : i64, scratch_operands = 0 : i64, tpu.core_type = #tpu.core_type<tc>, window_params = [{transform_indices = @transform_0, window_bounds = array<i64: 1024, 128>}, {transform_indices = @transform_1, window_bounds = array<i64: 1024, 128>}, {transform_indices = @transform_2, window_bounds = array<i64: 1024, 128>}, {pipeline_mode = #tpu.pipeline_mode<synchronous>, transform_indices = @transform_3, window_bounds = array<i64: 128, 128>}, {pipeline_mode = #tpu.pipeline_mode<synchronous>, transform_indices = @transform_4, window_bounds = array<i64: 128, 128>}, {pipeline_mode = #tpu.pipeline_mode<synchronous>, transform_indices = @transform_5, window_bounds = array<i64: 128, 128>}, {pipeline_mode = #tpu.pipeline_mode<synchronous>, transform_indices = @transform_6, window_bounds = array<i64: 1, 128>}, {pipeline_mode = #tpu.pipeline_mode<synchronous>, transform_indices = @transform_7, window_bounds = array<i64: 128, 128>}, {pipeline_mode = #tpu.pipeline_mode<synchronous>, transform_indices = @transform_8, window_bounds = array<i64: 1, 128>}, {pipeline_mode = #tpu.pipeline_mode<synchronous>, transform_indices = @transform_9, window_bounds = array<i64: 128, 128>}, {pipeline_mode = #tpu.pipeline_mode<synchronous>, transform_indices = @transform_10, window_bounds = array<i64: 1, 128>}, {pipeline_mode = #tpu.pipeline_mode<synchronous>, transform_indices = @transform_11, window_bounds = array<i64: 1, 128>}, {pipeline_mode = #tpu.pipeline_mode<synchronous>, transform_indices = @transform_12, window_bounds = array<i64: 1, 128>}, {transform_indices = @transform_13, window_bounds = array<i64: 1024, 128>}]} {
    %get3A = arith.constant 0 : index
    %get3A_0 = arith.constant 0 : index
    %get3A_1 = vector.load %arg1[%get3A, %get3A_0] : memref<1024x128xf32, #tpu.memory_space<vmem>>, vector<1024x128xf32>
    %get3A_2 = arith.constant 0 : index
    %get3A_3 = arith.constant 0 : index
    %get3A_4 = vector.load %arg4[%get3A_2, %get3A_3] : memref<128x128xbf16, #tpu.memory_space<vmem>>, vector<128x128xbf16>
    %convert_element_type3A = arith.truncf %get3A_1 : vector<1024x128xf32> to vector<1024x128xbf16>
    %dot_general3A = arith.constant dense<0.000000e+00> : vector<1024x128xf32>
    %dot_general3A_5 = tpu.matmul %convert_element_type3A, %get3A_4, %dot_general3A {dimension_numbers = #tpu.dot_dimension_numbers<[1], [0], [0], [1], [0, 0, 1, 1], [], []>, transpose_lhs_hint = false} : vector<1024x128xbf16>, vector<128x128xbf16>, vector<1024x128xf32> -> vector<1024x128xf32>
    %get3A_6 = arith.constant 0 : index
    %get3A_7 = arith.constant 0 : index
    %get3A_8 = vector.load %arg2[%get3A_6, %get3A_7] : memref<1024x128xf32, #tpu.memory_space<vmem>>, vector<1024x128xf32>
    %get3A_9 = arith.constant 0 : index
    %get3A_10 = arith.constant 0 : index
    %get3A_11 = vector.load %arg5[%get3A_9, %get3A_10] : memref<128x128xbf16, #tpu.memory_space<vmem>>, vector<128x128xbf16>
    %convert_element_type3A_12 = arith.truncf %get3A_8 : vector<1024x128xf32> to vector<1024x128xbf16>
    %dot_general3A_13 = arith.constant dense<0.000000e+00> : vector<1024x128xf32>
    %dot_general3A_14 = tpu.matmul %convert_element_type3A_12, %get3A_11, %dot_general3A_13 {dimension_numbers = #tpu.dot_dimension_numbers<[1], [0], [0], [1], [0, 0, 1, 1], [], []>, transpose_lhs_hint = false} : vector<1024x128xbf16>, vector<128x128xbf16>, vector<1024x128xf32> -> vector<1024x128xf32>
    %add3A = arith.addf %dot_general3A_5, %dot_general3A_14 : vector<1024x128xf32>
    %get3A_15 = arith.constant 0 : index
    %get3A_16 = arith.constant 0 : index
    %get3A_17 = vector.load %arg3[%get3A_15, %get3A_16] : memref<1024x128xf32, #tpu.memory_space<vmem>>, vector<1024x128xf32>
    %get3A_18 = arith.constant 0 : index
    %get3A_19 = arith.constant 0 : index
    %get3A_20 = vector.load %arg6[%get3A_18, %get3A_19] : memref<128x128xbf16, #tpu.memory_space<vmem>>, vector<128x128xbf16>
    %convert_element_type3A_21 = arith.truncf %get3A_17 : vector<1024x128xf32> to vector<1024x128xbf16>
    %dot_general3A_22 = arith.constant dense<0.000000e+00> : vector<1024x128xf32>
    %dot_general3A_23 = tpu.matmul %convert_element_type3A_21, %get3A_20, %dot_general3A_22 {dimension_numbers = #tpu.dot_dimension_numbers<[1], [0], [0], [1], [0, 0, 1, 1], [], []>, transpose_lhs_hint = false} : vector<1024x128xbf16>, vector<128x128xbf16>, vector<1024x128xf32> -> vector<1024x128xf32>
    %add3A_24 = arith.addf %add3A, %dot_general3A_23 : vector<1024x128xf32>
    %get3A_25 = arith.constant 0 : index
    %get3A_26 = arith.constant 0 : index
    %get3A_27 = vector.load %arg7[%get3A_25, %get3A_26] : memref<1x128xf32, #tpu.memory_space<vmem>>, vector<1x128xf32>
    %add3A_28 = vector.broadcast %get3A_27 : vector<1x128xf32> to vector<1024x128xf32>
    %add3A_29 = arith.addf %add3A_24, %add3A_28 : vector<1024x128xf32>
    %max3A = arith.constant 0.000000e+00 : f32
    %max3A_30 = vector.broadcast %max3A : f32 to vector<1024x128xf32>
    %max3A_31 = arith.maximumf %add3A_29, %max3A_30 : vector<1024x128xf32>
    %get3A_32 = arith.constant 0 : index
    %get3A_33 = arith.constant 0 : index
    %get3A_34 = vector.load %arg8[%get3A_32, %get3A_33] : memref<128x128xbf16, #tpu.memory_space<vmem>>, vector<128x128xbf16>
    %convert_element_type3A_35 = arith.truncf %max3A_31 : vector<1024x128xf32> to vector<1024x128xbf16>
    %dot_general3A_36 = arith.constant dense<0.000000e+00> : vector<1024x128xf32>
    %dot_general3A_37 = tpu.matmul %convert_element_type3A_35, %get3A_34, %dot_general3A_36 {dimension_numbers = #tpu.dot_dimension_numbers<[1], [0], [0], [1], [0, 0, 1, 1], [], []>, transpose_lhs_hint = false} : vector<1024x128xbf16>, vector<128x128xbf16>, vector<1024x128xf32> -> vector<1024x128xf32>
    %get3A_38 = arith.constant 0 : index
    %get3A_39 = arith.constant 0 : index
    %get3A_40 = vector.load %arg9[%get3A_38, %get3A_39] : memref<1x128xf32, #tpu.memory_space<vmem>>, vector<1x128xf32>
    %add3A_41 = vector.broadcast %get3A_40 : vector<1x128xf32> to vector<1024x128xf32>
    %add3A_42 = arith.addf %dot_general3A_37, %add3A_41 : vector<1024x128xf32>
    %max3A_43 = arith.constant 0.000000e+00 : f32
    %max3A_44 = vector.broadcast %max3A_43 : f32 to vector<1024x128xf32>
    %max3A_45 = arith.maximumf %add3A_42, %max3A_44 : vector<1024x128xf32>
    %get3A_46 = arith.constant 0 : index
    %get3A_47 = arith.constant 0 : index
    %get3A_48 = vector.load %arg10[%get3A_46, %get3A_47] : memref<128x128xbf16, #tpu.memory_space<vmem>>, vector<128x128xbf16>
    %convert_element_type3A_49 = arith.truncf %max3A_45 : vector<1024x128xf32> to vector<1024x128xbf16>
    %dot_general3A_50 = arith.constant dense<0.000000e+00> : vector<1024x128xf32>
    %dot_general3A_51 = tpu.matmul %convert_element_type3A_49, %get3A_48, %dot_general3A_50 {dimension_numbers = #tpu.dot_dimension_numbers<[1], [0], [0], [1], [0, 0, 1, 1], [], []>, transpose_lhs_hint = false} : vector<1024x128xbf16>, vector<128x128xbf16>, vector<1024x128xf32> -> vector<1024x128xf32>
    %get3A_52 = arith.constant 0 : index
    %get3A_53 = arith.constant 0 : index
    %get3A_54 = vector.load %arg11[%get3A_52, %get3A_53] : memref<1x128xf32, #tpu.memory_space<vmem>>, vector<1x128xf32>
    %add3A_55 = vector.broadcast %get3A_54 : vector<1x128xf32> to vector<1024x128xf32>
    %add3A_56 = arith.addf %dot_general3A_51, %add3A_55 : vector<1024x128xf32>
    %get3A_57 = arith.constant 0 : index
    %get3A_58 = arith.constant 0 : index
    %get3A_59 = vector.load %arg12[%get3A_57, %get3A_58] : memref<1x128xf32, #tpu.memory_space<vmem>>, vector<1x128xf32>
    %get3A_60 = arith.constant 0 : index
    %get3A_61 = arith.constant 0 : index
    %get3A_62 = vector.load %arg13[%get3A_60, %get3A_61] : memref<1x128xf32, #tpu.memory_space<vmem>>, vector<1x128xf32>
    %reduce_sum3A = arith.constant dense<0.000000e+00> : vector<1024xf32>
    %reduce_sum3A_63 = vector.multi_reduction <add>, %add3A_56, %reduce_sum3A [1] : vector<1024x128xf32> to vector<1024xf32>
    %broadcast_in_dim3A = vector.shape_cast %reduce_sum3A_63 : vector<1024xf32> to vector<1024x1xf32>
    %div3A = arith.constant 1.280000e+02 : f32
    %div3A_64 = vector.broadcast %div3A : f32 to vector<1024x1xf32>
    %div3A_65 = arith.divf %broadcast_in_dim3A, %div3A_64 : vector<1024x1xf32>
    %mul3A = arith.mulf %add3A_56, %add3A_56 : vector<1024x128xf32>
    %reduce_sum3A_66 = arith.constant dense<0.000000e+00> : vector<1024xf32>
    %reduce_sum3A_67 = vector.multi_reduction <add>, %mul3A, %reduce_sum3A_66 [1] : vector<1024x128xf32> to vector<1024xf32>
    %broadcast_in_dim3A_68 = vector.shape_cast %reduce_sum3A_67 : vector<1024xf32> to vector<1024x1xf32>
    %div3A_69 = arith.constant 1.280000e+02 : f32
    %div3A_70 = vector.broadcast %div3A_69 : f32 to vector<1024x1xf32>
    %div3A_71 = arith.divf %broadcast_in_dim3A_68, %div3A_70 : vector<1024x1xf32>
    %mul3A_72 = arith.mulf %div3A_65, %div3A_65 : vector<1024x1xf32>
    %sub3A = arith.subf %div3A_71, %mul3A_72 : vector<1024x1xf32>
    %sub3A_73 = vector.broadcast %div3A_65 : vector<1024x1xf32> to vector<1024x128xf32>
    %sub3A_74 = arith.subf %add3A_56, %sub3A_73 : vector<1024x128xf32>
    %add3A_75 = arith.constant 9.99999974E-6 : f32
    %add3A_76 = vector.broadcast %add3A_75 : f32 to vector<1024x1xf32>
    %add3A_77 = arith.addf %sub3A, %add3A_76 : vector<1024x1xf32>
    %rsqrt3A = math.rsqrt %add3A_77 : vector<1024x1xf32>
    %mul3A_78 = vector.broadcast %rsqrt3A : vector<1024x1xf32> to vector<1024x128xf32>
    %mul3A_79 = arith.mulf %sub3A_74, %mul3A_78 : vector<1024x128xf32>
    %mul3A_80 = vector.broadcast %get3A_59 : vector<1x128xf32> to vector<1024x128xf32>
    %mul3A_81 = arith.mulf %mul3A_79, %mul3A_80 : vector<1024x128xf32>
    %add3A_82 = vector.broadcast %get3A_62 : vector<1x128xf32> to vector<1024x128xf32>
    %add3A_83 = arith.addf %mul3A_81, %add3A_82 : vector<1024x128xf32>
    %add3A_84 = arith.addf %get3A_1, %add3A_83 : vector<1024x128xf32>
    %swap3A = arith.constant 0 : index
    %swap3A_85 = arith.constant 0 : index
    %swap3A_86 = vector.load %arg14[%swap3A, %swap3A_85] : memref<1024x128xf32, #tpu.memory_space<vmem>>, vector<1024x128xf32>
    tpu.vector_store %arg14[%swap3A, %swap3A_85], %add3A_84 {strides = array<i32>} : memref<1024x128xf32, #tpu.memory_space<vmem>>, vector<1024x128xf32>,
    return
  }
  func.func @transform_0(%arg0: i32) -> (i32, i32) {
    %c0_i32 = arith.constant 0 : i32
    %c0_i32_0 = arith.constant 0 : i32
    return %arg0, %c0_i32 : i32, i32
  }
  func.func @transform_1(%arg0: i32) -> (i32, i32) {
    %c0_i32 = arith.constant 0 : i32
    %c0_i32_0 = arith.constant 0 : i32
    return %arg0, %c0_i32 : i32, i32
  }
  func.func @transform_2(%arg0: i32) -> (i32, i32) {
    %c0_i32 = arith.constant 0 : i32
    %c0_i32_0 = arith.constant 0 : i32
    return %arg0, %c0_i32 : i32, i32
  }
  func.func @transform_3(%arg0: i32) -> (i32, i32) {
    %c0_i32 = arith.constant 0 : i32
    %c0_i32_0 = arith.constant 0 : i32
    %c0_i32_1 = arith.constant 0 : i32
    return %c0_i32, %c0_i32_0 : i32, i32
  }
  func.func @transform_4(%arg0: i32) -> (i32, i32) {
    %c0_i32 = arith.constant 0 : i32
    %c0_i32_0 = arith.constant 0 : i32
    %c0_i32_1 = arith.constant 0 : i32
    return %c0_i32, %c0_i32_0 : i32, i32
  }
  func.func @transform_5(%arg0: i32) -> (i32, i32) {
    %c0_i32 = arith.constant 0 : i32
    %c0_i32_0 = arith.constant 0 : i32
    %c0_i32_1 = arith.constant 0 : i32
    return %c0_i32, %c0_i32_0 : i32, i32
  }
  func.func @transform_6(%arg0: i32) -> (i32, i32) {
    %c0_i32 = arith.constant 0 : i32
    %c0_i32_0 = arith.constant 0 : i32
    %c0_i32_1 = arith.constant 0 : i32
    return %c0_i32, %c0_i32_0 : i32, i32
  }
  func.func @transform_7(%arg0: i32) -> (i32, i32) {
    %c0_i32 = arith.constant 0 : i32
    %c0_i32_0 = arith.constant 0 : i32
    %c0_i32_1 = arith.constant 0 : i32
    return %c0_i32, %c0_i32_0 : i32, i32
  }
  func.func @transform_8(%arg0: i32) -> (i32, i32) {
    %c0_i32 = arith.constant 0 : i32
    %c0_i32_0 = arith.constant 0 : i32
    %c0_i32_1 = arith.constant 0 : i32
    return %c0_i32, %c0_i32_0 : i32, i32
  }
  func.func @transform_9(%arg0: i32) -> (i32, i32) {
    %c0_i32 = arith.constant 0 : i32
    %c0_i32_0 = arith.constant 0 : i32
    %c0_i32_1 = arith.constant 0 : i32
    return %c0_i32, %c0_i32_0 : i32, i32
  }
  func.func @transform_10(%arg0: i32) -> (i32, i32) {
    %c0_i32 = arith.constant 0 : i32
    %c0_i32_0 = arith.constant 0 : i32
    %c0_i32_1 = arith.constant 0 : i32
    return %c0_i32, %c0_i32_0 : i32, i32
  }
  func.func @transform_11(%arg0: i32) -> (i32, i32) {
    %c0_i32 = arith.constant 0 : i32
    %c0_i32_0 = arith.constant 0 : i32
    %c0_i32_1 = arith.constant 0 : i32
    return %c0_i32, %c0_i32_0 : i32, i32
  }
  func.func @transform_12(%arg0: i32) -> (i32, i32) {
    %c0_i32 = arith.constant 0 : i32
    %c0_i32_0 = arith.constant 0 : i32
    %c0_i32_1 = arith.constant 0 : i32
    return %c0_i32, %c0_i32_0 : i32, i32
  }
  func.func @transform_13(%arg0: i32) -> (i32, i32) {
    %c0_i32 = arith.constant 0 : i32
    %c0_i32_0 = arith.constant 0 : i32
    return %arg0, %c0_i32 : i32, i32
  }
}

module attributes {stable_mosaic.version = 14 : i64} {
  func.func @_node_blk_k(%arg0: i32, %arg1: memref<1024x128xf32, #tpu.memory_space<vmem>>, %arg2: memref<1024x128xf32, #tpu.memory_space<vmem>>, %arg3: memref<128x128xbf16, #tpu.memory_space<vmem>>, %arg4: memref<128x128xbf16, #tpu.memory_space<vmem>>, %arg5: memref<1x128xf32, #tpu.memory_space<vmem>>, %arg6: memref<128x128xbf16, #tpu.memory_space<vmem>>, %arg7: memref<1x128xf32, #tpu.memory_space<vmem>>, %arg8: memref<128x128xbf16, #tpu.memory_space<vmem>>, %arg9: memref<1x128xf32, #tpu.memory_space<vmem>>, %arg10: memref<1x128xf32, #tpu.memory_space<vmem>>, %arg11: memref<1x128xf32, #tpu.memory_space<vmem>>, %arg12: memref<1024x128xf32, #tpu.memory_space<vmem>>, %arg13: memref<1024x128xbf16, #tpu.memory_space<vmem>>) attributes {dimension_semantics = [#tpu.dimension_semantics<arbitrary>], iteration_bounds = array<i64: 50>, scalar_prefetch = 0 : i64, scratch_operands = 0 : i64, tpu.core_type = #tpu.core_type<tc>, window_params = [{transform_indices = @transform_0, window_bounds = array<i64: 1024, 128>}, {transform_indices = @transform_1, window_bounds = array<i64: 1024, 128>}, {pipeline_mode = #tpu.pipeline_mode<synchronous>, transform_indices = @transform_2, window_bounds = array<i64: 128, 128>}, {pipeline_mode = #tpu.pipeline_mode<synchronous>, transform_indices = @transform_3, window_bounds = array<i64: 128, 128>}, {pipeline_mode = #tpu.pipeline_mode<synchronous>, transform_indices = @transform_4, window_bounds = array<i64: 1, 128>}, {pipeline_mode = #tpu.pipeline_mode<synchronous>, transform_indices = @transform_5, window_bounds = array<i64: 128, 128>}, {pipeline_mode = #tpu.pipeline_mode<synchronous>, transform_indices = @transform_6, window_bounds = array<i64: 1, 128>}, {pipeline_mode = #tpu.pipeline_mode<synchronous>, transform_indices = @transform_7, window_bounds = array<i64: 128, 128>}, {pipeline_mode = #tpu.pipeline_mode<synchronous>, transform_indices = @transform_8, window_bounds = array<i64: 1, 128>}, {pipeline_mode = #tpu.pipeline_mode<synchronous>, transform_indices = @transform_9, window_bounds = array<i64: 1, 128>}, {pipeline_mode = #tpu.pipeline_mode<synchronous>, transform_indices = @transform_10, window_bounds = array<i64: 1, 128>}, {transform_indices = @transform_11, window_bounds = array<i64: 1024, 128>}, {transform_indices = @transform_12, window_bounds = array<i64: 1024, 128>}]} {
    %get3A = arith.constant 0 : index
    %get3A_0 = arith.constant 0 : index
    %get3A_1 = vector.load %arg1[%get3A, %get3A_0] : memref<1024x128xf32, #tpu.memory_space<vmem>>, vector<1024x128xf32>
    %get3A_2 = arith.constant 0 : index
    %get3A_3 = arith.constant 0 : index
    %get3A_4 = vector.load %arg3[%get3A_2, %get3A_3] : memref<128x128xbf16, #tpu.memory_space<vmem>>, vector<128x128xbf16>
    %convert_element_type3A = arith.truncf %get3A_1 : vector<1024x128xf32> to vector<1024x128xbf16>
    %dot_general3A = arith.constant dense<0.000000e+00> : vector<1024x128xf32>
    %dot_general3A_5 = tpu.matmul %convert_element_type3A, %get3A_4, %dot_general3A {dimension_numbers = #tpu.dot_dimension_numbers<[1], [0], [0], [1], [0, 0, 1, 1], [], []>, transpose_lhs_hint = false} : vector<1024x128xbf16>, vector<128x128xbf16>, vector<1024x128xf32> -> vector<1024x128xf32>
    %get3A_6 = arith.constant 0 : index
    %get3A_7 = arith.constant 0 : index
    %get3A_8 = vector.load %arg2[%get3A_6, %get3A_7] : memref<1024x128xf32, #tpu.memory_space<vmem>>, vector<1024x128xf32>
    %get3A_9 = arith.constant 0 : index
    %get3A_10 = arith.constant 0 : index
    %get3A_11 = vector.load %arg4[%get3A_9, %get3A_10] : memref<128x128xbf16, #tpu.memory_space<vmem>>, vector<128x128xbf16>
    %convert_element_type3A_12 = arith.truncf %get3A_8 : vector<1024x128xf32> to vector<1024x128xbf16>
    %dot_general3A_13 = arith.constant dense<0.000000e+00> : vector<1024x128xf32>
    %dot_general3A_14 = tpu.matmul %convert_element_type3A_12, %get3A_11, %dot_general3A_13 {dimension_numbers = #tpu.dot_dimension_numbers<[1], [0], [0], [1], [0, 0, 1, 1], [], []>, transpose_lhs_hint = false} : vector<1024x128xbf16>, vector<128x128xbf16>, vector<1024x128xf32> -> vector<1024x128xf32>
    %add3A = arith.addf %dot_general3A_5, %dot_general3A_14 : vector<1024x128xf32>
    %get3A_15 = arith.constant 0 : index
    %get3A_16 = arith.constant 0 : index
    %get3A_17 = vector.load %arg5[%get3A_15, %get3A_16] : memref<1x128xf32, #tpu.memory_space<vmem>>, vector<1x128xf32>
    %add3A_18 = vector.broadcast %get3A_17 : vector<1x128xf32> to vector<1024x128xf32>
    %add3A_19 = arith.addf %add3A, %add3A_18 : vector<1024x128xf32>
    %max3A = arith.constant 0.000000e+00 : f32
    %max3A_20 = vector.broadcast %max3A : f32 to vector<1024x128xf32>
    %max3A_21 = arith.maximumf %add3A_19, %max3A_20 : vector<1024x128xf32>
    %get3A_22 = arith.constant 0 : index
    %get3A_23 = arith.constant 0 : index
    %get3A_24 = vector.load %arg6[%get3A_22, %get3A_23] : memref<128x128xbf16, #tpu.memory_space<vmem>>, vector<128x128xbf16>
    %convert_element_type3A_25 = arith.truncf %max3A_21 : vector<1024x128xf32> to vector<1024x128xbf16>
    %dot_general3A_26 = arith.constant dense<0.000000e+00> : vector<1024x128xf32>
    %dot_general3A_27 = tpu.matmul %convert_element_type3A_25, %get3A_24, %dot_general3A_26 {dimension_numbers = #tpu.dot_dimension_numbers<[1], [0], [0], [1], [0, 0, 1, 1], [], []>, transpose_lhs_hint = false} : vector<1024x128xbf16>, vector<128x128xbf16>, vector<1024x128xf32> -> vector<1024x128xf32>
    %get3A_28 = arith.constant 0 : index
    %get3A_29 = arith.constant 0 : index
    %get3A_30 = vector.load %arg7[%get3A_28, %get3A_29] : memref<1x128xf32, #tpu.memory_space<vmem>>, vector<1x128xf32>
    %add3A_31 = vector.broadcast %get3A_30 : vector<1x128xf32> to vector<1024x128xf32>
    %add3A_32 = arith.addf %dot_general3A_27, %add3A_31 : vector<1024x128xf32>
    %max3A_33 = arith.constant 0.000000e+00 : f32
    %max3A_34 = vector.broadcast %max3A_33 : f32 to vector<1024x128xf32>
    %max3A_35 = arith.maximumf %add3A_32, %max3A_34 : vector<1024x128xf32>
    %get3A_36 = arith.constant 0 : index
    %get3A_37 = arith.constant 0 : index
    %get3A_38 = vector.load %arg8[%get3A_36, %get3A_37] : memref<128x128xbf16, #tpu.memory_space<vmem>>, vector<128x128xbf16>
    %convert_element_type3A_39 = arith.truncf %max3A_35 : vector<1024x128xf32> to vector<1024x128xbf16>
    %dot_general3A_40 = arith.constant dense<0.000000e+00> : vector<1024x128xf32>
    %dot_general3A_41 = tpu.matmul %convert_element_type3A_39, %get3A_38, %dot_general3A_40 {dimension_numbers = #tpu.dot_dimension_numbers<[1], [0], [0], [1], [0, 0, 1, 1], [], []>, transpose_lhs_hint = false} : vector<1024x128xbf16>, vector<128x128xbf16>, vector<1024x128xf32> -> vector<1024x128xf32>
    %get3A_42 = arith.constant 0 : index
    %get3A_43 = arith.constant 0 : index
    %get3A_44 = vector.load %arg9[%get3A_42, %get3A_43] : memref<1x128xf32, #tpu.memory_space<vmem>>, vector<1x128xf32>
    %add3A_45 = vector.broadcast %get3A_44 : vector<1x128xf32> to vector<1024x128xf32>
    %add3A_46 = arith.addf %dot_general3A_41, %add3A_45 : vector<1024x128xf32>
    %get3A_47 = arith.constant 0 : index
    %get3A_48 = arith.constant 0 : index
    %get3A_49 = vector.load %arg10[%get3A_47, %get3A_48] : memref<1x128xf32, #tpu.memory_space<vmem>>, vector<1x128xf32>
    %get3A_50 = arith.constant 0 : index
    %get3A_51 = arith.constant 0 : index
    %get3A_52 = vector.load %arg11[%get3A_50, %get3A_51] : memref<1x128xf32, #tpu.memory_space<vmem>>, vector<1x128xf32>
    %reduce_sum3A = arith.constant dense<0.000000e+00> : vector<1024xf32>
    %reduce_sum3A_53 = vector.multi_reduction <add>, %add3A_46, %reduce_sum3A [1] : vector<1024x128xf32> to vector<1024xf32>
    %broadcast_in_dim3A = vector.shape_cast %reduce_sum3A_53 : vector<1024xf32> to vector<1024x1xf32>
    %div3A = arith.constant 1.280000e+02 : f32
    %div3A_54 = vector.broadcast %div3A : f32 to vector<1024x1xf32>
    %div3A_55 = arith.divf %broadcast_in_dim3A, %div3A_54 : vector<1024x1xf32>
    %mul3A = arith.mulf %add3A_46, %add3A_46 : vector<1024x128xf32>
    %reduce_sum3A_56 = arith.constant dense<0.000000e+00> : vector<1024xf32>
    %reduce_sum3A_57 = vector.multi_reduction <add>, %mul3A, %reduce_sum3A_56 [1] : vector<1024x128xf32> to vector<1024xf32>
    %broadcast_in_dim3A_58 = vector.shape_cast %reduce_sum3A_57 : vector<1024xf32> to vector<1024x1xf32>
    %div3A_59 = arith.constant 1.280000e+02 : f32
    %div3A_60 = vector.broadcast %div3A_59 : f32 to vector<1024x1xf32>
    %div3A_61 = arith.divf %broadcast_in_dim3A_58, %div3A_60 : vector<1024x1xf32>
    %mul3A_62 = arith.mulf %div3A_55, %div3A_55 : vector<1024x1xf32>
    %sub3A = arith.subf %div3A_61, %mul3A_62 : vector<1024x1xf32>
    %sub3A_63 = vector.broadcast %div3A_55 : vector<1024x1xf32> to vector<1024x128xf32>
    %sub3A_64 = arith.subf %add3A_46, %sub3A_63 : vector<1024x128xf32>
    %add3A_65 = arith.constant 9.99999974E-6 : f32
    %add3A_66 = vector.broadcast %add3A_65 : f32 to vector<1024x1xf32>
    %add3A_67 = arith.addf %sub3A, %add3A_66 : vector<1024x1xf32>
    %rsqrt3A = math.rsqrt %add3A_67 : vector<1024x1xf32>
    %mul3A_68 = vector.broadcast %rsqrt3A : vector<1024x1xf32> to vector<1024x128xf32>
    %mul3A_69 = arith.mulf %sub3A_64, %mul3A_68 : vector<1024x128xf32>
    %mul3A_70 = vector.broadcast %get3A_49 : vector<1x128xf32> to vector<1024x128xf32>
    %mul3A_71 = arith.mulf %mul3A_69, %mul3A_70 : vector<1024x128xf32>
    %add3A_72 = vector.broadcast %get3A_52 : vector<1x128xf32> to vector<1024x128xf32>
    %add3A_73 = arith.addf %mul3A_71, %add3A_72 : vector<1024x128xf32>
    %add3A_74 = arith.addf %get3A_1, %add3A_73 : vector<1024x128xf32>
    %swap3A = arith.constant 0 : index
    %swap3A_75 = arith.constant 0 : index
    %swap3A_76 = vector.load %arg12[%swap3A, %swap3A_75] : memref<1024x128xf32, #tpu.memory_space<vmem>>, vector<1024x128xf32>
    tpu.vector_store %arg12[%swap3A, %swap3A_75], %add3A_74 {strides = array<i32>} : memref<1024x128xf32, #tpu.memory_space<vmem>>, vector<1024x128xf32>,
    %convert_element_type3A_77 = arith.truncf %add3A_74 : vector<1024x128xf32> to vector<1024x128xbf16>
    %swap3A_78 = arith.constant 0 : index
    %swap3A_79 = arith.constant 0 : index
    %swap3A_80 = vector.load %arg13[%swap3A_78, %swap3A_79] : memref<1024x128xbf16, #tpu.memory_space<vmem>>, vector<1024x128xbf16>
    tpu.vector_store %arg13[%swap3A_78, %swap3A_79], %convert_element_type3A_77 {strides = array<i32>} : memref<1024x128xbf16, #tpu.memory_space<vmem>>, vector<1024x128xbf16>,
    return
  }
  func.func @transform_0(%arg0: i32) -> (i32, i32) {
    %c0_i32 = arith.constant 0 : i32
    %c0_i32_0 = arith.constant 0 : i32
    return %arg0, %c0_i32 : i32, i32
  }
  func.func @transform_1(%arg0: i32) -> (i32, i32) {
    %c0_i32 = arith.constant 0 : i32
    %c0_i32_0 = arith.constant 0 : i32
    return %arg0, %c0_i32 : i32, i32
  }
  func.func @transform_2(%arg0: i32) -> (i32, i32) {
    %c0_i32 = arith.constant 0 : i32
    %c0_i32_0 = arith.constant 0 : i32
    %c0_i32_1 = arith.constant 0 : i32
    return %c0_i32, %c0_i32_0 : i32, i32
  }
  func.func @transform_3(%arg0: i32) -> (i32, i32) {
    %c0_i32 = arith.constant 0 : i32
    %c0_i32_0 = arith.constant 0 : i32
    %c0_i32_1 = arith.constant 0 : i32
    return %c0_i32, %c0_i32_0 : i32, i32
  }
  func.func @transform_4(%arg0: i32) -> (i32, i32) {
    %c0_i32 = arith.constant 0 : i32
    %c0_i32_0 = arith.constant 0 : i32
    %c0_i32_1 = arith.constant 0 : i32
    return %c0_i32, %c0_i32_0 : i32, i32
  }
  func.func @transform_5(%arg0: i32) -> (i32, i32) {
    %c0_i32 = arith.constant 0 : i32
    %c0_i32_0 = arith.constant 0 : i32
    %c0_i32_1 = arith.constant 0 : i32
    return %c0_i32, %c0_i32_0 : i32, i32
  }
  func.func @transform_6(%arg0: i32) -> (i32, i32) {
    %c0_i32 = arith.constant 0 : i32
    %c0_i32_0 = arith.constant 0 : i32
    %c0_i32_1 = arith.constant 0 : i32
    return %c0_i32, %c0_i32_0 : i32, i32
  }
  func.func @transform_7(%arg0: i32) -> (i32, i32) {
    %c0_i32 = arith.constant 0 : i32
    %c0_i32_0 = arith.constant 0 : i32
    %c0_i32_1 = arith.constant 0 : i32
    return %c0_i32, %c0_i32_0 : i32, i32
  }
  func.func @transform_8(%arg0: i32) -> (i32, i32) {
    %c0_i32 = arith.constant 0 : i32
    %c0_i32_0 = arith.constant 0 : i32
    %c0_i32_1 = arith.constant 0 : i32
    return %c0_i32, %c0_i32_0 : i32, i32
  }
  func.func @transform_9(%arg0: i32) -> (i32, i32) {
    %c0_i32 = arith.constant 0 : i32
    %c0_i32_0 = arith.constant 0 : i32
    %c0_i32_1 = arith.constant 0 : i32
    return %c0_i32, %c0_i32_0 : i32, i32
  }
  func.func @transform_10(%arg0: i32) -> (i32, i32) {
    %c0_i32 = arith.constant 0 : i32
    %c0_i32_0 = arith.constant 0 : i32
    %c0_i32_1 = arith.constant 0 : i32
    return %c0_i32, %c0_i32_0 : i32, i32
  }
  func.func @transform_11(%arg0: i32) -> (i32, i32) {
    %c0_i32 = arith.constant 0 : i32
    %c0_i32_0 = arith.constant 0 : i32
    return %arg0, %c0_i32 : i32, i32
  }
  func.func @transform_12(%arg0: i32) -> (i32, i32) {
    %c0_i32 = arith.constant 0 : i32
    %c0_i32_0 = arith.constant 0 : i32
    return %arg0, %c0_i32 : i32, i32
  }
}

module attributes {stable_mosaic.version = 14 : i64} {
  func.func @_dec_k(%arg0: i32, %arg1: memref<1024x128xf32, #tpu.memory_space<vmem>>, %arg2: memref<1024x3xf32, #tpu.memory_space<vmem>>, %arg3: memref<1024x3xf32, #tpu.memory_space<vmem>>, %arg4: memref<128x128xbf16, #tpu.memory_space<vmem>>, %arg5: memref<1x128xf32, #tpu.memory_space<vmem>>, %arg6: memref<128x128xbf16, #tpu.memory_space<vmem>>, %arg7: memref<1x128xf32, #tpu.memory_space<vmem>>, %arg8: memref<128x3xbf16, #tpu.memory_space<vmem>>, %arg9: memref<1x3xf32, #tpu.memory_space<vmem>>, %arg10: memref<1024x3xf32, #tpu.memory_space<vmem>>) attributes {dimension_semantics = [#tpu.dimension_semantics<arbitrary>], iteration_bounds = array<i64: 50>, scalar_prefetch = 0 : i64, scratch_operands = 0 : i64, tpu.core_type = #tpu.core_type<tc>, window_params = [{transform_indices = @transform_0, window_bounds = array<i64: 1024, 128>}, {transform_indices = @transform_1, window_bounds = array<i64: 1024, 3>}, {transform_indices = @transform_2, window_bounds = array<i64: 1024, 3>}, {pipeline_mode = #tpu.pipeline_mode<synchronous>, transform_indices = @transform_3, window_bounds = array<i64: 128, 128>}, {pipeline_mode = #tpu.pipeline_mode<synchronous>, transform_indices = @transform_4, window_bounds = array<i64: 1, 128>}, {pipeline_mode = #tpu.pipeline_mode<synchronous>, transform_indices = @transform_5, window_bounds = array<i64: 128, 128>}, {pipeline_mode = #tpu.pipeline_mode<synchronous>, transform_indices = @transform_6, window_bounds = array<i64: 1, 128>}, {pipeline_mode = #tpu.pipeline_mode<synchronous>, transform_indices = @transform_7, window_bounds = array<i64: 128, 3>}, {pipeline_mode = #tpu.pipeline_mode<synchronous>, transform_indices = @transform_8, window_bounds = array<i64: 1, 3>}, {transform_indices = @transform_9, window_bounds = array<i64: 1024, 3>}]} {
    %get3A = arith.constant 0 : index
    %get3A_0 = arith.constant 0 : index
    %get3A_1 = vector.load %arg1[%get3A, %get3A_0] : memref<1024x128xf32, #tpu.memory_space<vmem>>, vector<1024x128xf32>
    %get3A_2 = arith.constant 0 : index
    %get3A_3 = arith.constant 0 : index
    %get3A_4 = vector.load %arg4[%get3A_2, %get3A_3] : memref<128x128xbf16, #tpu.memory_space<vmem>>, vector<128x128xbf16>
    %convert_element_type3A = arith.truncf %get3A_1 : vector<1024x128xf32> to vector<1024x128xbf16>
    %dot_general3A = arith.constant dense<0.000000e+00> : vector<1024x128xf32>
    %dot_general3A_5 = tpu.matmul %convert_element_type3A, %get3A_4, %dot_general3A {dimension_numbers = #tpu.dot_dimension_numbers<[1], [0], [0], [1], [0, 0, 1, 1], [], []>, transpose_lhs_hint = false} : vector<1024x128xbf16>, vector<128x128xbf16>, vector<1024x128xf32> -> vector<1024x128xf32>
    %get3A_6 = arith.constant 0 : index
    %get3A_7 = arith.constant 0 : index
    %get3A_8 = vector.load %arg5[%get3A_6, %get3A_7] : memref<1x128xf32, #tpu.memory_space<vmem>>, vector<1x128xf32>
    %add3A = vector.broadcast %get3A_8 : vector<1x128xf32> to vector<1024x128xf32>
    %add3A_9 = arith.addf %dot_general3A_5, %add3A : vector<1024x128xf32>
    %max3A = arith.constant 0.000000e+00 : f32
    %max3A_10 = vector.broadcast %max3A : f32 to vector<1024x128xf32>
    %max3A_11 = arith.maximumf %add3A_9, %max3A_10 : vector<1024x128xf32>
    %get3A_12 = arith.constant 0 : index
    %get3A_13 = arith.constant 0 : index
    %get3A_14 = vector.load %arg6[%get3A_12, %get3A_13] : memref<128x128xbf16, #tpu.memory_space<vmem>>, vector<128x128xbf16>
    %convert_element_type3A_15 = arith.truncf %max3A_11 : vector<1024x128xf32> to vector<1024x128xbf16>
    %dot_general3A_16 = arith.constant dense<0.000000e+00> : vector<1024x128xf32>
    %dot_general3A_17 = tpu.matmul %convert_element_type3A_15, %get3A_14, %dot_general3A_16 {dimension_numbers = #tpu.dot_dimension_numbers<[1], [0], [0], [1], [0, 0, 1, 1], [], []>, transpose_lhs_hint = false} : vector<1024x128xbf16>, vector<128x128xbf16>, vector<1024x128xf32> -> vector<1024x128xf32>
    %get3A_18 = arith.constant 0 : index
    %get3A_19 = arith.constant 0 : index
    %get3A_20 = vector.load %arg7[%get3A_18, %get3A_19] : memref<1x128xf32, #tpu.memory_space<vmem>>, vector<1x128xf32>
    %add3A_21 = vector.broadcast %get3A_20 : vector<1x128xf32> to vector<1024x128xf32>
    %add3A_22 = arith.addf %dot_general3A_17, %add3A_21 : vector<1024x128xf32>
    %max3A_23 = arith.constant 0.000000e+00 : f32
    %max3A_24 = vector.broadcast %max3A_23 : f32 to vector<1024x128xf32>
    %max3A_25 = arith.maximumf %add3A_22, %max3A_24 : vector<1024x128xf32>
    %get3A_26 = arith.constant 0 : index
    %get3A_27 = arith.constant 0 : index
    %get3A_28 = vector.load %arg8[%get3A_26, %get3A_27] : memref<128x3xbf16, #tpu.memory_space<vmem>>, vector<128x3xbf16>
    %convert_element_type3A_29 = arith.truncf %max3A_25 : vector<1024x128xf32> to vector<1024x128xbf16>
    %dot_general3A_30 = arith.constant dense<0.000000e+00> : vector<1024x3xf32>
    %dot_general3A_31 = tpu.matmul %convert_element_type3A_29, %get3A_28, %dot_general3A_30 {dimension_numbers = #tpu.dot_dimension_numbers<[1], [0], [0], [1], [0, 0, 1, 1], [], []>, transpose_lhs_hint = false} : vector<1024x128xbf16>, vector<128x3xbf16>, vector<1024x3xf32> -> vector<1024x3xf32>
    %get3A_32 = arith.constant 0 : index
    %get3A_33 = arith.constant 0 : index
    %get3A_34 = vector.load %arg9[%get3A_32, %get3A_33] : memref<1x3xf32, #tpu.memory_space<vmem>>, vector<1x3xf32>
    %add3A_35 = vector.broadcast %get3A_34 : vector<1x3xf32> to vector<1024x3xf32>
    %add3A_36 = arith.addf %dot_general3A_31, %add3A_35 : vector<1024x3xf32>
    %get3A_37 = arith.constant 0 : index
    %get3A_38 = arith.constant 0 : index
    %get3A_39 = vector.load %arg2[%get3A_37, %get3A_38] : memref<1024x3xf32, #tpu.memory_space<vmem>>, vector<1024x3xf32>
    %mul3A = arith.constant 2.000000e+00 : f32
    %mul3A_40 = vector.broadcast %mul3A : f32 to vector<1024x3xf32>
    %mul3A_41 = arith.mulf %mul3A_40, %get3A_39 : vector<1024x3xf32>
    %add3A_42 = arith.addf %mul3A_41, %add3A_36 : vector<1024x3xf32>
    %get3A_43 = arith.constant 0 : index
    %get3A_44 = arith.constant 0 : index
    %get3A_45 = vector.load %arg3[%get3A_43, %get3A_44] : memref<1024x3xf32, #tpu.memory_space<vmem>>, vector<1024x3xf32>
    %sub3A = arith.subf %add3A_42, %get3A_45 : vector<1024x3xf32>
    %swap3A = arith.constant 0 : index
    %swap3A_46 = arith.constant 0 : index
    %swap3A_47 = vector.load %arg10[%swap3A, %swap3A_46] : memref<1024x3xf32, #tpu.memory_space<vmem>>, vector<1024x3xf32>
    tpu.vector_store %arg10[%swap3A, %swap3A_46], %sub3A {strides = array<i32>} : memref<1024x3xf32, #tpu.memory_space<vmem>>, vector<1024x3xf32>,
    return
  }
  func.func @transform_0(%arg0: i32) -> (i32, i32) {
    %c0_i32 = arith.constant 0 : i32
    %c0_i32_0 = arith.constant 0 : i32
    return %arg0, %c0_i32 : i32, i32
  }
  func.func @transform_1(%arg0: i32) -> (i32, i32) {
    %c0_i32 = arith.constant 0 : i32
    %c0_i32_0 = arith.constant 0 : i32
    return %arg0, %c0_i32 : i32, i32
  }
  func.func @transform_2(%arg0: i32) -> (i32, i32) {
    %c0_i32 = arith.constant 0 : i32
    %c0_i32_0 = arith.constant 0 : i32
    return %arg0, %c0_i32 : i32, i32
  }
  func.func @transform_3(%arg0: i32) -> (i32, i32) {
    %c0_i32 = arith.constant 0 : i32
    %c0_i32_0 = arith.constant 0 : i32
    %c0_i32_1 = arith.constant 0 : i32
    return %c0_i32, %c0_i32_0 : i32, i32
  }
  func.func @transform_4(%arg0: i32) -> (i32, i32) {
    %c0_i32 = arith.constant 0 : i32
    %c0_i32_0 = arith.constant 0 : i32
    %c0_i32_1 = arith.constant 0 : i32
    return %c0_i32, %c0_i32_0 : i32, i32
  }
  func.func @transform_5(%arg0: i32) -> (i32, i32) {
    %c0_i32 = arith.constant 0 : i32
    %c0_i32_0 = arith.constant 0 : i32
    %c0_i32_1 = arith.constant 0 : i32
    return %c0_i32, %c0_i32_0 : i32, i32
  }
  func.func @transform_6(%arg0: i32) -> (i32, i32) {
    %c0_i32 = arith.constant 0 : i32
    %c0_i32_0 = arith.constant 0 : i32
    %c0_i32_1 = arith.constant 0 : i32
    return %c0_i32, %c0_i32_0 : i32, i32
  }
  func.func @transform_7(%arg0: i32) -> (i32, i32) {
    %c0_i32 = arith.constant 0 : i32
    %c0_i32_0 = arith.constant 0 : i32
    %c0_i32_1 = arith.constant 0 : i32
    return %c0_i32, %c0_i32_0 : i32, i32
  }
  func.func @transform_8(%arg0: i32) -> (i32, i32) {
    %c0_i32 = arith.constant 0 : i32
    %c0_i32_0 = arith.constant 0 : i32
    %c0_i32_1 = arith.constant 0 : i32
    return %c0_i32, %c0_i32_0 : i32, i32
  }
  func.func @transform_9(%arg0: i32) -> (i32, i32) {
    %c0_i32 = arith.constant 0 : i32
    %c0_i32_0 = arith.constant 0 : i32
    return %arg0, %c0_i32 : i32, i32
  }
}

</mosaic_0001>

<sc_bundles>
// kernel: closed_call.26.cloned.1.call-start
scs
__scs_entry_jumppad:
0x0: {  	(pc) =	sbr.rel $0x88, $3  }
0x1: {  	(tag) =	ssettag $0x0;
	lr =	simm.s32 $0x1  }
0x2: {  	[smem:$0x3E90] =	sst lr;
	_ =	strace $0xD0000000  }
0x3: {  	_ = 	snop  }
0x4: {  	_ = 	snop  }
0x5: {  	_ = 	snop  }
0x6: {  	_ = 	snop  }
0x7: {  	_ = 	snop  }
__scs_overlays_trampoline_lowered:
0x8: {  	[smem:$0x3E9F] =	sst s0  }
0x9: {  	[smem:$0x3EA0] =	sst s1  }
0xa: {  	[smem:$0x3EA1] =	sst s2  }
0xb: {  	[smem:$0x3EA2] =	sst s3  }
0xc: {  	[smem:$0x3EA3] =	sst s4  }
0xd: {  	[smem:$0x3EA4] =	sst s5  }
0xe: {  	[smem:$0x3EA5] =	sst s6  }
0xf: {  	[smem:$0x3EA6] =	sst s7  }
0x10: {  	[smem:$0x3EA7] =	sst s8  }
0x11: {  	[smem:$0x3EA8] =	sst s9;
	s0 =	simm.s32 @!p0 $0x0  }
0x12: {  	s1 =	sld [smem:$0x3E8E];
	s0 =	simm.s32 @p0 $0x1  }
0x13: {  	[smem:$0x3EA9] =	sst s0;
	s0 =	simm.s32 @!p1 $0x0  }
0x14: {  	s2 =	sld [smem:$0x3E8D];
	s0 =	simm.s32 @p1 $0x1  }
0x15: {  	[smem:$0x3EAA] =	sst s0;
	s0 =	simm.s32 @!p2 $0x0  }
0x16: {  	s3 =	sld [smem:$0x3FDB];
	s0 =	simm.s32 @p2 $0x1  }
0x17: {  	s4 =	simm.s32 $0x1BF5;
	[smem:$0x3EAC] =	sst s0  }
0x18: {  	s0 =	sld [smem:$0x3E8F];
	_ =	swait.ge [sflag:s4], $0x0  }
0x19: {  	s7 =	sld [smem:$0x3E90]  }
0x1a: {  	s8 =	sadd.s32 $0xFFFFE003, lr  }
0x1b: {  	s9 =	sadd.s32 $0xFFFFFEF7, lr;
	s5 =	simm.s32 $0xFFFFFFFF;
	p2 =	slt.u32 s8, $0xFFFFF086  }
0x1c: {  	p1 =	slt.u32 s9, $0xF7A;
	s5 =	simm.s32 @!p2 $0x0  }
0x1d: {  	s5 =	simm.s32 @p1 $0x1;
	p0 =	seq.s32 s7, s2  }
0x1e: {  	s7 =	smul.u32 @!p0 $0xF7A, s2;
	p2 =	seq.s32 @!p0 s5, $0x0  }
0x1f: {  	s9 =	smul.u32 $0xF7A, s1;
	s8 =	simm.s32 @!p0 $0x1BF5;
	p2 =	por !p2, p0  }
0x20: {  	[sflag:s8] =	ssyncset.s32 @!p0 $0xFFFFF086;
	s6 =	sadd.s32 @!p0 s3, s7;
	s7 =	simm.s32 @!p0 $0x108  }
0x21: {  	s3 =	sadd.s32 s3, s9;
	s6 =	sadd.s32 @!p0 $0x88, s6;
	s7 =	simm.s32 @p2 $0x1082  }
0x22: {  	[simem:s7], [sflag:s8] =	dma.local @!p0 [hbm:s6], $0xF7A  }
0x23: {  	s9 =	sor.u32 $0xD0000000, s2;
	s6 =	simm.s32 $0x108;
	_ =	swait.ge @!p0 [sflag:s8], $0x0  }
0x24: {  	s3 =	sadd.s32 $0x88, s3;
	s6 =	simm.s32 @!p1 $0x1082;
	[sflag:s4] =	ssyncset.s32 $0xFFFFF086  }
0x25: {  	[simem:s6], [sflag:s4] =	dma.local [hbm:s3], $0xF7A  }
0x26: {  	[smem:$0x3E90] =	sst s1;
	(tag) =	ssettag s2;
	_ =	strace s9  }
0x27: {  	s1 =	sld [smem:$0x3EA0]  }
0x28: {  	s2 =	sld [smem:$0x3EA1]  }
0x29: {  	s4 =	sld [smem:$0x3EA3]  }
0x2a: {  	p0 =	seq.s32 s5, $0x0;
	s5 =	sld [smem:$0x3EA4]  }
0x2b: {  	s6 =	sld [smem:$0x3EA5]  }
0x2c: {  	s7 =	sld [smem:$0x3EA6]  }
0x2d: {  	s3 =	simm.s32 $0x108;
	s8 =	sld [smem:$0x3EA7]  }
0x2e: {  	s3 =	simm.s32 @!p0 $0x1082;
	s9 =	sld [smem:$0x3EA8]  }
0x2f: {  	lr =	sadd.s32 s0, s3;
	s0 =	sld [smem:$0x3E9F]  }
0x30: {  	s3 =	sld [smem:$0x3EA2]  }
0x31: {  	[smem:$0x3EAB] =	sst s10  }
0x32: {  	s10 =	sld [smem:$0x3EA9];
	_ =	sdelay $0x3  }
0x33: {  	p0 =	seq.s32 s10, $0x1;
	s10 =	sld [smem:$0x3EAB];
	_ =	sdelay $0x3  }
0x34: {  	[smem:$0x3EAB] =	sst s10  }
0x35: {  	s10 =	sld [smem:$0x3EAA];
	_ =	sdelay $0x3  }
0x36: {  	p1 =	seq.s32 s10, $0x1;
	s10 =	sld [smem:$0x3EAB];
	_ =	sdelay $0x3  }
0x37: {  	[smem:$0x3EAB] =	sst s10  }
0x38: {  	s10 =	sld [smem:$0x3EAC]  }
0x39: {  	_ = 	snop;
	(pc) =	sbr.ind lr, $3  }
0x3a: {  	_ = 	snop  }
0x3b: {  	_ = 	snop  }
0x3c: {  	p2 =	seq.s32 s10, $0x1;
	s10 =	sld [smem:$0x3EAB]  }
0x3d: {  	_ =	shalt  }
0x3e: {  	_ =	shalt  }
0x3f: {  	_ =	shalt  }
0x40: {  	_ =	shalt  }
0x41: {  	_ =	shalt  }
0x42: {  	_ =	shalt  }
0x43: {  	_ =	shalt  }
0x44: {  	_ =	shalt  }
0x45: {  	_ =	shalt  }
0x46: {  	_ =	shalt  }
0x47: {  	_ =	shalt  }
0x48: {  	_ =	shalt  }
0x49: {  	_ =	shalt  }
0x4a: {  	_ =	shalt  }
0x4b: {  	_ =	shalt  }
0x4c: {  	_ =	shalt  }
0x4d: {  	_ =	shalt  }
0x4e: {  	_ =	shalt  }
0x4f: {  	_ =	shalt  }
0x50: {  	_ =	shalt  }
0x51: {  	_ =	shalt  }
0x52: {  	_ =	shalt  }
0x53: {  	_ =	shalt  }
0x54: {  	_ =	shalt  }
0x55: {  	_ =	shalt  }
0x56: {  	_ =	shalt  }
0x57: {  	_ =	shalt  }
0x58: {  	_ =	shalt  }
0x59: {  	_ =	shalt  }
0x5a: {  	_ =	shalt  }
0x5b: {  	_ =	shalt  }
0x5c: {  	_ =	shalt  }
0x5d: {  	_ =	shalt  }
0x5e: {  	_ =	shalt  }
0x5f: {  	_ =	shalt  }
0x60: {  	_ =	shalt  }
0x61: {  	_ =	shalt  }
0x62: {  	_ =	shalt  }
0x63: {  	_ =	shalt  }
0x64: {  	_ =	shalt  }
0x65: {  	_ =	shalt  }
0x66: {  	_ =	shalt  }
0x67: {  	_ =	shalt  }
0x68: {  	_ =	shalt  }
0x69: {  	_ =	shalt  }
0x6a: {  	_ =	shalt  }
0x6b: {  	_ =	shalt  }
0x6c: {  	_ =	shalt  }
0x6d: {  	_ =	shalt  }
0x6e: {  	_ =	shalt  }
0x6f: {  	_ =	shalt  }
0x70: {  	_ =	shalt  }
0x71: {  	_ =	shalt  }
0x72: {  	_ =	shalt  }
0x73: {  	_ =	shalt  }
0x74: {  	_ =	shalt  }
0x75: {  	_ =	shalt  }
0x76: {  	_ =	shalt  }
0x77: {  	_ =	shalt  }
0x78: {  	_ =	shalt  }
0x79: {  	_ =	shalt  }
0x7a: {  	_ =	shalt  }
0x7b: {  	_ =	shalt  }
0x7c: {  	_ =	shalt  }
0x7d: {  	_ =	shalt  }
0x7e: {  	_ =	shalt  }
0x7f: {  	_ =	shalt  }
0x80: {  	_ =	shalt  }
0x81: {  	_ =	shalt  }
0x82: {  	_ =	shalt  }
0x83: {  	_ =	shalt  }
0x84: {  	_ =	shalt  }
0x85: {  	_ =	shalt  }
0x86: {  	_ =	shalt  }
0x87: {  	_ =	shalt  }
.Lfunc_end0:
.L_simem_size_0:
called_computation.3_lowered:
.L_overlay_start_0:
0x88: {  	s2 =	sld [smem:$0x3FD9]  }
0x89: {  	s3 =	sld [smem:$0x3FFE];
	_ =	sdelay $0x1  }
0x8a: {  	s1 =	srdreg.scid  }
0x8b: {  	s0 =	sand.u32 $0x1, s1  }
0x8c: {  	s16 =	sshll.u32 s0, $0xA;
	s2 =	sadd.s32 s3, s2  }
0x8d: {  	s2 =	sadd.s32 s2, s16  }
0x8e: {  	[smem:$0x3EB7] =	sst s2  }
0x8f: {  	_ = 	snop  }
0x90: {  	(tm) =	ssettm $0x1  }
0x91: {  	s17 =	sld [smem:$0x3FFB];
	_ =	sdelay $0x3  }
0x92: {  	_ =	strace s17  }
0x93: {  	s2 =	sld [smem:$0x3FFC];
	_ =	sdelay $0x3  }
0x94: {  	_ =	strace s2  }
0x95: {  	s2 =	sld [smem:$0x3FFD];
	_ =	sdelay $0x3  }
0x96: {  	_ =	strace s2  }
0x97: {  	_ =	strace $0x8FFFFFFF  }
0x98: {  	s18 =	sld [smem:$0x3FDB];
	_ =	sdelay $0x1  }
0x99: {  	s19 =	simm.s32 $_scs_section_size  }
0x9a: {  	s4 =	simm.s32 $_size__tile_overlayer_lowered;
	s5 =	simm.s32 $_tile_overlayer_lowered  }
0x9b: {  	s22 =	simm.s32 $0x1BFF;
	s21 =	sshll.u32 s5, $0x1;
	s2 =	sadd.s32 s19, s18  }
0x9c: {  	s6 =	simm.s32 $0x0;
	s20 =	sshll.u32 s4, $0x1;
	s4 =	sadd.s32 s21, s2  }
0x9d: {  	[timem:s6], [sflag:s22] =	dma.local [hbm:s4], s20  }
0x9e: {  	_ =	swait.ge [sflag:s22], s20  }
0x9f: {  	s3 =	ssub.s32 $0x0, s20;
	[sflag:s22] =	ssyncset.done $0x0  }
0xa0: {  	[sflag:s22] =	ssyncadd.s32 s3;
	_ =	sdelay $0x1  }
0xa1: {  	s23 =	simm.s32 $0x1B8B  }
0xa2: {  	_ =	swait.ge [sflag:s23], $0x1  }
0xa3: {  	[sflag:s23] =	ssyncset.done $0x0  }
0xa4: {  	s25 =	simm.s32 $0x1B8E;
	s24 =	sld [smem:$0x3FFE];
	[sflag:s23] =	ssyncadd.s32 $0xFFFFFFFF  }
0xa5: {  	s26 =	simm.s32 $execute0_lowered;
	[smem:$0x3FD2] =	sst s25  }
0xa6: {  	s4 =	sshll.u32 s26, $0x1;
	_ =	strace $0x80000052;
	[dreg:$0x1] =	wrdreg $0xFFFFFFFF  }
0xa7: {  	s28 =	simm.s32 $_size_execute0_lowered;
	s2 =	sadd.s32 s2, s4;
	[dreg:$0x0] =	wrdreg $0x0  }
0xa8: {  	s4 =	sshll.u32 s28, $0x1;
	[dreg:$0x2] =	wrdreg s2  }
0xa9: {  	[dreg:$0x3] =	wrdreg s4  }
0xaa: {  	[dreg:$0x4] =	wrdreg $0xC0  }
0xab: {  	_ =	task [dreg:s6], $0x5FFFF  }
0xac: {  	[dreg:$0x1] =	wrdreg $0xFFFFFFFF  }
0xad: {  	[dreg:$0x0] =	wrdreg $0x60  }
0xae: {  	[dreg:$0x2] =	wrdreg s24  }
0xaf: {  	[dreg:$0x3] =	wrdreg $0x9  }
0xb0: {  	_ =	task.clear_ibuf [dreg:s6], $0x4FFFF;
	_ =	strace $0x90000052  }
0xb1: {  	s29 =	simm.s32 $0x9;
	_ =	strace $0x80000054  }
0xb2: {  	_ =	swait.ge [sflag:s29], $0x1  }
0xb3: {  	[sflag:s29] =	ssyncadd.s32 $0xFFFFFFFF  }
0xb4: {  	_ =	strace $0x90000054  }
0xb5: {  	_ =	sfence  }
0xb6: {  	s30 =	sld [smem:$0x0];
	_ =	sdelay $0x2  }
0xb7: {  	s31 =	sshll.u32 s1, $0xD;
	s1 =	sshrl.u32 s1, $0x2  }
0xb8: {  	s3 =	sand.u32 $0x4000, s31;
	s1 =	sadd.s32 s1, s30  }
0xb9: {  	s0 =	sor.u32 s3, s0;
	s1 =	sshll.u32 s1, $0x11  }
0xba: {  	s0 =	sor.u32 s1, s0  }
0xbb: {  	s0 =	sadd.s32 $0x8F2B, s0  }
0xbc: {  	[sflag:s0] =	ssyncadd.remote.s32 $0x1  }
0xbd: {  	_ =	sfence.sel $0xFFFF  }
0xbe: {  	[dreg:$0x0] =	wrdreg $0xFFFFFFFF;
	(pc) =	sbr.abs _section_cstart, $3  }
0xbf: {  	[dreg:$0x1] =	wrdreg $0xFFFFFFFF  }
0xc0: {  	_ =	task.clear_ibuf [dreg:s6], $0x2FFFF;
	_ =	strace $0x9FFFFFFF  }
0xc1: {  	(tm) =	ssettm $0x7FFFFFFF  }
tec
execute0_lowered:
.L_overlay_start_1:
0x0: {  	(tag) =	ssettag $0x1  }
0x1: {  	s4 =	rddreg [dreg:$0x0]  }
0x2: {  	s1 =	srdreg.scid;
	s0 =	rddreg [dreg:$0x1];
	s2 =	simm.s32 $0x0  }
0x3: {  	s10 =	simm.s32 $0x2;
	s11 =	simm.s32 $0x10980;
	s12 =	simm.s32 $0x80  }
0x4: {  	s13 =	simm.s32 $0x4000;
	s14 =	simm.s32 $0x8000;
	s5 =	sand.u32 $0x1, s1  }
0x5: {  	s15 =	simm.s32 $0x1;
	s1 =	stileid.u32;
	s3 =	sshll.u32 s5, $0x4  }
0x6: {  	s16 =	simm.s32 $0x0;
	s7 =	smul.u32 $0x498000, s5;
	s3 =	sor.u32 s1, s3  }
0x7: {  	[smem:$0x7FF] =	sst s2;
	s5 =	ssub.s32 $0x2, s5;
	s6 =	smul.u32 $0x4980, s3  }
0x8: {  	_ =	strace $0x80000053;
	s8 =	smul.u32 $0x49800, s1;
	s31 =	sshrl.u32 s5, $0x1  }
0x9: {  	s3 =	sadd.s32 $0x15D6C00, s4;
	s7 =	sadd.s32 s7, s4;
	s6 =	sshrl.u32 s6, $0x3  }
0xa: {  	s9 =	ssub.s32 s5, s31;
	s8 =	sadd.s32 s8, s7;
	s6 =	sadd.s32 s6, s4  }
0xb: {  	s7 =	sadd.s32 $0x15E000, s8;
	s8 =	sadd.s32 $0xA8E000, s8;
	s4 =	sadd.s32 $0x2D200, s6  }
0xc: {  	s5 =	sadd.s32 $0x115A00, s6;
	s6 =	smax.u32 s9, $0x1;
	s9 =	simm.s32 $0xC000  }
.LBB2_1:
0xd: {  	[tilespmem:s9], [sflag:$0x2] =	stream.linear.gather [hbm4b:s4+s2], $0x4980, $0x38;
	[tilespmem:$0x15300] =	vst v63  }
0xe: {  	_ =	swait.ge [sflag:s10], $0x4980  }
0xf: {  	[sflag:s10] =	ssyncset.done $0x0  }
0x10: {  	[sflag:s10] =	ssyncadd.s32 $0xFFFFB680  }
0x11: {  	[tilespmem:s11], [sflag:$0x2] =	stream.linear.gather [hbm4b:s5+s2], $0x4980, $0x38;
	[tilespmem:$0x15300] =	vst v63  }
0x12: {  	_ =	swait.ge [sflag:s10], $0x4980  }
0x13: {  	[sflag:s10] =	ssyncset.done $0x0  }
0x14: {  	s17 =	simm.s32 $0xC000;
	[sflag:s10] =	ssyncadd.s32 $0xFFFFB680  }
0x15: {  	[tilespmem:s2], [sflag:$0x1] =	stream.indirect.gather [hbm4b:s3+s12], $0x80, s17, s12, $0xb8;
	[tilespmem:$0x15300] =	vst v63  }
0x16: {  	s29 =	simm.s32 $0xC080  }
0x17: {  	[tilespmem:s13], [sflag:$0x1] =	stream.indirect.gather [hbm4b:s3+s12], $0x80, s29, s12, $0xb8;
	[tilespmem:$0x15300] =	vst v63  }
0x18: {  	s30 =	simm.s32 $0xC100  }
0x19: {  	[tilespmem:s14], [sflag:$0x1] =	stream.indirect.gather [hbm4b:s3+s12], $0x80, s30, s12, $0xb8;
	[tilespmem:$0x15300] =	vst v63  }
0x1a: {  	_ =	swait.ge [sflag:s15], $0x4000  }
0x1b: {  	[sflag:s15] =	ssyncset.done $0x0  }
0x1c: {  	[sflag:s15] =	ssyncadd.s32 $0xFFFFC000  }
0x1d: {  	_ =	swait.ge [sflag:s15], $0x4000  }
0x1e: {  	[sflag:s15] =	ssyncset.done $0x0  }
0x1f: {  	[sflag:s15] =	ssyncadd.s32 $0xFFFFC000  }
0x20: {  	_ =	swait.ge [sflag:s15], $0x4000  }
0x21: {  	[sflag:s15] =	ssyncset.done $0x0  }
0x22: {  	s18 =	simm.s32 $0x1800;
	s31 =	sadd.s32 $0x0, s7;
	[sflag:s15] =	ssyncadd.s32 $0xFFFFC000  }
0x23: {  	[hbm4b:s31+s2] =	stream.linear.scatter [tilespmem:s2], [sflag:$0x2], $0xC000, $0x38;
	[tilespmem:$0x15300] =	vst v63  }
0x24: {  	s19 =	simm.s32 $0xC280;
	s22 =	simm.s32 $0xC180;
	_ =	swait.ge [sflag:s10], $0xC000  }
0x25: {  	s20 =	simm.s32 $0x3000;
	s21 =	simm.s32 $0xC400;
	[sflag:s10] =	ssyncset.done $0x0  }
.LBB2_2:
0x26: {  	s23 =	sadd.s32 $0xFFFFFF00, s21  }
0x27: {  	s17 =	simm.s32 $0x0;
	[sflag:s10] =	ssyncadd.s32 $0xFFFF4000;
	s24 =	smov.u32 s20  }
0x28: {  	[tilespmem:s17], [sflag:$0x1] =	stream.indirect.gather [hbm4b:s3+s12], $0x80, s22, s12, $0xb8;
	[tilespmem:$0x15300] =	vst v63  }
0x29: {  	p0 =	sne.s32 s20, $0x48000;
	s20 =	sadd.s32 $0x1800, s20;
	s22 =	sadd.s32 $0xFFFFFF80, s19  }
0x2a: {  	[tilespmem:s13], [sflag:$0x1] =	stream.indirect.gather [hbm4b:s3+s12], $0x80, s22, s12, $0xb8;
	[tilespmem:$0x15300] =	vst v63  }
0x2b: {  	s22 =	smov.u32 s23  }
0x2c: {  	[tilespmem:s14], [sflag:$0x1] =	stream.indirect.gather [hbm4b:s3+s12], $0x80, s19, s12, $0xb8;
	[tilespmem:$0x15300] =	vst v63  }
0x2d: {  	s19 =	smov.u32 s21;
	_ =	swait.ge [sflag:s15], $0x4000  }
0x2e: {  	[sflag:s15] =	ssyncset.done $0x0  }
0x2f: {  	[sflag:s15] =	ssyncadd.s32 $0xFFFFC000  }
0x30: {  	_ =	swait.ge [sflag:s15], $0x4000  }
0x31: {  	[sflag:s15] =	ssyncset.done $0x0  }
0x32: {  	[sflag:s15] =	ssyncadd.s32 $0xFFFFC000  }
0x33: {  	_ =	swait.ge [sflag:s15], $0x4000  }
.Ltmp0:
0x34: {  	[sflag:s15] =	ssyncset.done $0x0;
	(pc) =	sbr.rel @p0 .LBB2_2-.Ltmp0, $4  }
0x35: {  	s23 =	sadd.s32 s18, s7;
	s18 =	smov.u32 s24;
	[sflag:s15] =	ssyncadd.s32 $0xFFFFC000  }
0x36: {  	[hbm4b:s23+s17] =	stream.linear.scatter [tilespmem:s17], [sflag:$0x2], $0xC000, $0x38;
	[tilespmem:$0x15300] =	vst v63  }
0x37: {  	_ =	swait.ge [sflag:s10], $0xC000  }
0x38: {  	s21 =	sadd.s32 $0x180, s21;
	[sflag:s10] =	ssyncset.done $0x0  }
0x39: {  	[sflag:s10] =	ssyncadd.s32 $0xFFFF4000  }
0x3a: {  	[tilespmem:s17], [sflag:$0x1] =	stream.indirect.gather [hbm4b:s3+s12], $0x80, s22, s12, $0xb8;
	[tilespmem:$0x15300] =	vst v63  }
0x3b: {  	s20 =	sadd.s32 $0xFFFFFF80, s19  }
0x3c: {  	[tilespmem:s13], [sflag:$0x1] =	stream.indirect.gather [hbm4b:s3+s12], $0x80, s20, s12, $0xb8;
	[tilespmem:$0x15300] =	vst v63  }
0x3d: {  	_ = 	snop  }
0x3e: {  	[tilespmem:s14], [sflag:$0x1] =	stream.indirect.gather [hbm4b:s3+s12], $0x80, s19, s12, $0xb8;
	[tilespmem:$0x15300] =	vst v63  }
0x3f: {  	_ =	swait.ge [sflag:s15], $0x4000  }
0x40: {  	[sflag:s15] =	ssyncset.done $0x0  }
0x41: {  	[sflag:s15] =	ssyncadd.s32 $0xFFFFC000  }
0x42: {  	_ =	swait.ge [sflag:s15], $0x4000  }
0x43: {  	[sflag:s15] =	ssyncset.done $0x0  }
0x44: {  	[sflag:s15] =	ssyncadd.s32 $0xFFFFC000  }
0x45: {  	_ =	swait.ge [sflag:s15], $0x4000  }
0x46: {  	p1 =	por $0x1, $0x1;
	[sflag:s15] =	ssyncset.done $0x0  }
.Ltmp1:
0x47: {  	s18 =	sadd.s32 s18, s7;
	[sflag:s15] =	ssyncadd.s32 $0xFFFFC000;
	(pc) =	sbr.rel @!p1 .LBB2_8-.Ltmp1, $4  }
0x48: {  	[hbm4b:s18+s17] =	stream.linear.scatter [tilespmem:s17], [sflag:$0x2], $0xC000, $0x38;
	[tilespmem:$0x15300] =	vst v63  }
0x49: {  	_ =	swait.ge [sflag:s10], $0xC000  }
0x4a: {  	p0 =	por $0x0, $0x0;
	[sflag:s10] =	ssyncset.done $0x0  }
0x4b: {  	s19 =	simm.s32 $0x10A80;
	s18 =	simm.s32 $0x1800;
	[sflag:s10] =	ssyncadd.s32 $0xFFFF4000  }
0x4c: {  	s17 =	simm.s32 $0x10980  }
0x4d: {  	[tilespmem:s2], [sflag:$0x1] =	stream.indirect.gather [hbm4b:s3+s12], $0x80, s17, s12, $0xb8;
	[tilespmem:$0x15300] =	vst v63  }
0x4e: {  	s30 =	simm.s32 $0x10A00  }
0x4f: {  	[tilespmem:s13], [sflag:$0x1] =	stream.indirect.gather [hbm4b:s3+s12], $0x80, s30, s12, $0xb8;
	[tilespmem:$0x15300] =	vst v63  }
0x50: {  	_ = 	snop  }
0x51: {  	[tilespmem:s14], [sflag:$0x1] =	stream.indirect.gather [hbm4b:s3+s12], $0x80, s19, s12, $0xb8;
	[tilespmem:$0x15300] =	vst v63  }
0x52: {  	_ =	swait.ge [sflag:s15], $0x4000  }
0x53: {  	[sflag:s15] =	ssyncset.done $0x0  }
0x54: {  	[sflag:s15] =	ssyncadd.s32 $0xFFFFC000  }
0x55: {  	_ =	swait.ge [sflag:s15], $0x4000  }
0x56: {  	[sflag:s15] =	ssyncset.done $0x0  }
0x57: {  	[sflag:s15] =	ssyncadd.s32 $0xFFFFC000  }
0x58: {  	p1 =	por $0x1, $0x1;
	_ =	swait.ge [sflag:s15], $0x4000  }
.Ltmp2:
0x59: {  	[sflag:s15] =	ssyncset.done $0x0;
	(pc) =	sbr.rel @!p1 .LBB2_5-.Ltmp2, $4  }
0x5a: {  	s31 =	sadd.s32 $0x0, s8;
	[sflag:s15] =	ssyncadd.s32 $0xFFFFC000  }
0x5b: {  	[hbm4b:s31+s2] =	stream.linear.scatter [tilespmem:s2], [sflag:$0x2], $0xC000, $0x38;
	[tilespmem:$0x15300] =	vst v63  }
0x5c: {  	p0 =	por $0x1, $0x1;
	_ =	swait.ge [sflag:s10], $0xC000  }
0x5d: {  	s17 =	simm.s32 $0x3000;
	s19 =	simm.s32 $0x10C00;
	[sflag:s10] =	ssyncset.done $0x0  }
.LBB2_6:
0x5e: {  	p1 =	sne.s32 s17, $0x48000;
	s20 =	sadd.s32 $0xFFFFFF00, s19;
	[sflag:s10] =	ssyncadd.s32 $0xFFFF4000  }
0x5f: {  	[tilespmem:s2], [sflag:$0x1] =	stream.indirect.gather [hbm4b:s3+s12], $0x80, s20, s12, $0xb8;
	[tilespmem:$0x15300] =	vst v63  }
0x60: {  	s21 =	smov.u32 s17;
	s17 =	sadd.s32 $0x1800, s17;
	s20 =	sadd.s32 $0xFFFFFF80, s19  }
0x61: {  	[tilespmem:s13], [sflag:$0x1] =	stream.indirect.gather [hbm4b:s3+s12], $0x80, s20, s12, $0xb8;
	[tilespmem:$0x15300] =	vst v63  }
0x62: {  	_ = 	snop  }
0x63: {  	[tilespmem:s14], [sflag:$0x1] =	stream.indirect.gather [hbm4b:s3+s12], $0x80, s19, s12, $0xb8;
	[tilespmem:$0x15300] =	vst v63  }
0x64: {  	_ =	swait.ge [sflag:s15], $0x4000  }
0x65: {  	[sflag:s15] =	ssyncset.done $0x0  }
0x66: {  	[sflag:s15] =	ssyncadd.s32 $0xFFFFC000  }
0x67: {  	_ =	swait.ge [sflag:s15], $0x4000  }
0x68: {  	[sflag:s15] =	ssyncset.done $0x0  }
0x69: {  	[sflag:s15] =	ssyncadd.s32 $0xFFFFC000  }
0x6a: {  	_ =	swait.ge [sflag:s15], $0x4000  }
.Ltmp3:
0x6b: {  	[sflag:s15] =	ssyncset.done $0x0;
	(pc) =	sbr.rel @p1 .LBB2_6-.Ltmp3, $4  }
0x6c: {  	s20 =	sadd.s32 s18, s8;
	s18 =	smov.u32 s21;
	[sflag:s15] =	ssyncadd.s32 $0xFFFFC000  }
0x6d: {  	[hbm4b:s20+s2] =	stream.linear.scatter [tilespmem:s2], [sflag:$0x2], $0xC000, $0x38;
	[tilespmem:$0x15300] =	vst v63  }
0x6e: {  	_ =	swait.ge [sflag:s10], $0xC000  }
0x6f: {  	s19 =	sadd.s32 $0x180, s19;
	[sflag:s10] =	ssyncset.done $0x0  }
0x70: {  	s17 =	smov.u32 s18  }
.LBB2_8:
0x71: {  	s18 =	sadd.s32 $0xFFFFFF00, s19;
	[sflag:s10] =	ssyncadd.s32 @p0 $0xFFFF4000  }
0x72: {  	[tilespmem:s2], [sflag:$0x1] =	stream.indirect.gather [hbm4b:s3+s12], $0x80, s18, s12, $0xb8;
	[tilespmem:$0x15300] =	vst v63  }
0x73: {  	s31 =	sadd.s32 $0xFFFFFF80, s19  }
0x74: {  	[tilespmem:s13], [sflag:$0x1] =	stream.indirect.gather [hbm4b:s3+s12], $0x80, s31, s12, $0xb8;
	[tilespmem:$0x15300] =	vst v63  }
0x75: {  	_ = 	snop  }
0x76: {  	[tilespmem:s14], [sflag:$0x1] =	stream.indirect.gather [hbm4b:s3+s12], $0x80, s19, s12, $0xb8;
	[tilespmem:$0x15300] =	vst v63  }
0x77: {  	_ =	swait.ge [sflag:s15], $0x4000  }
0x78: {  	[sflag:s15] =	ssyncset.done $0x0  }
0x79: {  	[sflag:s15] =	ssyncadd.s32 $0xFFFFC000  }
0x7a: {  	_ =	swait.ge [sflag:s15], $0x4000  }
0x7b: {  	[sflag:s15] =	ssyncset.done $0x0  }
0x7c: {  	[sflag:s15] =	ssyncadd.s32 $0xFFFFC000  }
0x7d: {  	_ =	swait.ge [sflag:s15], $0x4000  }
0x7e: {  	s16 =	sadd.s32 $0x1, s16;
	[sflag:s15] =	ssyncset.done $0x0  }
0x7f: {  	s17 =	sadd.s32 s17, s8;
	p0 =	sne.s32 s16, s6;
	[sflag:s15] =	ssyncadd.s32 $0xFFFFC000  }
0x80: {  	[hbm4b:s17+s2] =	stream.linear.scatter [tilespmem:s2], [sflag:$0x2], $0xC000, $0x38;
	[tilespmem:$0x15300] =	vst v63  }
.Ltmp4:
0x81: {  	_ = 	snop;
	(pc) =	sbr.rel @p0 .LBB2_1-.Ltmp4, $4  }
.Ltmp5:
0x82: {  	_ = 	snop;
	(pc) =	sbr.rel @!p0 .LBB2_9-.Ltmp5, $4  }
0x83: {  	_ =	swait.ge [sflag:s10], $0xC000  }
0x84: {  	[sflag:s10] =	ssyncset.done $0x0  }
0x85: {  	[sflag:s10] =	ssyncadd.s32 $0xFFFF4000  }
0x86: {  	_ = 	snop  }
.LBB2_5:
.Ltmp6:
0x87: {  	(pc) =	sbr.rel .LBB2_8-.Ltmp6, $2  }
0x88: {  	_ =	sdelay $0x2  }
0x89: {  	s17 =	simm.s32 $0x1800  }
.LBB2_9:
0x8a: {  	_ =	sfence.sel $0x180000  }
0x8b: {  	[bflag:$0x0] =	sbarrier.arrive $0xFFFF  }
0x8c: {  	p0 =	sne.s32 s1, $0x0;
	_ =	strace $0x90000053  }
0x8d: {  	s0 =	sadd.s32 @!p0 $0x100000, s0;
	[bflag:$0x2] =	sbarrier.arrive $0xFFFF  }
0x8e: {  	[sflag:s0] =	ssyncadd.tile.s32 @!p0 $0x1;
	_ =	shalt  }
.Lfunc_end2:
_tile_overlayer_lowered:
.L_overlay_start_2:
0x8f: {  	(tag) =	ssettag $0x2  }
0x90: {  	s0 =	rddreg [dreg:$0x0];
	s2 =	stileid.u32  }
0x91: {  	s1 =	rddreg [dreg:$0x1];
	p0 =	sne.s32 s2, $0x0  }
0x92: {  	s3 =	rddreg [dreg:$0x2];
	[bflag:$0x3] =	sbarrier.arrive $0xFFFF;
	s2 =	simm.s32 @!p0 $0x1C02  }
0x93: {  	[timem:s3], [sflag:s2] =	dma.local @!p0 [hbm:s0], s1  }
0x94: {  	s0 =	simm.s32 @!p0 $0x2  }
0x95: {  	_ =	swait.ge @!p0 [sflag:s0], s1  }
0x96: {  	s1 =	ssub.s32 @!p0 $0x0, s1;
	[sflag:s0] =	ssyncset.done @!p0 $0x0  }
0x97: {  	[sflag:s0] =	ssyncadd.s32 @!p0 s1  }
0x98: {  	[bflag:$0x3] =	sbarrier.arrive $0xFFFF  }
0x99: {  	_ =	shalt  }

// kernel: closed_call.29.cloned.1.call-start
scs
__scs_entry_jumppad:
0x0: {  	(pc) =	sbr.rel $0x88, $3  }
0x1: {  	(tag) =	ssettag $0x0;
	lr =	simm.s32 $0x1  }
0x2: {  	[smem:$0x3E90] =	sst lr;
	_ =	strace $0xD0000000  }
0x3: {  	_ = 	snop  }
0x4: {  	_ = 	snop  }
0x5: {  	_ = 	snop  }
0x6: {  	_ = 	snop  }
0x7: {  	_ = 	snop  }
__scs_overlays_trampoline_lowered:
0x8: {  	[smem:$0x3E9F] =	sst s0  }
0x9: {  	[smem:$0x3EA0] =	sst s1  }
0xa: {  	[smem:$0x3EA1] =	sst s2  }
0xb: {  	[smem:$0x3EA2] =	sst s3  }
0xc: {  	[smem:$0x3EA3] =	sst s4  }
0xd: {  	[smem:$0x3EA4] =	sst s5  }
0xe: {  	[smem:$0x3EA5] =	sst s6  }
0xf: {  	[smem:$0x3EA6] =	sst s7  }
0x10: {  	[smem:$0x3EA7] =	sst s8  }
0x11: {  	[smem:$0x3EA8] =	sst s9;
	s0 =	simm.s32 @!p0 $0x0  }
0x12: {  	s1 =	sld [smem:$0x3E8E];
	s0 =	simm.s32 @p0 $0x1  }
0x13: {  	[smem:$0x3EA9] =	sst s0;
	s0 =	simm.s32 @!p1 $0x0  }
0x14: {  	s2 =	sld [smem:$0x3E8D];
	s0 =	simm.s32 @p1 $0x1  }
0x15: {  	[smem:$0x3EAA] =	sst s0;
	s0 =	simm.s32 @!p2 $0x0  }
0x16: {  	s3 =	sld [smem:$0x3FDB];
	s0 =	simm.s32 @p2 $0x1  }
0x17: {  	s4 =	simm.s32 $0x1BF5;
	[smem:$0x3EAC] =	sst s0  }
0x18: {  	s0 =	sld [smem:$0x3E8F];
	_ =	swait.ge [sflag:s4], $0x0  }
0x19: {  	s7 =	sld [smem:$0x3E90]  }
0x1a: {  	s8 =	sadd.s32 $0xFFFFE003, lr  }
0x1b: {  	s9 =	sadd.s32 $0xFFFFFEF7, lr;
	s5 =	simm.s32 $0xFFFFFFFF;
	p2 =	slt.u32 s8, $0xFFFFF086  }
0x1c: {  	p1 =	slt.u32 s9, $0xF7A;
	s5 =	simm.s32 @!p2 $0x0  }
0x1d: {  	s5 =	simm.s32 @p1 $0x1;
	p0 =	seq.s32 s7, s2  }
0x1e: {  	s7 =	smul.u32 @!p0 $0xF7A, s2;
	p2 =	seq.s32 @!p0 s5, $0x0  }
0x1f: {  	s9 =	smul.u32 $0xF7A, s1;
	s8 =	simm.s32 @!p0 $0x1BF5;
	p2 =	por !p2, p0  }
0x20: {  	[sflag:s8] =	ssyncset.s32 @!p0 $0xFFFFF086;
	s6 =	sadd.s32 @!p0 s3, s7;
	s7 =	simm.s32 @!p0 $0x108  }
0x21: {  	s3 =	sadd.s32 s3, s9;
	s6 =	sadd.s32 @!p0 $0x88, s6;
	s7 =	simm.s32 @p2 $0x1082  }
0x22: {  	[simem:s7], [sflag:s8] =	dma.local @!p0 [hbm:s6], $0xF7A  }
0x23: {  	s9 =	sor.u32 $0xD0000000, s2;
	s6 =	simm.s32 $0x108;
	_ =	swait.ge @!p0 [sflag:s8], $0x0  }
0x24: {  	s3 =	sadd.s32 $0x88, s3;
	s6 =	simm.s32 @!p1 $0x1082;
	[sflag:s4] =	ssyncset.s32 $0xFFFFF086  }
0x25: {  	[simem:s6], [sflag:s4] =	dma.local [hbm:s3], $0xF7A  }
0x26: {  	[smem:$0x3E90] =	sst s1;
	(tag) =	ssettag s2;
	_ =	strace s9  }
0x27: {  	s1 =	sld [smem:$0x3EA0]  }
0x28: {  	s2 =	sld [smem:$0x3EA1]  }
0x29: {  	s4 =	sld [smem:$0x3EA3]  }
0x2a: {  	p0 =	seq.s32 s5, $0x0;
	s5 =	sld [smem:$0x3EA4]  }
0x2b: {  	s6 =	sld [smem:$0x3EA5]  }
0x2c: {  	s7 =	sld [smem:$0x3EA6]  }
0x2d: {  	s3 =	simm.s32 $0x108;
	s8 =	sld [smem:$0x3EA7]  }
0x2e: {  	s3 =	simm.s32 @!p0 $0x1082;
	s9 =	sld [smem:$0x3EA8]  }
0x2f: {  	lr =	sadd.s32 s0, s3;
	s0 =	sld [smem:$0x3E9F]  }
0x30: {  	s3 =	sld [smem:$0x3EA2]  }
0x31: {  	[smem:$0x3EAB] =	sst s10  }
0x32: {  	s10 =	sld [smem:$0x3EA9];
	_ =	sdelay $0x3  }
0x33: {  	p0 =	seq.s32 s10, $0x1;
	s10 =	sld [smem:$0x3EAB];
	_ =	sdelay $0x3  }
0x34: {  	[smem:$0x3EAB] =	sst s10  }
0x35: {  	s10 =	sld [smem:$0x3EAA];
	_ =	sdelay $0x3  }
0x36: {  	p1 =	seq.s32 s10, $0x1;
	s10 =	sld [smem:$0x3EAB];
	_ =	sdelay $0x3  }
0x37: {  	[smem:$0x3EAB] =	sst s10  }
0x38: {  	s10 =	sld [smem:$0x3EAC]  }
0x39: {  	_ = 	snop;
	(pc) =	sbr.ind lr, $3  }
0x3a: {  	_ = 	snop  }
0x3b: {  	_ = 	snop  }
0x3c: {  	p2 =	seq.s32 s10, $0x1;
	s10 =	sld [smem:$0x3EAB]  }
0x3d: {  	_ =	shalt  }
0x3e: {  	_ =	shalt  }
0x3f: {  	_ =	shalt  }
0x40: {  	_ =	shalt  }
0x41: {  	_ =	shalt  }
0x42: {  	_ =	shalt  }
0x43: {  	_ =	shalt  }
0x44: {  	_ =	shalt  }
0x45: {  	_ =	shalt  }
0x46: {  	_ =	shalt  }
0x47: {  	_ =	shalt  }
0x48: {  	_ =	shalt  }
0x49: {  	_ =	shalt  }
0x4a: {  	_ =	shalt  }
0x4b: {  	_ =	shalt  }
0x4c: {  	_ =	shalt  }
0x4d: {  	_ =	shalt  }
0x4e: {  	_ =	shalt  }
0x4f: {  	_ =	shalt  }
0x50: {  	_ =	shalt  }
0x51: {  	_ =	shalt  }
0x52: {  	_ =	shalt  }
0x53: {  	_ =	shalt  }
0x54: {  	_ =	shalt  }
0x55: {  	_ =	shalt  }
0x56: {  	_ =	shalt  }
0x57: {  	_ =	shalt  }
0x58: {  	_ =	shalt  }
0x59: {  	_ =	shalt  }
0x5a: {  	_ =	shalt  }
0x5b: {  	_ =	shalt  }
0x5c: {  	_ =	shalt  }
0x5d: {  	_ =	shalt  }
0x5e: {  	_ =	shalt  }
0x5f: {  	_ =	shalt  }
0x60: {  	_ =	shalt  }
0x61: {  	_ =	shalt  }
0x62: {  	_ =	shalt  }
0x63: {  	_ =	shalt  }
0x64: {  	_ =	shalt  }
0x65: {  	_ =	shalt  }
0x66: {  	_ =	shalt  }
0x67: {  	_ =	shalt  }
0x68: {  	_ =	shalt  }
0x69: {  	_ =	shalt  }
0x6a: {  	_ =	shalt  }
0x6b: {  	_ =	shalt  }
0x6c: {  	_ =	shalt  }
0x6d: {  	_ =	shalt  }
0x6e: {  	_ =	shalt  }
0x6f: {  	_ =	shalt  }
0x70: {  	_ =	shalt  }
0x71: {  	_ =	shalt  }
0x72: {  	_ =	shalt  }
0x73: {  	_ =	shalt  }
0x74: {  	_ =	shalt  }
0x75: {  	_ =	shalt  }
0x76: {  	_ =	shalt  }
0x77: {  	_ =	shalt  }
0x78: {  	_ =	shalt  }
0x79: {  	_ =	shalt  }
0x7a: {  	_ =	shalt  }
0x7b: {  	_ =	shalt  }
0x7c: {  	_ =	shalt  }
0x7d: {  	_ =	shalt  }
0x7e: {  	_ =	shalt  }
0x7f: {  	_ =	shalt  }
0x80: {  	_ =	shalt  }
0x81: {  	_ =	shalt  }
0x82: {  	_ =	shalt  }
0x83: {  	_ =	shalt  }
0x84: {  	_ =	shalt  }
0x85: {  	_ =	shalt  }
0x86: {  	_ =	shalt  }
0x87: {  	_ =	shalt  }
.Lfunc_end0:
.L_simem_size_0:
called_computation.4_lowered:
.L_overlay_start_0:
0x88: {  	s2 =	sld [smem:$0x3FD9]  }
0x89: {  	s3 =	sld [smem:$0x3FFE];
	_ =	sdelay $0x1  }
0x8a: {  	s1 =	srdreg.scid  }
0x8b: {  	s0 =	sand.u32 $0x1, s1  }
0x8c: {  	s16 =	sshll.u32 s0, $0xA;
	s2 =	sadd.s32 s3, s2  }
0x8d: {  	s2 =	sadd.s32 s2, s16  }
0x8e: {  	[smem:$0x3EB7] =	sst s2  }
0x8f: {  	_ = 	snop  }
0x90: {  	(tm) =	ssettm $0x1  }
0x91: {  	s17 =	sld [smem:$0x3FFB];
	_ =	sdelay $0x3  }
0x92: {  	_ =	strace s17  }
0x93: {  	s2 =	sld [smem:$0x3FFC];
	_ =	sdelay $0x3  }
0x94: {  	_ =	strace s2  }
0x95: {  	s2 =	sld [smem:$0x3FFD];
	_ =	sdelay $0x3  }
0x96: {  	_ =	strace s2  }
0x97: {  	_ =	strace $0x8FFFFFFF  }
0x98: {  	s18 =	sld [smem:$0x3FDB];
	_ =	sdelay $0x1  }
0x99: {  	s19 =	simm.s32 $_scs_section_size  }
0x9a: {  	s4 =	simm.s32 $_size__tile_overlayer_lowered;
	s5 =	simm.s32 $_tile_overlayer_lowered  }
0x9b: {  	s22 =	simm.s32 $0x1BFF;
	s21 =	sshll.u32 s5, $0x1;
	s2 =	sadd.s32 s19, s18  }
0x9c: {  	s6 =	simm.s32 $0x0;
	s20 =	sshll.u32 s4, $0x1;
	s4 =	sadd.s32 s21, s2  }
0x9d: {  	[timem:s6], [sflag:s22] =	dma.local [hbm:s4], s20  }
0x9e: {  	_ =	swait.ge [sflag:s22], s20  }
0x9f: {  	s3 =	ssub.s32 $0x0, s20;
	[sflag:s22] =	ssyncset.done $0x0  }
0xa0: {  	[sflag:s22] =	ssyncadd.s32 s3;
	_ =	sdelay $0x1  }
0xa1: {  	s23 =	simm.s32 $0x1B8B  }
0xa2: {  	_ =	swait.ge [sflag:s23], $0x1  }
0xa3: {  	[sflag:s23] =	ssyncset.done $0x0  }
0xa4: {  	s25 =	simm.s32 $0x1B8E;
	s24 =	sld [smem:$0x3FFE];
	[sflag:s23] =	ssyncadd.s32 $0xFFFFFFFF  }
0xa5: {  	s26 =	simm.s32 $execute0_lowered;
	[smem:$0x3FD2] =	sst s25  }
0xa6: {  	s4 =	sshll.u32 s26, $0x1;
	_ =	strace $0x80000055;
	[dreg:$0x1] =	wrdreg $0xFFFFFFFF  }
0xa7: {  	s28 =	simm.s32 $_size_execute0_lowered;
	s2 =	sadd.s32 s2, s4;
	[dreg:$0x0] =	wrdreg $0x0  }
0xa8: {  	s4 =	sshll.u32 s28, $0x1;
	[dreg:$0x2] =	wrdreg s2  }
0xa9: {  	[dreg:$0x3] =	wrdreg s4  }
0xaa: {  	[dreg:$0x4] =	wrdreg $0xC0  }
0xab: {  	_ =	task [dreg:s6], $0x5FFFF  }
0xac: {  	[dreg:$0x1] =	wrdreg $0xFFFFFFFF  }
0xad: {  	[dreg:$0x0] =	wrdreg $0x60  }
0xae: {  	[dreg:$0x2] =	wrdreg s24  }
0xaf: {  	[dreg:$0x3] =	wrdreg $0x0  }
0xb0: {  	[dreg:$0x4] =	wrdreg $0x9  }
0xb1: {  	_ =	task.clear_ibuf [dreg:s6], $0x5FFFF;
	_ =	strace $0x90000055  }
0xb2: {  	s29 =	simm.s32 $0x9;
	_ =	strace $0x80000057  }
0xb3: {  	_ =	swait.ge [sflag:s29], $0x1  }
0xb4: {  	[sflag:s29] =	ssyncadd.s32 $0xFFFFFFFF  }
0xb5: {  	_ =	strace $0x90000057  }
0xb6: {  	_ =	sfence  }
0xb7: {  	s30 =	sld [smem:$0x0];
	_ =	sdelay $0x2  }
0xb8: {  	s31 =	sshll.u32 s1, $0xD;
	s1 =	sshrl.u32 s1, $0x2  }
0xb9: {  	s3 =	sand.u32 $0x4000, s31;
	s1 =	sadd.s32 s1, s30  }
0xba: {  	s0 =	sor.u32 s3, s0;
	s1 =	sshll.u32 s1, $0x11  }
0xbb: {  	s0 =	sor.u32 s1, s0  }
0xbc: {  	s0 =	sadd.s32 $0x8F2B, s0  }
0xbd: {  	[sflag:s0] =	ssyncadd.remote.s32 $0x1  }
0xbe: {  	_ =	sfence.sel $0xFFFF  }
0xbf: {  	[dreg:$0x0] =	wrdreg $0xFFFFFFFF;
	(pc) =	sbr.abs _section_cstart, $3  }
0xc0: {  	[dreg:$0x1] =	wrdreg $0xFFFFFFFF  }
0xc1: {  	_ =	task.clear_ibuf [dreg:s6], $0x2FFFF;
	_ =	strace $0x9FFFFFFF  }
0xc2: {  	(tm) =	ssettm $0x7FFFFFFF  }
0xc3: {  	_ =	shalt  }
tec
execute0_lowered:
.L_overlay_start_1:
0x0: {  	(tag) =	ssettag $0x1  }
0x1: {  	s5 =	rddreg [dreg:$0x0]  }
0x2: {  	s1 =	rddreg [dreg:$0x1]  }
0x3: {  	s0 =	rddreg [dreg:$0x2];
	s3 =	simm.s32 $0x0;
	s2 =	stileid.u32  }
0x4: {  	s7 =	srdreg.scid;
	s17 =	simm.s32 $0x80;
	s18 =	simm.s32 $0x19040  }
0x5: {  	s19 =	simm.s32 $0x1;
	s20 =	simm.s32 $0x1D0C0;
	s6 =	smul.u32 $0x3200, s2  }
0x6: {  	s21 =	simm.s32 $0x0;
	s4 =	sadd.s32 $0x182EC00, s5;
	s8 =	smul.u32 $0x320, s2  }
0x7: {  	[smem:$0x7FF] =	sst s3;
	s13 =	sadd.s32 $0x13B800, s5;
	s10 =	smul.u32 $0x64000, s2  }
0x8: {  	s12 =	sadd.s32 $0x128000, s5;
	s7 =	sand.u32 $0x1, s7;
	s26 =	smul.u32 $0x2700, s2  }
0x9: {  	s11 =	sadd.s32 $0x15E000, s5;
	s25 =	sshll.u32 s2, $0x6;
	s14 =	smul.u32 $0x4E000, s7  }
0xa: {  	_ =	strace $0x80000056;
	s9 =	ssub.s32 $0x2, s7;
	s15 =	smul.u32 $0x6400, s7  }
0xb: {  	s7 =	sshllo.u32 s7, $0x1;
	s6 =	sadd.s32 s6, s5;
	s24 =	sshrl.u32 s9, $0x1  }
0xc: {  	s10 =	sshrl.u32 s10, $0x2;
	s7 =	smul.u32 $0x3200, s7;
	s9 =	ssub.s32 s9, s24  }
0xd: {  	s16 =	sadd.s32 s10, s1;
	s5 =	sadd.s32 $0x52400, s6;
	s6 =	sor.u32 $0x1C02, s25  }
0xe: {  	s15 =	sadd.s32 s8, s15;
	s10 =	sadd.s32 s26, s14;
	s7 =	sadd.s32 s8, s7  }
0xf: {  	s28 =	sshll.u32 s15, $0x4;
	s30 =	sadd.s32 $0x27000, s10;
	s9 =	smax.u32 s9, $0x1  }
0x10: {  	s14 =	sshrl.u32 s10, $0x3;
	s15 =	simm.s32 $0x2;
	s29 =	sshll.u32 s7, $0x4  }
0x11: {  	s7 =	sadd.s32 s11, s28;
	s31 =	sshrl.u32 s30, $0x3;
	s10 =	sadd.s32 s14, s12  }
0x12: {  	s8 =	sadd.s32 s11, s29;
	s11 =	sadd.s32 s14, s13;
	s12 =	sadd.s32 s31, s12  }
0x13: {  	s13 =	sadd.s32 s31, s13;
	s14 =	sshrl.u32 s16, $0x3;
	s16 =	simm.s32 $0x1D040  }
.LBB2_1:
0x14: {  	[spmem:s14], [sflag:s6] =	dma.local [hbm:s5], $0x3200  }
0x15: {  	_ =	swait.ge [sflag:s15], $0x3200  }
0x16: {  	[sflag:s15] =	ssyncset.done $0x0  }
0x17: {  	[sflag:s15] =	ssyncadd.s32 $0xFFFFCE00  }
0x18: {  	s22 =	sadd.s32 $0x0, s11;
	[bflag:$0x0] =	sbarrier.arrive $0xFFFF  }
0x19: {  	[tilespmem:s16], [sflag:$0x2] =	stream.linear.gather [hbm4b:s22+s3], $0x80, $0x38;
	[tilespmem:$0x1D140] =	vst v63  }
0x1a: {  	_ =	swait.ge [sflag:s15], $0x80  }
0x1b: {  	[sflag:s15] =	ssyncset.done $0x0  }
0x1c: {  	[sflag:s15] =	ssyncadd.s32 $0xFFFFFF80  }
0x1d: {  	[tilespmem:s18], [sflag:$0x1] =	stream.indirect.gather [hbm4b:s4+s17], $0x80, s16, s17, $0xb8;
	[tilespmem:$0x1D140] =	vst v63  }
0x1e: {  	_ =	swait.ge [sflag:s19], $0x4000  }
0x1f: {  	[sflag:s19] =	ssyncset.done $0x0  }
0x20: {  	s31 =	sadd.s32 $0x0, s10;
	[sflag:s19] =	ssyncadd.s32 $0xFFFFC000  }
0x21: {  	[tilespmem:s20], [sflag:$0x2] =	stream.linear.gather [hbm4b:s31+s3], $0x80, $0x38;
	[tilespmem:$0x1D140] =	vst v63  }
0x22: {  	_ =	swait.ge [sflag:s15], $0x80  }
0x23: {  	[sflag:s15] =	ssyncset.done $0x0  }
0x24: {  	[sflag:s15] =	ssyncadd.s32 $0xFFFFFF80  }
0x25: {  	[spmem:s1] =	stream.indirect.scatter.add.f32 [tilespmem:s18], [sflag:$0x2], $0x80, s20, s17, $0xb8;
	[tilespmem:$0x1D140] =	vst v63  }
0x26: {  	_ =	swait.ge [sflag:s15], $0x4000  }
0x27: {  	s23 =	simm.s32 $0x20;
	s22 =	simm.s32 $0x10;
	[sflag:s15] =	ssyncset.done $0x0  }
.LBB2_2:
0x28: {  	s24 =	sadd.s32 s22, s11  }
0x29: {  	[sflag:s15] =	ssyncadd.s32 $0xFFFFC000;
	s25 =	smov.u32 s23;
	s26 =	sadd.s32 $0x10, s23  }
0x2a: {  	[tilespmem:s16], [sflag:$0x2] =	stream.linear.gather [hbm4b:s24+s3], $0x80, $0x38;
	[tilespmem:$0x1D140] =	vst v63  }
0x2b: {  	p0 =	sne.s32 s23, $0x4D0;
	_ =	swait.ge [sflag:s15], $0x80  }
0x2c: {  	[sflag:s15] =	ssyncset.done $0x0  }
0x2d: {  	[sflag:s15] =	ssyncadd.s32 $0xFFFFFF80  }
0x2e: {  	[tilespmem:s18], [sflag:$0x1] =	stream.indirect.gather [hbm4b:s4+s17], $0x80, s16, s17, $0xb8;
	[tilespmem:$0x1D140] =	vst v63  }
0x2f: {  	_ =	swait.ge [sflag:s19], $0x4000  }
0x30: {  	[sflag:s19] =	ssyncset.done $0x0  }
0x31: {  	s23 =	sadd.s32 s22, s10;
	s22 =	smov.u32 s25;
	[sflag:s19] =	ssyncadd.s32 $0xFFFFC000  }
0x32: {  	[tilespmem:s20], [sflag:$0x2] =	stream.linear.gather [hbm4b:s23+s3], $0x80, $0x38;
	[tilespmem:$0x1D140] =	vst v63  }
0x33: {  	_ =	swait.ge [sflag:s15], $0x80  }
.Ltmp0:
0x34: {  	[sflag:s15] =	ssyncset.done $0x0;
	(pc) =	sbr.rel @p0 .LBB2_2-.Ltmp0, $4  }
0x35: {  	[sflag:s15] =	ssyncadd.s32 $0xFFFFFF80  }
0x36: {  	[spmem:s1] =	stream.indirect.scatter.add.f32 [tilespmem:s18], [sflag:$0x2], $0x80, s20, s17, $0xb8;
	[tilespmem:$0x1D140] =	vst v63  }
0x37: {  	_ =	swait.ge [sflag:s15], $0x4000  }
0x38: {  	s23 =	smov.u32 s26;
	[sflag:s15] =	ssyncset.done $0x0  }
0x39: {  	s23 =	sadd.s32 s22, s11;
	[sflag:s15] =	ssyncadd.s32 $0xFFFFC000  }
0x3a: {  	[tilespmem:s16], [sflag:$0x2] =	stream.linear.gather [hbm4b:s23+s3], $0x80, $0x38;
	[tilespmem:$0x1D140] =	vst v63  }
0x3b: {  	_ =	swait.ge [sflag:s15], $0x80  }
0x3c: {  	[sflag:s15] =	ssyncset.done $0x0  }
0x3d: {  	[sflag:s15] =	ssyncadd.s32 $0xFFFFFF80  }
0x3e: {  	[tilespmem:s18], [sflag:$0x1] =	stream.indirect.gather [hbm4b:s4+s17], $0x80, s16, s17, $0xb8;
	[tilespmem:$0x1D140] =	vst v63  }
0x3f: {  	_ =	swait.ge [sflag:s19], $0x4000  }
0x40: {  	[sflag:s19] =	ssyncset.done $0x0  }
0x41: {  	s29 =	sadd.s32 s22, s10;
	[sflag:s19] =	ssyncadd.s32 $0xFFFFC000  }
0x42: {  	[tilespmem:s20], [sflag:$0x2] =	stream.linear.gather [hbm4b:s29+s3], $0x80, $0x38;
	[tilespmem:$0x1D140] =	vst v63  }
0x43: {  	_ =	swait.ge [sflag:s15], $0x80  }
0x44: {  	[sflag:s15] =	ssyncset.done $0x0  }
0x45: {  	[sflag:s15] =	ssyncadd.s32 $0xFFFFFF80  }
0x46: {  	[spmem:s1] =	stream.indirect.scatter.add.f32 [tilespmem:s18], [sflag:$0x2], $0x80, s20, s17, $0xb8;
	[tilespmem:$0x1D140] =	vst v63  }
0x47: {  	_ =	swait.ge [sflag:s15], $0x4000  }
0x48: {  	[sflag:s15] =	ssyncset.done $0x0  }
0x49: {  	[sflag:s15] =	ssyncadd.s32 $0xFFFFC000  }
0x4a: {  	[bflag:$0x0] =	sbarrier.arrive $0xFFFF  }
0x4b: {  	[hbm:s7], [sflag:s6] =	dma.local [spmem:s14], $0x3200  }
0x4c: {  	_ =	swait.ge [sflag:s15], $0x3200  }
0x4d: {  	[sflag:s15] =	ssyncset.done $0x0  }
0x4e: {  	[sflag:s15] =	ssyncadd.s32 $0xFFFFCE00  }
0x4f: {  	[bflag:$0x0] =	sbarrier.arrive $0xFFFF  }
0x50: {  	[spmem:s14], [sflag:s6] =	dma.local [hbm:s5], $0x3200  }
0x51: {  	_ =	swait.ge [sflag:s15], $0x3200  }
0x52: {  	[sflag:s15] =	ssyncset.done $0x0  }
0x53: {  	[sflag:s15] =	ssyncadd.s32 $0xFFFFCE00  }
0x54: {  	s30 =	sadd.s32 $0x0, s13;
	[bflag:$0x0] =	sbarrier.arrive $0xFFFF  }
0x55: {  	[tilespmem:s16], [sflag:$0x2] =	stream.linear.gather [hbm4b:s30+s3], $0x80, $0x38;
	[tilespmem:$0x1D140] =	vst v63  }
0x56: {  	_ =	swait.ge [sflag:s15], $0x80  }
0x57: {  	[sflag:s15] =	ssyncset.done $0x0  }
0x58: {  	[sflag:s15] =	ssyncadd.s32 $0xFFFFFF80  }
0x59: {  	[tilespmem:s18], [sflag:$0x1] =	stream.indirect.gather [hbm4b:s4+s17], $0x80, s16, s17, $0xb8;
	[tilespmem:$0x1D140] =	vst v63  }
0x5a: {  	_ =	swait.ge [sflag:s19], $0x4000  }
0x5b: {  	[sflag:s19] =	ssyncset.done $0x0  }
0x5c: {  	s31 =	sadd.s32 $0x0, s12;
	[sflag:s19] =	ssyncadd.s32 $0xFFFFC000  }
0x5d: {  	[tilespmem:s20], [sflag:$0x2] =	stream.linear.gather [hbm4b:s31+s3], $0x80, $0x38;
	[tilespmem:$0x1D140] =	vst v63  }
0x5e: {  	_ =	swait.ge [sflag:s15], $0x80  }
0x5f: {  	[sflag:s15] =	ssyncset.done $0x0  }
0x60: {  	[sflag:s15] =	ssyncadd.s32 $0xFFFFFF80  }
0x61: {  	[spmem:s1] =	stream.indirect.scatter.add.f32 [tilespmem:s18], [sflag:$0x2], $0x80, s20, s17, $0xb8;
	[tilespmem:$0x1D140] =	vst v63  }
0x62: {  	_ =	swait.ge [sflag:s15], $0x4000  }
0x63: {  	s22 =	simm.s32 $0x10;
	s23 =	simm.s32 $0x20;
	[sflag:s15] =	ssyncset.done $0x0  }
.LBB2_4:
0x64: {  	s24 =	sadd.s32 s22, s13  }
0x65: {  	[sflag:s15] =	ssyncadd.s32 $0xFFFFC000;
	s25 =	smov.u32 s23;
	s26 =	sadd.s32 $0x10, s23  }
0x66: {  	[tilespmem:s16], [sflag:$0x2] =	stream.linear.gather [hbm4b:s24+s3], $0x80, $0x38;
	[tilespmem:$0x1D140] =	vst v63  }
0x67: {  	p0 =	sne.s32 s23, $0x4D0;
	_ =	swait.ge [sflag:s15], $0x80  }
0x68: {  	[sflag:s15] =	ssyncset.done $0x0  }
0x69: {  	[sflag:s15] =	ssyncadd.s32 $0xFFFFFF80  }
0x6a: {  	[tilespmem:s18], [sflag:$0x1] =	stream.indirect.gather [hbm4b:s4+s17], $0x80, s16, s17, $0xb8;
	[tilespmem:$0x1D140] =	vst v63  }
0x6b: {  	_ =	swait.ge [sflag:s19], $0x4000  }
0x6c: {  	[sflag:s19] =	ssyncset.done $0x0  }
0x6d: {  	s23 =	sadd.s32 s22, s12;
	s22 =	smov.u32 s25;
	[sflag:s19] =	ssyncadd.s32 $0xFFFFC000  }
0x6e: {  	[tilespmem:s20], [sflag:$0x2] =	stream.linear.gather [hbm4b:s23+s3], $0x80, $0x38;
	[tilespmem:$0x1D140] =	vst v63  }
0x6f: {  	_ =	swait.ge [sflag:s15], $0x80  }
.Ltmp1:
0x70: {  	[sflag:s15] =	ssyncset.done $0x0;
	(pc) =	sbr.rel @p0 .LBB2_4-.Ltmp1, $4  }
0x71: {  	[sflag:s15] =	ssyncadd.s32 $0xFFFFFF80  }
0x72: {  	[spmem:s1] =	stream.indirect.scatter.add.f32 [tilespmem:s18], [sflag:$0x2], $0x80, s20, s17, $0xb8;
	[tilespmem:$0x1D140] =	vst v63  }
0x73: {  	_ =	swait.ge [sflag:s15], $0x4000  }
0x74: {  	s23 =	smov.u32 s26;
	[sflag:s15] =	ssyncset.done $0x0  }
0x75: {  	s23 =	sadd.s32 s22, s13;
	[sflag:s15] =	ssyncadd.s32 $0xFFFFC000  }
0x76: {  	[tilespmem:s16], [sflag:$0x2] =	stream.linear.gather [hbm4b:s23+s3], $0x80, $0x38;
	[tilespmem:$0x1D140] =	vst v63  }
0x77: {  	_ =	swait.ge [sflag:s15], $0x80  }
0x78: {  	[sflag:s15] =	ssyncset.done $0x0  }
0x79: {  	[sflag:s15] =	ssyncadd.s32 $0xFFFFFF80  }
0x7a: {  	[tilespmem:s18], [sflag:$0x1] =	stream.indirect.gather [hbm4b:s4+s17], $0x80, s16, s17, $0xb8;
	[tilespmem:$0x1D140] =	vst v63  }
0x7b: {  	_ =	swait.ge [sflag:s19], $0x4000  }
0x7c: {  	[sflag:s19] =	ssyncset.done $0x0  }
0x7d: {  	s31 =	sadd.s32 s22, s12;
	[sflag:s19] =	ssyncadd.s32 $0xFFFFC000  }
0x7e: {  	[tilespmem:s20], [sflag:$0x2] =	stream.linear.gather [hbm4b:s31+s3], $0x80, $0x38;
	[tilespmem:$0x1D140] =	vst v63  }
0x7f: {  	_ =	swait.ge [sflag:s15], $0x80  }
0x80: {  	[sflag:s15] =	ssyncset.done $0x0  }
0x81: {  	[sflag:s15] =	ssyncadd.s32 $0xFFFFFF80  }
0x82: {  	[spmem:s1] =	stream.indirect.scatter.add.f32 [tilespmem:s18], [sflag:$0x2], $0x80, s20, s17, $0xb8;
	[tilespmem:$0x1D140] =	vst v63  }
0x83: {  	_ =	swait.ge [sflag:s15], $0x4000  }
0x84: {  	[sflag:s15] =	ssyncset.done $0x0  }
0x85: {  	s21 =	sadd.s32 $0x1, s21;
	[sflag:s15] =	ssyncadd.s32 $0xFFFFC000  }
0x86: {  	p0 =	sne.s32 s21, s9;
	[bflag:$0x0] =	sbarrier.arrive $0xFFFF  }
0x87: {  	[hbm:s8], [sflag:s6] =	dma.local [spmem:s14], $0x3200  }
.Ltmp2:
0x88: {  	_ =	swait.ge [sflag:s15], $0x3200;
	(pc) =	sbr.rel @p0 .LBB2_1-.Ltmp2, $3  }
0x89: {  	[sflag:s15] =	ssyncset.done $0x0  }
0x8a: {  	[sflag:s15] =	ssyncadd.s32 $0xFFFFCE00  }
0x8b: {  	[bflag:$0x0] =	sbarrier.arrive $0xFFFF;
	_ =	sdelay $0x1  }
0x8c: {  	_ =	sfence.sel $0x180000  }
0x8d: {  	[bflag:$0x0] =	sbarrier.arrive $0xFFFF  }
0x8e: {  	p0 =	sne.s32 s2, $0x0;
	_ =	strace $0x90000056  }
0x8f: {  	s0 =	sadd.s32 @!p0 $0x100000, s0;
	[bflag:$0x2] =	sbarrier.arrive $0xFFFF  }
0x90: {  	[sflag:s0] =	ssyncadd.tile.s32 @!p0 $0x1;
	_ =	shalt  }
.Lfunc_end2:
_tile_overlayer_lowered:
.L_overlay_start_2:
0x91: {  	(tag) =	ssettag $0x2  }
0x92: {  	s0 =	rddreg [dreg:$0x0];
	s2 =	stileid.u32  }
0x93: {  	s1 =	rddreg [dreg:$0x1];
	p0 =	sne.s32 s2, $0x0  }
0x94: {  	s3 =	rddreg [dreg:$0x2];
	[bflag:$0x3] =	sbarrier.arrive $0xFFFF;
	s2 =	simm.s32 @!p0 $0x1C02  }
0x95: {  	[timem:s3], [sflag:s2] =	dma.local @!p0 [hbm:s0], s1  }
0x96: {  	s0 =	simm.s32 @!p0 $0x2  }
0x97: {  	_ =	swait.ge @!p0 [sflag:s0], s1  }
0x98: {  	s1 =	ssub.s32 @!p0 $0x0, s1;
	[sflag:s0] =	ssyncset.done @!p0 $0x0  }
0x99: {  	[sflag:s0] =	ssyncadd.s32 @!p0 s1  }
0x9a: {  	[bflag:$0x3] =	sbarrier.arrive $0xFFFF  }
0x9b: {  	_ =	shalt  }

// kernel: gather_offload_async_start.1
scs
__scs_entry_jumppad:
0x0: {  	(pc) =	sbr.rel $0x88, $3  }
0x1: {  	(tag) =	ssettag $0x0;
	lr =	simm.s32 $0x1  }
0x2: {  	[smem:$0x3E90] =	sst lr;
	_ =	strace $0xD0000000  }
0x3: {  	_ = 	snop  }
0x4: {  	_ = 	snop  }
0x5: {  	_ = 	snop  }
0x6: {  	_ = 	snop  }
0x7: {  	_ = 	snop  }
__scs_overlays_trampoline_lowered:
0x8: {  	[smem:$0x3E9F] =	sst s0  }
0x9: {  	[smem:$0x3EA0] =	sst s1  }
0xa: {  	[smem:$0x3EA1] =	sst s2  }
0xb: {  	[smem:$0x3EA2] =	sst s3  }
0xc: {  	[smem:$0x3EA3] =	sst s4  }
0xd: {  	[smem:$0x3EA4] =	sst s5  }
0xe: {  	[smem:$0x3EA5] =	sst s6  }
0xf: {  	[smem:$0x3EA6] =	sst s7  }
0x10: {  	[smem:$0x3EA7] =	sst s8  }
0x11: {  	[smem:$0x3EA8] =	sst s9;
	s0 =	simm.s32 @!p0 $0x0  }
0x12: {  	s1 =	sld [smem:$0x3E8E];
	s0 =	simm.s32 @p0 $0x1  }
0x13: {  	[smem:$0x3EA9] =	sst s0;
	s0 =	simm.s32 @!p1 $0x0  }
0x14: {  	s2 =	sld [smem:$0x3E8D];
	s0 =	simm.s32 @p1 $0x1  }
0x15: {  	[smem:$0x3EAA] =	sst s0;
	s0 =	simm.s32 @!p2 $0x0  }
0x16: {  	s3 =	sld [smem:$0x3FDB];
	s0 =	simm.s32 @p2 $0x1  }
0x17: {  	s4 =	simm.s32 $0x1BF5;
	[smem:$0x3EAC] =	sst s0  }
0x18: {  	s0 =	sld [smem:$0x3E8F];
	_ =	swait.ge [sflag:s4], $0x0  }
0x19: {  	s7 =	sld [smem:$0x3E90]  }
0x1a: {  	s8 =	sadd.s32 $0xFFFFE003, lr  }
0x1b: {  	s9 =	sadd.s32 $0xFFFFFEF7, lr;
	s5 =	simm.s32 $0xFFFFFFFF;
	p2 =	slt.u32 s8, $0xFFFFF086  }
0x1c: {  	p1 =	slt.u32 s9, $0xF7A;
	s5 =	simm.s32 @!p2 $0x0  }
0x1d: {  	s5 =	simm.s32 @p1 $0x1;
	p0 =	seq.s32 s7, s2  }
0x1e: {  	s7 =	smul.u32 @!p0 $0xF7A, s2;
	p2 =	seq.s32 @!p0 s5, $0x0  }
0x1f: {  	s9 =	smul.u32 $0xF7A, s1;
	s8 =	simm.s32 @!p0 $0x1BF5;
	p2 =	por !p2, p0  }
0x20: {  	[sflag:s8] =	ssyncset.s32 @!p0 $0xFFFFF086;
	s6 =	sadd.s32 @!p0 s3, s7;
	s7 =	simm.s32 @!p0 $0x108  }
0x21: {  	s3 =	sadd.s32 s3, s9;
	s6 =	sadd.s32 @!p0 $0x88, s6;
	s7 =	simm.s32 @p2 $0x1082  }
0x22: {  	[simem:s7], [sflag:s8] =	dma.local @!p0 [hbm:s6], $0xF7A  }
0x23: {  	s9 =	sor.u32 $0xD0000000, s2;
	s6 =	simm.s32 $0x108;
	_ =	swait.ge @!p0 [sflag:s8], $0x0  }
0x24: {  	s3 =	sadd.s32 $0x88, s3;
	s6 =	simm.s32 @!p1 $0x1082;
	[sflag:s4] =	ssyncset.s32 $0xFFFFF086  }
0x25: {  	[simem:s6], [sflag:s4] =	dma.local [hbm:s3], $0xF7A  }
0x26: {  	[smem:$0x3E90] =	sst s1;
	(tag) =	ssettag s2;
	_ =	strace s9  }
0x27: {  	s1 =	sld [smem:$0x3EA0]  }
0x28: {  	s2 =	sld [smem:$0x3EA1]  }
0x29: {  	s4 =	sld [smem:$0x3EA3]  }
0x2a: {  	p0 =	seq.s32 s5, $0x0;
	s5 =	sld [smem:$0x3EA4]  }
0x2b: {  	s6 =	sld [smem:$0x3EA5]  }
0x2c: {  	s7 =	sld [smem:$0x3EA6]  }
0x2d: {  	s3 =	simm.s32 $0x108;
	s8 =	sld [smem:$0x3EA7]  }
0x2e: {  	s3 =	simm.s32 @!p0 $0x1082;
	s9 =	sld [smem:$0x3EA8]  }
0x2f: {  	lr =	sadd.s32 s0, s3;
	s0 =	sld [smem:$0x3E9F]  }
0x30: {  	s3 =	sld [smem:$0x3EA2]  }
0x31: {  	[smem:$0x3EAB] =	sst s10  }
0x32: {  	s10 =	sld [smem:$0x3EA9];
	_ =	sdelay $0x3  }
0x33: {  	p0 =	seq.s32 s10, $0x1;
	s10 =	sld [smem:$0x3EAB];
	_ =	sdelay $0x3  }
0x34: {  	[smem:$0x3EAB] =	sst s10  }
0x35: {  	s10 =	sld [smem:$0x3EAA];
	_ =	sdelay $0x3  }
0x36: {  	p1 =	seq.s32 s10, $0x1;
	s10 =	sld [smem:$0x3EAB];
	_ =	sdelay $0x3  }
0x37: {  	[smem:$0x3EAB] =	sst s10  }
0x38: {  	s10 =	sld [smem:$0x3EAC]  }
0x39: {  	_ = 	snop;
	(pc) =	sbr.ind lr, $3  }
0x3a: {  	_ = 	snop  }
0x3b: {  	_ = 	snop  }
0x3c: {  	p2 =	seq.s32 s10, $0x1;
	s10 =	sld [smem:$0x3EAB]  }
0x3d: {  	_ =	shalt  }
0x3e: {  	_ =	shalt  }
0x3f: {  	_ =	shalt  }
0x40: {  	_ =	shalt  }
0x41: {  	_ =	shalt  }
0x42: {  	_ =	shalt  }
0x43: {  	_ =	shalt  }
0x44: {  	_ =	shalt  }
0x45: {  	_ =	shalt  }
0x46: {  	_ =	shalt  }
0x47: {  	_ =	shalt  }
0x48: {  	_ =	shalt  }
0x49: {  	_ =	shalt  }
0x4a: {  	_ =	shalt  }
0x4b: {  	_ =	shalt  }
0x4c: {  	_ =	shalt  }
0x4d: {  	_ =	shalt  }
0x4e: {  	_ =	shalt  }
0x4f: {  	_ =	shalt  }
0x50: {  	_ =	shalt  }
0x51: {  	_ =	shalt  }
0x52: {  	_ =	shalt  }
0x53: {  	_ =	shalt  }
0x54: {  	_ =	shalt  }
0x55: {  	_ =	shalt  }
0x56: {  	_ =	shalt  }
0x57: {  	_ =	shalt  }
0x58: {  	_ =	shalt  }
0x59: {  	_ =	shalt  }
0x5a: {  	_ =	shalt  }
0x5b: {  	_ =	shalt  }
0x5c: {  	_ =	shalt  }
0x5d: {  	_ =	shalt  }
0x5e: {  	_ =	shalt  }
0x5f: {  	_ =	shalt  }
0x60: {  	_ =	shalt  }
0x61: {  	_ =	shalt  }
0x62: {  	_ =	shalt  }
0x63: {  	_ =	shalt  }
0x64: {  	_ =	shalt  }
0x65: {  	_ =	shalt  }
0x66: {  	_ =	shalt  }
0x67: {  	_ =	shalt  }
0x68: {  	_ =	shalt  }
0x69: {  	_ =	shalt  }
0x6a: {  	_ =	shalt  }
0x6b: {  	_ =	shalt  }
0x6c: {  	_ =	shalt  }
0x6d: {  	_ =	shalt  }
0x6e: {  	_ =	shalt  }
0x6f: {  	_ =	shalt  }
0x70: {  	_ =	shalt  }
0x71: {  	_ =	shalt  }
0x72: {  	_ =	shalt  }
0x73: {  	_ =	shalt  }
0x74: {  	_ =	shalt  }
0x75: {  	_ =	shalt  }
0x76: {  	_ =	shalt  }
0x77: {  	_ =	shalt  }
0x78: {  	_ =	shalt  }
0x79: {  	_ =	shalt  }
0x7a: {  	_ =	shalt  }
0x7b: {  	_ =	shalt  }
0x7c: {  	_ =	shalt  }
0x7d: {  	_ =	shalt  }
0x7e: {  	_ =	shalt  }
0x7f: {  	_ =	shalt  }
0x80: {  	_ =	shalt  }
0x81: {  	_ =	shalt  }
0x82: {  	_ =	shalt  }
0x83: {  	_ =	shalt  }
0x84: {  	_ =	shalt  }
0x85: {  	_ =	shalt  }
0x86: {  	_ =	shalt  }
0x87: {  	_ =	shalt  }
.Lfunc_end0:
.L_simem_size_0:
called_computation.1_lowered:
.L_overlay_start_0:
0x88: {  	s2 =	sld [smem:$0x3FD9]  }
0x89: {  	s3 =	sld [smem:$0x3FFE];
	_ =	sdelay $0x1  }
0x8a: {  	s1 =	srdreg.scid  }
0x8b: {  	s0 =	sand.u32 $0x1, s1  }
0x8c: {  	s16 =	sshll.u32 s0, $0xA;
	s2 =	sadd.s32 s3, s2  }
0x8d: {  	s2 =	sadd.s32 s2, s16  }
0x8e: {  	[smem:$0x3EB7] =	sst s2  }
0x8f: {  	_ = 	snop  }
0x90: {  	(tm) =	ssettm $0x1  }
0x91: {  	s17 =	sld [smem:$0x3FFB];
	_ =	sdelay $0x3  }
0x92: {  	_ =	strace s17  }
0x93: {  	s2 =	sld [smem:$0x3FFC];
	_ =	sdelay $0x3  }
0x94: {  	_ =	strace s2  }
0x95: {  	s2 =	sld [smem:$0x3FFD];
	_ =	sdelay $0x3  }
0x96: {  	_ =	strace s2  }
0x97: {  	_ =	strace $0x8FFFFFFF  }
0x98: {  	s18 =	sld [smem:$0x3FDB];
	_ =	sdelay $0x1  }
0x99: {  	s19 =	simm.s32 $_scs_section_size  }
0x9a: {  	s4 =	simm.s32 $_size__tile_overlayer_lowered;
	s5 =	simm.s32 $_tile_overlayer_lowered  }
0x9b: {  	s22 =	simm.s32 $0x1BFF;
	s21 =	sshll.u32 s5, $0x1;
	s2 =	sadd.s32 s19, s18  }
0x9c: {  	s6 =	simm.s32 $0x0;
	s20 =	sshll.u32 s4, $0x1;
	s4 =	sadd.s32 s21, s2  }
0x9d: {  	[timem:s6], [sflag:s22] =	dma.local [hbm:s4], s20  }
0x9e: {  	_ =	swait.ge [sflag:s22], s20  }
0x9f: {  	s3 =	ssub.s32 $0x0, s20;
	[sflag:s22] =	ssyncset.done $0x0  }
0xa0: {  	[sflag:s22] =	ssyncadd.s32 s3;
	_ =	sdelay $0x1  }
0xa1: {  	s23 =	simm.s32 $0x1B8B  }
0xa2: {  	_ =	swait.ge [sflag:s23], $0x1  }
0xa3: {  	[sflag:s23] =	ssyncset.done $0x0  }
0xa4: {  	s25 =	simm.s32 $0x1B8E;
	s24 =	sld [smem:$0x3FFE];
	[sflag:s23] =	ssyncadd.s32 $0xFFFFFFFF  }
0xa5: {  	s26 =	simm.s32 $execute0_lowered;
	[smem:$0x3FD2] =	sst s25  }
0xa6: {  	s4 =	sshll.u32 s26, $0x1;
	_ =	strace $0x80000049;
	[dreg:$0x1] =	wrdreg $0xFFFFFFFF  }
0xa7: {  	s28 =	simm.s32 $_size_execute0_lowered;
	s2 =	sadd.s32 s2, s4;
	[dreg:$0x0] =	wrdreg $0x0  }
0xa8: {  	s4 =	sshll.u32 s28, $0x1;
	[dreg:$0x2] =	wrdreg s2  }
0xa9: {  	[dreg:$0x3] =	wrdreg s4  }
0xaa: {  	[dreg:$0x4] =	wrdreg $0xC0  }
0xab: {  	_ =	task [dreg:s6], $0x5FFFF  }
0xac: {  	[dreg:$0x1] =	wrdreg $0xFFFFFFFF  }
0xad: {  	[dreg:$0x0] =	wrdreg $0x60  }
0xae: {  	[dreg:$0x2] =	wrdreg s24  }
0xaf: {  	[dreg:$0x3] =	wrdreg $0x9  }
0xb0: {  	_ =	task.clear_ibuf [dreg:s6], $0x4FFFF;
	_ =	strace $0x90000049  }
0xb1: {  	s29 =	simm.s32 $0x9;
	_ =	strace $0x8000004B  }
0xb2: {  	_ =	swait.ge [sflag:s29], $0x1  }
0xb3: {  	[sflag:s29] =	ssyncadd.s32 $0xFFFFFFFF  }
0xb4: {  	_ =	strace $0x9000004B  }
0xb5: {  	_ =	sfence  }
0xb6: {  	s30 =	sld [smem:$0x0];
	_ =	sdelay $0x2  }
0xb7: {  	s31 =	sshll.u32 s1, $0xD;
	s1 =	sshrl.u32 s1, $0x2  }
0xb8: {  	s3 =	sand.u32 $0x4000, s31;
	s1 =	sadd.s32 s1, s30  }
0xb9: {  	s0 =	sor.u32 s3, s0;
	s1 =	sshll.u32 s1, $0x11  }
0xba: {  	s0 =	sor.u32 s1, s0  }
0xbb: {  	s0 =	sadd.s32 $0x8F2B, s0  }
0xbc: {  	[sflag:s0] =	ssyncadd.remote.s32 $0x1  }
0xbd: {  	_ =	sfence.sel $0xFFFF  }
0xbe: {  	[dreg:$0x0] =	wrdreg $0xFFFFFFFF;
	(pc) =	sbr.abs _section_cstart, $3  }
0xbf: {  	[dreg:$0x1] =	wrdreg $0xFFFFFFFF  }
0xc0: {  	_ =	task.clear_ibuf [dreg:s6], $0x2FFFF;
	_ =	strace $0x9FFFFFFF  }
0xc1: {  	(tm) =	ssettm $0x7FFFFFFF  }
tec
execute0_lowered:
.L_overlay_start_1:
0x0: {  	(tag) =	ssettag $0x1  }
0x1: {  	s8 =	rddreg [dreg:$0x0]  }
0x2: {  	s0 =	rddreg [dreg:$0x1];
	_ =	strace $0x8000004A;
	s1 =	stileid.u32  }
0x3: {  	s3 =	srdreg.scid;
	s4 =	simm.s32 $0x1;
	s7 =	simm.s32 $0x1  }
0x4: {  	s9 =	simm.s32 $0x1;
	s10 =	simm.s32 $0x3;
	s13 =	simm.s32 $0x0  }
0x5: {  	s12 =	simm.s32 $0x0;
	s5 =	sand.u32 $0x1, s3;
	s6 =	sshll.u32 s1, $0x1  }
0x6: {  	s2 =	sadd.s32 $0x2D400, s8;
	s3 =	sadd.s32 $0x3FA00, s8;
	s5 =	sor.u32 s6, s5  }
.Ltmp0:
0x7: {  	[sflag:s4] =	ssyncpa.u1 $0x0;
	p0 =	slt.u32 s5, $0x13;
	(pc) =	sbr.rel .LBB2_1-.Ltmp0, $4  }
0x8: {  	s6 =	simm.s32 $0x2;
	s7 =	simm.s32 @!p0 $0x0;
	p0 =	sne.s32 s5, $0x12  }
0x9: {  	[sflag:s6] =	ssyncpa.u1 $0x0;
	s5 =	smul.u32 $0x2EE0, s5;
	s9 =	simm.s32 @!p0 $0x0  }
0xa: {  	s8 =	sadd.s32 $0x13B800, s8;
	[sflag:s10] =	ssyncpa.u1 $0x0;
	s7 =	sadd.s32 s9, s7  }
0xb: {  	vm0 =	vmmov $0xffff;
	s10 =	simm.s32 $0x0;
	s11 =	smov.u32 s5;
	s9 =	sadd.s32 $0x1, s7  }
.LBB2_4:
0xc: {  	v2 =	vnsel vm1, $0x0, v2  }
0xd: {  	vm1 =	vgt.s32 v0, $0x0;
	v2 =	vmin.u32 v2, $0x927BF  }
0xe: {  	v0 =	vnsel vm1, $0x0, v0  }
0xf: {  	v0 =	vmin.u32 v0, $0x927BF  }
0x10: {  	[tilespmem:s18], [sflag:$0x1] =	stream.indirect_vreg.gather [hbm4b:s2+s10], $0x1, v1, vm0, $0x4038;
	[tilespmem:$0xBB80] =	vst v63  }
0x11: {  	(ifvalue) =	ssetifvalue $0x7FFFFFFF  }
0x12: {  	[tilespmem:s15], [sflag:$0x1] =	stream.indirect_vreg.gather [hbm4b:s2+s10], $0x1, v2, vm0, $0x4038;
	[tilespmem:$0xBB80] =	vst v63  }
0x13: {  	s29 =	sadd.s32 $0x10, s15;
	(ifvalue) =	ssetifvalue $0x7FFFFFFF  }
0x14: {  	[tilespmem:s29], [sflag:$0x1] =	stream.indirect_vreg.gather [hbm4b:s2+s10], $0x1, v0, vm0, $0x4038;
	[tilespmem:$0xBB80] =	vst v63  }
0x15: {  	_ =	swait.ge [sflag:s4], $0x2EE0  }
0x16: {  	s30 =	sshrl.u32 s13, $0x3;
	[sflag:s4] =	ssyncset.done $0x0  }
0x17: {  	s31 =	sand.u32 $0x7, s13;
	s15 =	sadd.s32 s8, s30;
	[sflag:s4] =	ssyncadd.s32 $0xFFFFD120  }
0x18: {  	[hbm4b:s15+s31] =	stream.linear.scatter [tilespmem:s14], [sflag:$0x3], $0x2EE0, $0x38;
	[tilespmem:$0xBB80] =	vst v63  }
.LBB2_5:
0x19: {  	s15 =	sadd.s32 $0x5DC00, s11  }
0x1a: {  	p1 =	sgt.s32 s15, $0x927BF  }
0x1b: {  	s15 =	smov.u32 @p1 s5;
	p1 =	sne.s32 s12, s9  }
.Ltmp1:
0x1c: {  	p0 =	slt.u32 s12, $0x2;
	(pc) =	sbr.rel @!p1 .LBB2_6-.Ltmp1, $4  }
0x1d: {  	s14 =	simm.s32 @!p0 $0x3  }
0x1e: {  	_ =	swait.ge @!p0 [sflag:s14], $0x2EE0  }
0x1f: {  	s16 =	sadd.s32 $0x1, s12;
	s13 =	smov.u32 s11;
	[sflag:s14] =	ssyncset.done @!p0 $0x0  }
0x20: {  	s12 =	smov.u32 s16;
	s11 =	smov.u32 s15;
	[sflag:s14] =	ssyncadd.s32 @!p0 $0xFFFFD120  }
.LBB2_1:
0x21: {  	p0 =	sge.u32 s12, s7  }
0x22: {  	s14 =	sxor.u32 @!p0 $0x1, s12  }
0x23: {  	s14 =	smul.u32 @!p0 $0xBB80, s14  }
0x24: {  	s31 =	sadd.s32 $0xFFFFFFFF, s12;
	s15 =	sshrl.u32 @!p0 s11, $0x3  }
0x25: {  	s16 =	sand.u32 @!p0 $0x7, s11;
	s15 =	sadd.s32 @!p0 s3, s15;
	s14 =	sshra.s32 @!p0 s14, $0x2  }
0x26: {  	[tilespmem:s14], [sflag:$0x2] =	stream.linear.gather @!p0 [hbm4b:s15+s16], $0x2EE0, $0x38;
	[tilespmem:$0xBB80] =	vst v63  }
0x27: {  	p0 =	sge.u32 s31, s7  }
.Ltmp2:
0x28: {  	_ = 	snop;
	(pc) =	sbr.rel @p0 .LBB2_5-.Ltmp2, $1  }
0x29: {  	_ =	sdelay $0x3  }
0x2a: {  	s14 =	sand.u32 $0x1, s12  }
0x2b: {  	_ =	swait.ge [sflag:s6], $0x2EE0;
	p0 =	seq.s32 s14, $0x1;
	s14 =	simm.s32 $0x2EE0  }
0x2c: {  	[sflag:s6] =	ssyncset.done $0x0;
	s14 =	simm.s32 @!p0 $0x0  }
0x2d: {  	[sflag:s6] =	ssyncadd.s32 $0xFFFFD120;
	(ifvalue) =	ssetifvalue $0x7FFFFFFF;
	v0 =	vld.msk [tilespmem:s14+$0x0 ss:$0x1], $0xffff;
	_ =	sdelay $0x4  }
0x2e: {  	s15 =	sadd.s32 $0x10, s14;
	vm1 =	vgt.s32 v0, $0x0  }
0x2f: {  	v2 =	vld.msk [tilespmem:s15+$0x0 ss:$0x1], $0xffff;
	v1 =	vnsel vm1, $0x0, v0  }
0x30: {  	v1 =	vmin.u32 v1, $0x927BF;
	_ =	sdelay $0x2  }
0x31: {  	s17 =	simm.s32 $0x20;
	s14 =	sadd.s32 $0x5DC0, s14;
	s16 =	sadd.s32 $0x10, s15  }
0x32: {  	s15 =	sadd.s32 $0x10, s14;
	s18 =	smov.u32 s14;
	v0 =	vld.msk [tilespmem:s16+$0x0 ss:$0x1], $0xffff;
	vm1 =	vgt.s32 v2, $0x0;
	(ifvalue) =	ssetifvalue $0x7FFFFFFF  }
.LBB2_3:
0x33: {  	[tilespmem:s18], [sflag:$0x1] =	stream.indirect_vreg.gather [hbm4b:s2+s10], $0x1, v1, vm0, $0x4038;
	[tilespmem:$0xBB80] =	vst v63  }
0x34: {  	s17 =	sadd.s32 $0x10, s17  }
0x35: {  	v2 =	vnsel vm1, $0x0, v2;
	p0 =	slt.u32 s17, $0x2ED0  }
.Ltmp3:
0x36: {  	s18 =	smov.u32 s15;
	v1 =	vmin.u32 v2, $0x927BF;
	(pc) =	sbr.rel @p0 .LBB2_3-.Ltmp3, $3  }
0x37: {  	_ =	sdelay $0x1  }
0x38: {  	s16 =	sadd.s32 $0x10, s16  }
0x39: {  	vm1 =	vgt.s32 v0, $0x0;
	s15 =	sadd.s32 $0x10, s15;
	v2 =	vmov v0;
	(ifvalue) =	ssetifvalue $0x7FFFFFFF;
	v0 =	vld.msk [tilespmem:s16+$0x0 ss:$0x1], $0xffff  }
.Ltmp4:
0x3a: {  	_ = 	snop;
	(pc) =	sbr.rel .LBB2_4-.Ltmp4, $1  }
0x3b: {  	_ =	sdelay $0x3  }
.LBB2_6:
0x3c: {  	_ =	sfence.sel $0x180000  }
0x3d: {  	s2 =	simm.s32 $0x2;
	[bflag:$0x0] =	sbarrier.arrive $0xFFFF  }
0x3e: {  	s30 =	simm.s32 $0x3;
	[sflag:s2] =	ssyncpa.u1 $0x1  }
0x3f: {  	s31 =	simm.s32 $0x1;
	[sflag:s30] =	ssyncpa.u1 $0x1  }
0x40: {  	[sflag:s31] =	ssyncpa.u1 $0x1  }
0x41: {  	p0 =	sne.s32 s1, $0x0;
	_ =	strace $0x9000004A  }
0x42: {  	s0 =	sadd.s32 @!p0 $0x100000, s0;
	[bflag:$0x2] =	sbarrier.arrive $0xFFFF  }
0x43: {  	[sflag:s0] =	ssyncadd.tile.s32 @!p0 $0x1;
	_ =	shalt  }
.Lfunc_end2:
_tile_overlayer_lowered:
.L_overlay_start_2:
0x44: {  	(tag) =	ssettag $0x2  }
0x45: {  	s0 =	rddreg [dreg:$0x0];
	s2 =	stileid.u32  }
0x46: {  	s1 =	rddreg [dreg:$0x1];
	p0 =	sne.s32 s2, $0x0  }
0x47: {  	s3 =	rddreg [dreg:$0x2];
	[bflag:$0x3] =	sbarrier.arrive $0xFFFF;
	s2 =	simm.s32 @!p0 $0x1C01  }
0x48: {  	[timem:s3], [sflag:s2] =	dma.local @!p0 [hbm:s0], s1  }
0x49: {  	s0 =	simm.s32 @!p0 $0x1  }
0x4a: {  	_ =	swait.ge @!p0 [sflag:s0], s1  }
0x4b: {  	s1 =	ssub.s32 @!p0 $0x0, s1;
	[sflag:s0] =	ssyncset.done @!p0 $0x0  }
0x4c: {  	[sflag:s0] =	ssyncadd.s32 @!p0 s1  }
0x4d: {  	[bflag:$0x3] =	sbarrier.arrive $0xFFFF  }
0x4e: {  	_ =	shalt  }

// kernel: gather_offload_async_start.2
scs
__scs_entry_jumppad:
0x0: {  	(pc) =	sbr.rel $0x88, $3  }
0x1: {  	(tag) =	ssettag $0x0;
	lr =	simm.s32 $0x1  }
0x2: {  	[smem:$0x3E90] =	sst lr;
	_ =	strace $0xD0000000  }
0x3: {  	_ = 	snop  }
0x4: {  	_ = 	snop  }
0x5: {  	_ = 	snop  }
0x6: {  	_ = 	snop  }
0x7: {  	_ = 	snop  }
__scs_overlays_trampoline_lowered:
0x8: {  	[smem:$0x3E9F] =	sst s0  }
0x9: {  	[smem:$0x3EA0] =	sst s1  }
0xa: {  	[smem:$0x3EA1] =	sst s2  }
0xb: {  	[smem:$0x3EA2] =	sst s3  }
0xc: {  	[smem:$0x3EA3] =	sst s4  }
0xd: {  	[smem:$0x3EA4] =	sst s5  }
0xe: {  	[smem:$0x3EA5] =	sst s6  }
0xf: {  	[smem:$0x3EA6] =	sst s7  }
0x10: {  	[smem:$0x3EA7] =	sst s8  }
0x11: {  	[smem:$0x3EA8] =	sst s9;
	s0 =	simm.s32 @!p0 $0x0  }
0x12: {  	s1 =	sld [smem:$0x3E8E];
	s0 =	simm.s32 @p0 $0x1  }
0x13: {  	[smem:$0x3EA9] =	sst s0;
	s0 =	simm.s32 @!p1 $0x0  }
0x14: {  	s2 =	sld [smem:$0x3E8D];
	s0 =	simm.s32 @p1 $0x1  }
0x15: {  	[smem:$0x3EAA] =	sst s0;
	s0 =	simm.s32 @!p2 $0x0  }
0x16: {  	s3 =	sld [smem:$0x3FDB];
	s0 =	simm.s32 @p2 $0x1  }
0x17: {  	s4 =	simm.s32 $0x1BF5;
	[smem:$0x3EAC] =	sst s0  }
0x18: {  	s0 =	sld [smem:$0x3E8F];
	_ =	swait.ge [sflag:s4], $0x0  }
0x19: {  	s7 =	sld [smem:$0x3E90]  }
0x1a: {  	s8 =	sadd.s32 $0xFFFFE003, lr  }
0x1b: {  	s9 =	sadd.s32 $0xFFFFFEF7, lr;
	s5 =	simm.s32 $0xFFFFFFFF;
	p2 =	slt.u32 s8, $0xFFFFF086  }
0x1c: {  	p1 =	slt.u32 s9, $0xF7A;
	s5 =	simm.s32 @!p2 $0x0  }
0x1d: {  	s5 =	simm.s32 @p1 $0x1;
	p0 =	seq.s32 s7, s2  }
0x1e: {  	s7 =	smul.u32 @!p0 $0xF7A, s2;
	p2 =	seq.s32 @!p0 s5, $0x0  }
0x1f: {  	s9 =	smul.u32 $0xF7A, s1;
	s8 =	simm.s32 @!p0 $0x1BF5;
	p2 =	por !p2, p0  }
0x20: {  	[sflag:s8] =	ssyncset.s32 @!p0 $0xFFFFF086;
	s6 =	sadd.s32 @!p0 s3, s7;
	s7 =	simm.s32 @!p0 $0x108  }
0x21: {  	s3 =	sadd.s32 s3, s9;
	s6 =	sadd.s32 @!p0 $0x88, s6;
	s7 =	simm.s32 @p2 $0x1082  }
0x22: {  	[simem:s7], [sflag:s8] =	dma.local @!p0 [hbm:s6], $0xF7A  }
0x23: {  	s9 =	sor.u32 $0xD0000000, s2;
	s6 =	simm.s32 $0x108;
	_ =	swait.ge @!p0 [sflag:s8], $0x0  }
0x24: {  	s3 =	sadd.s32 $0x88, s3;
	s6 =	simm.s32 @!p1 $0x1082;
	[sflag:s4] =	ssyncset.s32 $0xFFFFF086  }
0x25: {  	[simem:s6], [sflag:s4] =	dma.local [hbm:s3], $0xF7A  }
0x26: {  	[smem:$0x3E90] =	sst s1;
	(tag) =	ssettag s2;
	_ =	strace s9  }
0x27: {  	s1 =	sld [smem:$0x3EA0]  }
0x28: {  	s2 =	sld [smem:$0x3EA1]  }
0x29: {  	s4 =	sld [smem:$0x3EA3]  }
0x2a: {  	p0 =	seq.s32 s5, $0x0;
	s5 =	sld [smem:$0x3EA4]  }
0x2b: {  	s6 =	sld [smem:$0x3EA5]  }
0x2c: {  	s7 =	sld [smem:$0x3EA6]  }
0x2d: {  	s3 =	simm.s32 $0x108;
	s8 =	sld [smem:$0x3EA7]  }
0x2e: {  	s3 =	simm.s32 @!p0 $0x1082;
	s9 =	sld [smem:$0x3EA8]  }
0x2f: {  	lr =	sadd.s32 s0, s3;
	s0 =	sld [smem:$0x3E9F]  }
0x30: {  	s3 =	sld [smem:$0x3EA2]  }
0x31: {  	[smem:$0x3EAB] =	sst s10  }
0x32: {  	s10 =	sld [smem:$0x3EA9];
	_ =	sdelay $0x3  }
0x33: {  	p0 =	seq.s32 s10, $0x1;
	s10 =	sld [smem:$0x3EAB];
	_ =	sdelay $0x3  }
0x34: {  	[smem:$0x3EAB] =	sst s10  }
0x35: {  	s10 =	sld [smem:$0x3EAA];
	_ =	sdelay $0x3  }
0x36: {  	p1 =	seq.s32 s10, $0x1;
	s10 =	sld [smem:$0x3EAB];
	_ =	sdelay $0x3  }
0x37: {  	[smem:$0x3EAB] =	sst s10  }
0x38: {  	s10 =	sld [smem:$0x3EAC]  }
0x39: {  	_ = 	snop;
	(pc) =	sbr.ind lr, $3  }
0x3a: {  	_ = 	snop  }
0x3b: {  	_ = 	snop  }
0x3c: {  	p2 =	seq.s32 s10, $0x1;
	s10 =	sld [smem:$0x3EAB]  }
0x3d: {  	_ =	shalt  }
0x3e: {  	_ =	shalt  }
0x3f: {  	_ =	shalt  }
0x40: {  	_ =	shalt  }
0x41: {  	_ =	shalt  }
0x42: {  	_ =	shalt  }
0x43: {  	_ =	shalt  }
0x44: {  	_ =	shalt  }
0x45: {  	_ =	shalt  }
0x46: {  	_ =	shalt  }
0x47: {  	_ =	shalt  }
0x48: {  	_ =	shalt  }
0x49: {  	_ =	shalt  }
0x4a: {  	_ =	shalt  }
0x4b: {  	_ =	shalt  }
0x4c: {  	_ =	shalt  }
0x4d: {  	_ =	shalt  }
0x4e: {  	_ =	shalt  }
0x4f: {  	_ =	shalt  }
0x50: {  	_ =	shalt  }
0x51: {  	_ =	shalt  }
0x52: {  	_ =	shalt  }
0x53: {  	_ =	shalt  }
0x54: {  	_ =	shalt  }
0x55: {  	_ =	shalt  }
0x56: {  	_ =	shalt  }
0x57: {  	_ =	shalt  }
0x58: {  	_ =	shalt  }
0x59: {  	_ =	shalt  }
0x5a: {  	_ =	shalt  }
0x5b: {  	_ =	shalt  }
0x5c: {  	_ =	shalt  }
0x5d: {  	_ =	shalt  }
0x5e: {  	_ =	shalt  }
0x5f: {  	_ =	shalt  }
0x60: {  	_ =	shalt  }
0x61: {  	_ =	shalt  }
0x62: {  	_ =	shalt  }
0x63: {  	_ =	shalt  }
0x64: {  	_ =	shalt  }
0x65: {  	_ =	shalt  }
0x66: {  	_ =	shalt  }
0x67: {  	_ =	shalt  }
0x68: {  	_ =	shalt  }
0x69: {  	_ =	shalt  }
0x6a: {  	_ =	shalt  }
0x6b: {  	_ =	shalt  }
0x6c: {  	_ =	shalt  }
0x6d: {  	_ =	shalt  }
0x6e: {  	_ =	shalt  }
0x6f: {  	_ =	shalt  }
0x70: {  	_ =	shalt  }
0x71: {  	_ =	shalt  }
0x72: {  	_ =	shalt  }
0x73: {  	_ =	shalt  }
0x74: {  	_ =	shalt  }
0x75: {  	_ =	shalt  }
0x76: {  	_ =	shalt  }
0x77: {  	_ =	shalt  }
0x78: {  	_ =	shalt  }
0x79: {  	_ =	shalt  }
0x7a: {  	_ =	shalt  }
0x7b: {  	_ =	shalt  }
0x7c: {  	_ =	shalt  }
0x7d: {  	_ =	shalt  }
0x7e: {  	_ =	shalt  }
0x7f: {  	_ =	shalt  }
0x80: {  	_ =	shalt  }
0x81: {  	_ =	shalt  }
0x82: {  	_ =	shalt  }
0x83: {  	_ =	shalt  }
0x84: {  	_ =	shalt  }
0x85: {  	_ =	shalt  }
0x86: {  	_ =	shalt  }
0x87: {  	_ =	shalt  }
.Lfunc_end0:
.L_simem_size_0:
called_computation.2_lowered:
.L_overlay_start_0:
0x88: {  	s2 =	sld [smem:$0x3FD9]  }
0x89: {  	s3 =	sld [smem:$0x3FFE];
	_ =	sdelay $0x1  }
0x8a: {  	s1 =	srdreg.scid  }
0x8b: {  	s0 =	sand.u32 $0x1, s1  }
0x8c: {  	s16 =	sshll.u32 s0, $0xA;
	s2 =	sadd.s32 s3, s2  }
0x8d: {  	s2 =	sadd.s32 s2, s16  }
0x8e: {  	[smem:$0x3EB7] =	sst s2  }
0x8f: {  	_ = 	snop  }
0x90: {  	(tm) =	ssettm $0x1  }
0x91: {  	s17 =	sld [smem:$0x3FFB];
	_ =	sdelay $0x3  }
0x92: {  	_ =	strace s17  }
0x93: {  	s2 =	sld [smem:$0x3FFC];
	_ =	sdelay $0x3  }
0x94: {  	_ =	strace s2  }
0x95: {  	s2 =	sld [smem:$0x3FFD];
	_ =	sdelay $0x3  }
0x96: {  	_ =	strace s2  }
0x97: {  	_ =	strace $0x8FFFFFFF  }
0x98: {  	s18 =	sld [smem:$0x3FDB];
	_ =	sdelay $0x1  }
0x99: {  	s19 =	simm.s32 $_scs_section_size  }
0x9a: {  	s4 =	simm.s32 $_size__tile_overlayer_lowered;
	s5 =	simm.s32 $_tile_overlayer_lowered  }
0x9b: {  	s22 =	simm.s32 $0x1BFF;
	s21 =	sshll.u32 s5, $0x1;
	s2 =	sadd.s32 s19, s18  }
0x9c: {  	s6 =	simm.s32 $0x0;
	s20 =	sshll.u32 s4, $0x1;
	s4 =	sadd.s32 s21, s2  }
0x9d: {  	[timem:s6], [sflag:s22] =	dma.local [hbm:s4], s20  }
0x9e: {  	_ =	swait.ge [sflag:s22], s20  }
0x9f: {  	s3 =	ssub.s32 $0x0, s20;
	[sflag:s22] =	ssyncset.done $0x0  }
0xa0: {  	[sflag:s22] =	ssyncadd.s32 s3;
	_ =	sdelay $0x1  }
0xa1: {  	s23 =	simm.s32 $0x1B8B  }
0xa2: {  	_ =	swait.ge [sflag:s23], $0x1  }
0xa3: {  	[sflag:s23] =	ssyncset.done $0x0  }
0xa4: {  	s25 =	simm.s32 $0x1B8E;
	s24 =	sld [smem:$0x3FFE];
	[sflag:s23] =	ssyncadd.s32 $0xFFFFFFFF  }
0xa5: {  	s26 =	simm.s32 $execute0_lowered;
	[smem:$0x3FD2] =	sst s25  }
0xa6: {  	s4 =	sshll.u32 s26, $0x1;
	_ =	strace $0x8000004C;
	[dreg:$0x1] =	wrdreg $0xFFFFFFFF  }
0xa7: {  	s28 =	simm.s32 $_size_execute0_lowered;
	s2 =	sadd.s32 s2, s4;
	[dreg:$0x0] =	wrdreg $0x0  }
0xa8: {  	s4 =	sshll.u32 s28, $0x1;
	[dreg:$0x2] =	wrdreg s2  }
0xa9: {  	[dreg:$0x3] =	wrdreg s4  }
0xaa: {  	[dreg:$0x4] =	wrdreg $0xC0  }
0xab: {  	_ =	task [dreg:s6], $0x5FFFF  }
0xac: {  	[dreg:$0x1] =	wrdreg $0xFFFFFFFF  }
0xad: {  	[dreg:$0x0] =	wrdreg $0x60  }
0xae: {  	[dreg:$0x2] =	wrdreg s24  }
0xaf: {  	[dreg:$0x3] =	wrdreg $0x9  }
0xb0: {  	_ =	task.clear_ibuf [dreg:s6], $0x4FFFF;
	_ =	strace $0x9000004C  }
0xb1: {  	s29 =	simm.s32 $0x9;
	_ =	strace $0x8000004E  }
0xb2: {  	_ =	swait.ge [sflag:s29], $0x1  }
0xb3: {  	[sflag:s29] =	ssyncadd.s32 $0xFFFFFFFF  }
0xb4: {  	_ =	strace $0x9000004E  }
0xb5: {  	_ =	sfence  }
0xb6: {  	s30 =	sld [smem:$0x0];
	_ =	sdelay $0x2  }
0xb7: {  	s31 =	sshll.u32 s1, $0xD;
	s1 =	sshrl.u32 s1, $0x2  }
0xb8: {  	s3 =	sand.u32 $0x4000, s31;
	s1 =	sadd.s32 s1, s30  }
0xb9: {  	s0 =	sor.u32 s3, s0;
	s1 =	sshll.u32 s1, $0x11  }
0xba: {  	s0 =	sor.u32 s1, s0  }
0xbb: {  	s0 =	sadd.s32 $0x8F2B, s0  }
0xbc: {  	[sflag:s0] =	ssyncadd.remote.s32 $0x1  }
0xbd: {  	_ =	sfence.sel $0xFFFF  }
0xbe: {  	[dreg:$0x0] =	wrdreg $0xFFFFFFFF;
	(pc) =	sbr.abs _section_cstart, $3  }
0xbf: {  	[dreg:$0x1] =	wrdreg $0xFFFFFFFF  }
0xc0: {  	_ =	task.clear_ibuf [dreg:s6], $0x2FFFF;
	_ =	strace $0x9FFFFFFF  }
0xc1: {  	(tm) =	ssettm $0x7FFFFFFF  }
tec
execute0_lowered:
.L_overlay_start_1:
0x0: {  	(tag) =	ssettag $0x1  }
0x1: {  	s8 =	rddreg [dreg:$0x0]  }
0x2: {  	s0 =	rddreg [dreg:$0x1];
	_ =	strace $0x8000004D;
	s1 =	stileid.u32  }
0x3: {  	s3 =	srdreg.scid;
	s4 =	simm.s32 $0x1;
	s7 =	simm.s32 $0x1  }
0x4: {  	s9 =	simm.s32 $0x1;
	s10 =	simm.s32 $0x3;
	s13 =	simm.s32 $0x0  }
0x5: {  	s12 =	simm.s32 $0x0;
	s5 =	sand.u32 $0x1, s3;
	s6 =	sshll.u32 s1, $0x1  }
0x6: {  	s2 =	sadd.s32 $0x1AA00, s8;
	s3 =	sadd.s32 $0x128000, s8;
	s5 =	sor.u32 s6, s5  }
.Ltmp0:
0x7: {  	[sflag:s4] =	ssyncpa.u1 $0x0;
	p0 =	slt.u32 s5, $0x11;
	(pc) =	sbr.rel .LBB2_1-.Ltmp0, $4  }
0x8: {  	s6 =	simm.s32 $0x2;
	s7 =	simm.s32 @!p0 $0x0;
	p0 =	sne.s32 s5, $0x10  }
0x9: {  	[sflag:s6] =	ssyncpa.u1 $0x0;
	s5 =	smul.u32 $0x3400, s5;
	s9 =	simm.s32 @!p0 $0x0  }
0xa: {  	s8 =	sadd.s32 $0x13B800, s8;
	[sflag:s10] =	ssyncpa.u1 $0x0;
	s7 =	sadd.s32 s9, s7  }
0xb: {  	vm0 =	vmmov $0xffff;
	s10 =	simm.s32 $0x0;
	s11 =	smov.u32 s5;
	s9 =	sadd.s32 $0x1, s7  }
.LBB2_4:
0xc: {  	v2 =	vnsel vm1, $0x0, v2  }
0xd: {  	vm1 =	vgt.s32 v0, $0x0;
	v2 =	vmin.u32 v2, $0x92FFF  }
0xe: {  	v0 =	vnsel vm1, $0x0, v0  }
0xf: {  	v0 =	vmin.u32 v0, $0x92FFF  }
0x10: {  	[tilespmem:s18], [sflag:$0x1] =	stream.indirect_vreg.gather [hbm4b:s2+s10], $0x1, v1, vm0, $0x4038;
	[tilespmem:$0xD000] =	vst v63  }
0x11: {  	(ifvalue) =	ssetifvalue $0x7FFFFFFF  }
0x12: {  	[tilespmem:s15], [sflag:$0x1] =	stream.indirect_vreg.gather [hbm4b:s2+s10], $0x1, v2, vm0, $0x4038;
	[tilespmem:$0xD000] =	vst v63  }
0x13: {  	s29 =	sadd.s32 $0x10, s15;
	(ifvalue) =	ssetifvalue $0x7FFFFFFF  }
0x14: {  	[tilespmem:s29], [sflag:$0x1] =	stream.indirect_vreg.gather [hbm4b:s2+s10], $0x1, v0, vm0, $0x4038;
	[tilespmem:$0xD000] =	vst v63  }
0x15: {  	_ =	swait.ge [sflag:s4], $0x3400  }
0x16: {  	s30 =	sshrl.u32 s13, $0x3;
	[sflag:s4] =	ssyncset.done $0x0  }
0x17: {  	s31 =	sand.u32 $0x7, s13;
	s15 =	sadd.s32 s8, s30;
	[sflag:s4] =	ssyncadd.s32 $0xFFFFCC00  }
0x18: {  	[hbm4b:s15+s31] =	stream.linear.scatter [tilespmem:s14], [sflag:$0x3], $0x3400, $0x38;
	[tilespmem:$0xD000] =	vst v63  }
.LBB2_5:
0x19: {  	s15 =	sadd.s32 $0x68000, s11  }
0x1a: {  	p1 =	sgt.s32 s15, $0x9BFFF  }
0x1b: {  	s15 =	smov.u32 @p1 s5;
	p1 =	sne.s32 s12, s9  }
.Ltmp1:
0x1c: {  	p0 =	slt.u32 s12, $0x2;
	(pc) =	sbr.rel @!p1 .LBB2_6-.Ltmp1, $4  }
0x1d: {  	s14 =	simm.s32 @!p0 $0x3  }
0x1e: {  	_ =	swait.ge @!p0 [sflag:s14], $0x3400  }
0x1f: {  	s16 =	sadd.s32 $0x1, s12;
	s13 =	smov.u32 s11;
	[sflag:s14] =	ssyncset.done @!p0 $0x0  }
0x20: {  	s12 =	smov.u32 s16;
	s11 =	smov.u32 s15;
	[sflag:s14] =	ssyncadd.s32 @!p0 $0xFFFFCC00  }
.LBB2_1:
0x21: {  	p0 =	sge.u32 s12, s7  }
0x22: {  	s14 =	sxor.u32 @!p0 $0x1, s12  }
0x23: {  	s14 =	smul.u32 @!p0 $0xD000, s14  }
0x24: {  	s31 =	sadd.s32 $0xFFFFFFFF, s12;
	s15 =	sshrl.u32 @!p0 s11, $0x3  }
0x25: {  	s16 =	sand.u32 @!p0 $0x7, s11;
	s15 =	sadd.s32 @!p0 s3, s15;
	s14 =	sshra.s32 @!p0 s14, $0x2  }
0x26: {  	[tilespmem:s14], [sflag:$0x2] =	stream.linear.gather @!p0 [hbm4b:s15+s16], $0x3400, $0x38;
	[tilespmem:$0xD000] =	vst v63  }
0x27: {  	p0 =	sge.u32 s31, s7  }
.Ltmp2:
0x28: {  	_ = 	snop;
	(pc) =	sbr.rel @p0 .LBB2_5-.Ltmp2, $1  }
0x29: {  	_ =	sdelay $0x3  }
0x2a: {  	s14 =	sand.u32 $0x1, s12  }
0x2b: {  	_ =	swait.ge [sflag:s6], $0x3400;
	p0 =	seq.s32 s14, $0x1;
	s14 =	simm.s32 $0x3400  }
0x2c: {  	[sflag:s6] =	ssyncset.done $0x0;
	s14 =	simm.s32 @!p0 $0x0  }
0x2d: {  	[sflag:s6] =	ssyncadd.s32 $0xFFFFCC00;
	(ifvalue) =	ssetifvalue $0x7FFFFFFF;
	v0 =	vld.msk [tilespmem:s14+$0x0 ss:$0x1], $0xffff;
	_ =	sdelay $0x4  }
0x2e: {  	s15 =	sadd.s32 $0x10, s14;
	vm1 =	vgt.s32 v0, $0x0  }
0x2f: {  	v2 =	vld.msk [tilespmem:s15+$0x0 ss:$0x1], $0xffff;
	v1 =	vnsel vm1, $0x0, v0  }
0x30: {  	v1 =	vmin.u32 v1, $0x92FFF;
	_ =	sdelay $0x2  }
0x31: {  	s17 =	simm.s32 $0x20;
	s14 =	sadd.s32 $0x6800, s14;
	s16 =	sadd.s32 $0x10, s15  }
0x32: {  	s15 =	sadd.s32 $0x10, s14;
	s18 =	smov.u32 s14;
	v0 =	vld.msk [tilespmem:s16+$0x0 ss:$0x1], $0xffff;
	vm1 =	vgt.s32 v2, $0x0;
	(ifvalue) =	ssetifvalue $0x7FFFFFFF  }
.LBB2_3:
0x33: {  	[tilespmem:s18], [sflag:$0x1] =	stream.indirect_vreg.gather [hbm4b:s2+s10], $0x1, v1, vm0, $0x4038;
	[tilespmem:$0xD000] =	vst v63  }
0x34: {  	s17 =	sadd.s32 $0x10, s17  }
0x35: {  	v2 =	vnsel vm1, $0x0, v2;
	p0 =	slt.u32 s17, $0x33F0  }
.Ltmp3:
0x36: {  	s18 =	smov.u32 s15;
	v1 =	vmin.u32 v2, $0x92FFF;
	(pc) =	sbr.rel @p0 .LBB2_3-.Ltmp3, $3  }
0x37: {  	_ =	sdelay $0x1  }
0x38: {  	s16 =	sadd.s32 $0x10, s16  }
0x39: {  	vm1 =	vgt.s32 v0, $0x0;
	s15 =	sadd.s32 $0x10, s15;
	v2 =	vmov v0;
	(ifvalue) =	ssetifvalue $0x7FFFFFFF;
	v0 =	vld.msk [tilespmem:s16+$0x0 ss:$0x1], $0xffff  }
.Ltmp4:
0x3a: {  	_ = 	snop;
	(pc) =	sbr.rel .LBB2_4-.Ltmp4, $1  }
0x3b: {  	_ =	sdelay $0x3  }
.LBB2_6:
0x3c: {  	_ =	sfence.sel $0x180000  }
0x3d: {  	s2 =	simm.s32 $0x2;
	[bflag:$0x0] =	sbarrier.arrive $0xFFFF  }
0x3e: {  	s30 =	simm.s32 $0x3;
	[sflag:s2] =	ssyncpa.u1 $0x1  }
0x3f: {  	s31 =	simm.s32 $0x1;
	[sflag:s30] =	ssyncpa.u1 $0x1  }
0x40: {  	[sflag:s31] =	ssyncpa.u1 $0x1  }
0x41: {  	p0 =	sne.s32 s1, $0x0;
	_ =	strace $0x9000004D  }
0x42: {  	s0 =	sadd.s32 @!p0 $0x100000, s0;
	[bflag:$0x2] =	sbarrier.arrive $0xFFFF  }
0x43: {  	[sflag:s0] =	ssyncadd.tile.s32 @!p0 $0x1;
	_ =	shalt  }
.Lfunc_end2:
_tile_overlayer_lowered:
.L_overlay_start_2:
0x44: {  	(tag) =	ssettag $0x2  }
0x45: {  	s0 =	rddreg [dreg:$0x0];
	s2 =	stileid.u32  }
0x46: {  	s1 =	rddreg [dreg:$0x1];
	p0 =	sne.s32 s2, $0x0  }
0x47: {  	s3 =	rddreg [dreg:$0x2];
	[bflag:$0x3] =	sbarrier.arrive $0xFFFF;
	s2 =	simm.s32 @!p0 $0x1C01  }
0x48: {  	[timem:s3], [sflag:s2] =	dma.local @!p0 [hbm:s0], s1  }
0x49: {  	s0 =	simm.s32 @!p0 $0x1  }
0x4a: {  	_ =	swait.ge @!p0 [sflag:s0], s1  }
0x4b: {  	s1 =	ssub.s32 @!p0 $0x0, s1;
	[sflag:s0] =	ssyncset.done @!p0 $0x0  }
0x4c: {  	[sflag:s0] =	ssyncadd.s32 @!p0 s1  }
0x4d: {  	[bflag:$0x3] =	sbarrier.arrive $0xFFFF  }
0x4e: {  	_ =	shalt  }

// kernel: gather_offload_async_start
scs
__scs_entry_jumppad:
0x0: {  	(pc) =	sbr.rel $0x88, $3  }
0x1: {  	(tag) =	ssettag $0x0;
	lr =	simm.s32 $0x1  }
0x2: {  	[smem:$0x3E90] =	sst lr;
	_ =	strace $0xD0000000  }
0x3: {  	_ = 	snop  }
0x4: {  	_ = 	snop  }
0x5: {  	_ = 	snop  }
0x6: {  	_ = 	snop  }
0x7: {  	_ = 	snop  }
__scs_overlays_trampoline_lowered:
0x8: {  	[smem:$0x3E9F] =	sst s0  }
0x9: {  	[smem:$0x3EA0] =	sst s1  }
0xa: {  	[smem:$0x3EA1] =	sst s2  }
0xb: {  	[smem:$0x3EA2] =	sst s3  }
0xc: {  	[smem:$0x3EA3] =	sst s4  }
0xd: {  	[smem:$0x3EA4] =	sst s5  }
0xe: {  	[smem:$0x3EA5] =	sst s6  }
0xf: {  	[smem:$0x3EA6] =	sst s7  }
0x10: {  	[smem:$0x3EA7] =	sst s8  }
0x11: {  	[smem:$0x3EA8] =	sst s9;
	s0 =	simm.s32 @!p0 $0x0  }
0x12: {  	s1 =	sld [smem:$0x3E8E];
	s0 =	simm.s32 @p0 $0x1  }
0x13: {  	[smem:$0x3EA9] =	sst s0;
	s0 =	simm.s32 @!p1 $0x0  }
0x14: {  	s2 =	sld [smem:$0x3E8D];
	s0 =	simm.s32 @p1 $0x1  }
0x15: {  	[smem:$0x3EAA] =	sst s0;
	s0 =	simm.s32 @!p2 $0x0  }
0x16: {  	s3 =	sld [smem:$0x3FDB];
	s0 =	simm.s32 @p2 $0x1  }
0x17: {  	s4 =	simm.s32 $0x1BF5;
	[smem:$0x3EAC] =	sst s0  }
0x18: {  	s0 =	sld [smem:$0x3E8F];
	_ =	swait.ge [sflag:s4], $0x0  }
0x19: {  	s7 =	sld [smem:$0x3E90]  }
0x1a: {  	s8 =	sadd.s32 $0xFFFFE003, lr  }
0x1b: {  	s9 =	sadd.s32 $0xFFFFFEF7, lr;
	s5 =	simm.s32 $0xFFFFFFFF;
	p2 =	slt.u32 s8, $0xFFFFF086  }
0x1c: {  	p1 =	slt.u32 s9, $0xF7A;
	s5 =	simm.s32 @!p2 $0x0  }
0x1d: {  	s5 =	simm.s32 @p1 $0x1;
	p0 =	seq.s32 s7, s2  }
0x1e: {  	s7 =	smul.u32 @!p0 $0xF7A, s2;
	p2 =	seq.s32 @!p0 s5, $0x0  }
0x1f: {  	s9 =	smul.u32 $0xF7A, s1;
	s8 =	simm.s32 @!p0 $0x1BF5;
	p2 =	por !p2, p0  }
0x20: {  	[sflag:s8] =	ssyncset.s32 @!p0 $0xFFFFF086;
	s6 =	sadd.s32 @!p0 s3, s7;
	s7 =	simm.s32 @!p0 $0x108  }
0x21: {  	s3 =	sadd.s32 s3, s9;
	s6 =	sadd.s32 @!p0 $0x88, s6;
	s7 =	simm.s32 @p2 $0x1082  }
0x22: {  	[simem:s7], [sflag:s8] =	dma.local @!p0 [hbm:s6], $0xF7A  }
0x23: {  	s9 =	sor.u32 $0xD0000000, s2;
	s6 =	simm.s32 $0x108;
	_ =	swait.ge @!p0 [sflag:s8], $0x0  }
0x24: {  	s3 =	sadd.s32 $0x88, s3;
	s6 =	simm.s32 @!p1 $0x1082;
	[sflag:s4] =	ssyncset.s32 $0xFFFFF086  }
0x25: {  	[simem:s6], [sflag:s4] =	dma.local [hbm:s3], $0xF7A  }
0x26: {  	[smem:$0x3E90] =	sst s1;
	(tag) =	ssettag s2;
	_ =	strace s9  }
0x27: {  	s1 =	sld [smem:$0x3EA0]  }
0x28: {  	s2 =	sld [smem:$0x3EA1]  }
0x29: {  	s4 =	sld [smem:$0x3EA3]  }
0x2a: {  	p0 =	seq.s32 s5, $0x0;
	s5 =	sld [smem:$0x3EA4]  }
0x2b: {  	s6 =	sld [smem:$0x3EA5]  }
0x2c: {  	s7 =	sld [smem:$0x3EA6]  }
0x2d: {  	s3 =	simm.s32 $0x108;
	s8 =	sld [smem:$0x3EA7]  }
0x2e: {  	s3 =	simm.s32 @!p0 $0x1082;
	s9 =	sld [smem:$0x3EA8]  }
0x2f: {  	lr =	sadd.s32 s0, s3;
	s0 =	sld [smem:$0x3E9F]  }
0x30: {  	s3 =	sld [smem:$0x3EA2]  }
0x31: {  	[smem:$0x3EAB] =	sst s10  }
0x32: {  	s10 =	sld [smem:$0x3EA9];
	_ =	sdelay $0x3  }
0x33: {  	p0 =	seq.s32 s10, $0x1;
	s10 =	sld [smem:$0x3EAB];
	_ =	sdelay $0x3  }
0x34: {  	[smem:$0x3EAB] =	sst s10  }
0x35: {  	s10 =	sld [smem:$0x3EAA];
	_ =	sdelay $0x3  }
0x36: {  	p1 =	seq.s32 s10, $0x1;
	s10 =	sld [smem:$0x3EAB];
	_ =	sdelay $0x3  }
0x37: {  	[smem:$0x3EAB] =	sst s10  }
0x38: {  	s10 =	sld [smem:$0x3EAC]  }
0x39: {  	_ = 	snop;
	(pc) =	sbr.ind lr, $3  }
0x3a: {  	_ = 	snop  }
0x3b: {  	_ = 	snop  }
0x3c: {  	p2 =	seq.s32 s10, $0x1;
	s10 =	sld [smem:$0x3EAB]  }
0x3d: {  	_ =	shalt  }
0x3e: {  	_ =	shalt  }
0x3f: {  	_ =	shalt  }
0x40: {  	_ =	shalt  }
0x41: {  	_ =	shalt  }
0x42: {  	_ =	shalt  }
0x43: {  	_ =	shalt  }
0x44: {  	_ =	shalt  }
0x45: {  	_ =	shalt  }
0x46: {  	_ =	shalt  }
0x47: {  	_ =	shalt  }
0x48: {  	_ =	shalt  }
0x49: {  	_ =	shalt  }
0x4a: {  	_ =	shalt  }
0x4b: {  	_ =	shalt  }
0x4c: {  	_ =	shalt  }
0x4d: {  	_ =	shalt  }
0x4e: {  	_ =	shalt  }
0x4f: {  	_ =	shalt  }
0x50: {  	_ =	shalt  }
0x51: {  	_ =	shalt  }
0x52: {  	_ =	shalt  }
0x53: {  	_ =	shalt  }
0x54: {  	_ =	shalt  }
0x55: {  	_ =	shalt  }
0x56: {  	_ =	shalt  }
0x57: {  	_ =	shalt  }
0x58: {  	_ =	shalt  }
0x59: {  	_ =	shalt  }
0x5a: {  	_ =	shalt  }
0x5b: {  	_ =	shalt  }
0x5c: {  	_ =	shalt  }
0x5d: {  	_ =	shalt  }
0x5e: {  	_ =	shalt  }
0x5f: {  	_ =	shalt  }
0x60: {  	_ =	shalt  }
0x61: {  	_ =	shalt  }
0x62: {  	_ =	shalt  }
0x63: {  	_ =	shalt  }
0x64: {  	_ =	shalt  }
0x65: {  	_ =	shalt  }
0x66: {  	_ =	shalt  }
0x67: {  	_ =	shalt  }
0x68: {  	_ =	shalt  }
0x69: {  	_ =	shalt  }
0x6a: {  	_ =	shalt  }
0x6b: {  	_ =	shalt  }
0x6c: {  	_ =	shalt  }
0x6d: {  	_ =	shalt  }
0x6e: {  	_ =	shalt  }
0x6f: {  	_ =	shalt  }
0x70: {  	_ =	shalt  }
0x71: {  	_ =	shalt  }
0x72: {  	_ =	shalt  }
0x73: {  	_ =	shalt  }
0x74: {  	_ =	shalt  }
0x75: {  	_ =	shalt  }
0x76: {  	_ =	shalt  }
0x77: {  	_ =	shalt  }
0x78: {  	_ =	shalt  }
0x79: {  	_ =	shalt  }
0x7a: {  	_ =	shalt  }
0x7b: {  	_ =	shalt  }
0x7c: {  	_ =	shalt  }
0x7d: {  	_ =	shalt  }
0x7e: {  	_ =	shalt  }
0x7f: {  	_ =	shalt  }
0x80: {  	_ =	shalt  }
0x81: {  	_ =	shalt  }
0x82: {  	_ =	shalt  }
0x83: {  	_ =	shalt  }
0x84: {  	_ =	shalt  }
0x85: {  	_ =	shalt  }
0x86: {  	_ =	shalt  }
0x87: {  	_ =	shalt  }
.Lfunc_end0:
.L_simem_size_0:
called_computation_lowered:
.L_overlay_start_0:
0x88: {  	s2 =	sld [smem:$0x3FD9]  }
0x89: {  	s3 =	sld [smem:$0x3FFE];
	_ =	sdelay $0x1  }
0x8a: {  	s1 =	srdreg.scid  }
0x8b: {  	s0 =	sand.u32 $0x1, s1  }
0x8c: {  	s16 =	sshll.u32 s0, $0xA;
	s2 =	sadd.s32 s3, s2  }
0x8d: {  	s2 =	sadd.s32 s2, s16  }
0x8e: {  	[smem:$0x3EB7] =	sst s2  }
0x8f: {  	_ = 	snop  }
0x90: {  	(tm) =	ssettm $0x1  }
0x91: {  	s17 =	sld [smem:$0x3FFB];
	_ =	sdelay $0x3  }
0x92: {  	_ =	strace s17  }
0x93: {  	s2 =	sld [smem:$0x3FFC];
	_ =	sdelay $0x3  }
0x94: {  	_ =	strace s2  }
0x95: {  	s2 =	sld [smem:$0x3FFD];
	_ =	sdelay $0x3  }
0x96: {  	_ =	strace s2  }
0x97: {  	_ =	strace $0x8FFFFFFF  }
0x98: {  	s18 =	sld [smem:$0x3FDB];
	_ =	sdelay $0x1  }
0x99: {  	s19 =	simm.s32 $_scs_section_size  }
0x9a: {  	s4 =	simm.s32 $_size__tile_overlayer_lowered;
	s5 =	simm.s32 $_tile_overlayer_lowered  }
0x9b: {  	s22 =	simm.s32 $0x1BFF;
	s21 =	sshll.u32 s5, $0x1;
	s2 =	sadd.s32 s19, s18  }
0x9c: {  	s6 =	simm.s32 $0x0;
	s20 =	sshll.u32 s4, $0x1;
	s4 =	sadd.s32 s21, s2  }
0x9d: {  	[timem:s6], [sflag:s22] =	dma.local [hbm:s4], s20  }
0x9e: {  	_ =	swait.ge [sflag:s22], s20  }
0x9f: {  	s3 =	ssub.s32 $0x0, s20;
	[sflag:s22] =	ssyncset.done $0x0  }
0xa0: {  	[sflag:s22] =	ssyncadd.s32 s3;
	_ =	sdelay $0x1  }
0xa1: {  	s23 =	simm.s32 $0x1B8B  }
0xa2: {  	_ =	swait.ge [sflag:s23], $0x1  }
0xa3: {  	[sflag:s23] =	ssyncset.done $0x0  }
0xa4: {  	s25 =	simm.s32 $0x1B8E;
	s24 =	sld [smem:$0x3FFE];
	[sflag:s23] =	ssyncadd.s32 $0xFFFFFFFF  }
0xa5: {  	s26 =	simm.s32 $execute0_lowered;
	[smem:$0x3FD2] =	sst s25  }
0xa6: {  	s4 =	sshll.u32 s26, $0x1;
	_ =	strace $0x80000046;
	[dreg:$0x1] =	wrdreg $0xFFFFFFFF  }
0xa7: {  	s28 =	simm.s32 $_size_execute0_lowered;
	s2 =	sadd.s32 s2, s4;
	[dreg:$0x0] =	wrdreg $0x0  }
0xa8: {  	s4 =	sshll.u32 s28, $0x1;
	[dreg:$0x2] =	wrdreg s2  }
0xa9: {  	[dreg:$0x3] =	wrdreg s4  }
0xaa: {  	[dreg:$0x4] =	wrdreg $0xC0  }
0xab: {  	_ =	task [dreg:s6], $0x5FFFF  }
0xac: {  	[dreg:$0x1] =	wrdreg $0xFFFFFFFF  }
0xad: {  	[dreg:$0x0] =	wrdreg $0x60  }
0xae: {  	[dreg:$0x2] =	wrdreg s24  }
0xaf: {  	[dreg:$0x3] =	wrdreg $0x9  }
0xb0: {  	_ =	task.clear_ibuf [dreg:s6], $0x4FFFF;
	_ =	strace $0x90000046  }
0xb1: {  	s29 =	simm.s32 $0x9;
	_ =	strace $0x80000048  }
0xb2: {  	_ =	swait.ge [sflag:s29], $0x1  }
0xb3: {  	[sflag:s29] =	ssyncadd.s32 $0xFFFFFFFF  }
0xb4: {  	_ =	strace $0x90000048  }
0xb5: {  	_ =	sfence  }
0xb6: {  	s30 =	sld [smem:$0x0];
	_ =	sdelay $0x2  }
0xb7: {  	s31 =	sshll.u32 s1, $0xD;
	s1 =	sshrl.u32 s1, $0x2  }
0xb8: {  	s3 =	sand.u32 $0x4000, s31;
	s1 =	sadd.s32 s1, s30  }
0xb9: {  	s0 =	sor.u32 s3, s0;
	s1 =	sshll.u32 s1, $0x11  }
0xba: {  	s0 =	sor.u32 s1, s0  }
0xbb: {  	s0 =	sadd.s32 $0x8F2B, s0  }
0xbc: {  	[sflag:s0] =	ssyncadd.remote.s32 $0x1  }
0xbd: {  	_ =	sfence.sel $0xFFFF  }
0xbe: {  	[dreg:$0x0] =	wrdreg $0xFFFFFFFF;
	(pc) =	sbr.abs _section_cstart, $3  }
0xbf: {  	[dreg:$0x1] =	wrdreg $0xFFFFFFFF  }
0xc0: {  	_ =	task.clear_ibuf [dreg:s6], $0x2FFFF;
	_ =	strace $0x9FFFFFFF  }
0xc1: {  	(tm) =	ssettm $0x7FFFFFFF  }
tec
execute0_lowered:
.L_overlay_start_1:
0x0: {  	(tag) =	ssettag $0x1  }
0x1: {  	s8 =	rddreg [dreg:$0x0]  }
0x2: {  	s0 =	rddreg [dreg:$0x1];
	_ =	strace $0x80000047;
	s1 =	stileid.u32  }
0x3: {  	s3 =	srdreg.scid;
	s4 =	simm.s32 $0x1;
	s7 =	simm.s32 $0x1  }
0x4: {  	s9 =	simm.s32 $0x1;
	s10 =	simm.s32 $0x3;
	s13 =	simm.s32 $0x0  }
0x5: {  	s12 =	simm.s32 $0x0;
	s5 =	sand.u32 $0x1, s3;
	s6 =	sshll.u32 s1, $0x1  }
0x6: {  	s2 =	sadd.s32 $0x1AE00, s8;
	s3 =	sadd.s32 $0x3FA00, s8;
	s5 =	sor.u32 s6, s5  }
.Ltmp0:
0x7: {  	[sflag:s4] =	ssyncpa.u1 $0x0;
	p0 =	slt.u32 s5, $0x13;
	(pc) =	sbr.rel .LBB2_1-.Ltmp0, $4  }
0x8: {  	s6 =	simm.s32 $0x2;
	s7 =	simm.s32 @!p0 $0x0;
	p0 =	sne.s32 s5, $0x12  }
0x9: {  	[sflag:s6] =	ssyncpa.u1 $0x0;
	s5 =	smul.u32 $0x2EE0, s5;
	s9 =	simm.s32 @!p0 $0x0  }
0xa: {  	s8 =	sadd.s32 $0x1D9000, s8;
	[sflag:s10] =	ssyncpa.u1 $0x0;
	s7 =	sadd.s32 s9, s7  }
0xb: {  	vm0 =	vmmov $0xffff;
	s10 =	simm.s32 $0x0;
	s11 =	smov.u32 s5;
	s9 =	sadd.s32 $0x1, s7  }
.LBB2_4:
0xc: {  	v2 =	vnsel vm1, $0x0, v2  }
0xd: {  	vm1 =	vgt.s32 v0, $0x0;
	v2 =	vmin.u32 v2, $0x927BF  }
0xe: {  	v0 =	vnsel vm1, $0x0, v0  }
0xf: {  	v0 =	vmin.u32 v0, $0x927BF  }
0x10: {  	[tilespmem:s18], [sflag:$0x1] =	stream.indirect_vreg.gather [hbm4b:s2+s10], $0x1, v1, vm0, $0x4038;
	[tilespmem:$0xBB80] =	vst v63  }
0x11: {  	(ifvalue) =	ssetifvalue $0x7FFFFFFF  }
0x12: {  	[tilespmem:s15], [sflag:$0x1] =	stream.indirect_vreg.gather [hbm4b:s2+s10], $0x1, v2, vm0, $0x4038;
	[tilespmem:$0xBB80] =	vst v63  }
0x13: {  	s29 =	sadd.s32 $0x10, s15;
	(ifvalue) =	ssetifvalue $0x7FFFFFFF  }
0x14: {  	[tilespmem:s29], [sflag:$0x1] =	stream.indirect_vreg.gather [hbm4b:s2+s10], $0x1, v0, vm0, $0x4038;
	[tilespmem:$0xBB80] =	vst v63  }
0x15: {  	_ =	swait.ge [sflag:s4], $0x2EE0  }
0x16: {  	s30 =	sshrl.u32 s13, $0x3;
	[sflag:s4] =	ssyncset.done $0x0  }
0x17: {  	s31 =	sand.u32 $0x7, s13;
	s15 =	sadd.s32 s8, s30;
	[sflag:s4] =	ssyncadd.s32 $0xFFFFD120  }
0x18: {  	[hbm4b:s15+s31] =	stream.linear.scatter [tilespmem:s14], [sflag:$0x3], $0x2EE0, $0x38;
	[tilespmem:$0xBB80] =	vst v63  }
.LBB2_5:
0x19: {  	s15 =	sadd.s32 $0x5DC00, s11  }
0x1a: {  	p1 =	sgt.s32 s15, $0x927BF  }
0x1b: {  	s15 =	smov.u32 @p1 s5;
	p1 =	sne.s32 s12, s9  }
.Ltmp1:
0x1c: {  	p0 =	slt.u32 s12, $0x2;
	(pc) =	sbr.rel @!p1 .LBB2_6-.Ltmp1, $4  }
0x1d: {  	s14 =	simm.s32 @!p0 $0x3  }
0x1e: {  	_ =	swait.ge @!p0 [sflag:s14], $0x2EE0  }
0x1f: {  	s16 =	sadd.s32 $0x1, s12;
	s13 =	smov.u32 s11;
	[sflag:s14] =	ssyncset.done @!p0 $0x0  }
0x20: {  	s12 =	smov.u32 s16;
	s11 =	smov.u32 s15;
	[sflag:s14] =	ssyncadd.s32 @!p0 $0xFFFFD120  }
.LBB2_1:
0x21: {  	p0 =	sge.u32 s12, s7  }
0x22: {  	s14 =	sxor.u32 @!p0 $0x1, s12  }
0x23: {  	s14 =	smul.u32 @!p0 $0xBB80, s14  }
0x24: {  	s31 =	sadd.s32 $0xFFFFFFFF, s12;
	s15 =	sshrl.u32 @!p0 s11, $0x3  }
0x25: {  	s16 =	sand.u32 @!p0 $0x7, s11;
	s15 =	sadd.s32 @!p0 s3, s15;
	s14 =	sshra.s32 @!p0 s14, $0x2  }
0x26: {  	[tilespmem:s14], [sflag:$0x2] =	stream.linear.gather @!p0 [hbm4b:s15+s16], $0x2EE0, $0x38;
	[tilespmem:$0xBB80] =	vst v63  }
0x27: {  	p0 =	sge.u32 s31, s7  }
.Ltmp2:
0x28: {  	_ = 	snop;
	(pc) =	sbr.rel @p0 .LBB2_5-.Ltmp2, $1  }
0x29: {  	_ =	sdelay $0x3  }
0x2a: {  	s14 =	sand.u32 $0x1, s12  }
0x2b: {  	_ =	swait.ge [sflag:s6], $0x2EE0;
	p0 =	seq.s32 s14, $0x1;
	s14 =	simm.s32 $0x2EE0  }
0x2c: {  	[sflag:s6] =	ssyncset.done $0x0;
	s14 =	simm.s32 @!p0 $0x0  }
0x2d: {  	[sflag:s6] =	ssyncadd.s32 $0xFFFFD120;
	(ifvalue) =	ssetifvalue $0x7FFFFFFF;
	v0 =	vld.msk [tilespmem:s14+$0x0 ss:$0x1], $0xffff;
	_ =	sdelay $0x4  }
0x2e: {  	s15 =	sadd.s32 $0x10, s14;
	vm1 =	vgt.s32 v0, $0x0  }
0x2f: {  	v2 =	vld.msk [tilespmem:s15+$0x0 ss:$0x1], $0xffff;
	v1 =	vnsel vm1, $0x0, v0  }
0x30: {  	v1 =	vmin.u32 v1, $0x927BF;
	_ =	sdelay $0x2  }
0x31: {  	s17 =	simm.s32 $0x20;
	s14 =	sadd.s32 $0x5DC0, s14;
	s16 =	sadd.s32 $0x10, s15  }
0x32: {  	s15 =	sadd.s32 $0x10, s14;
	s18 =	smov.u32 s14;
	v0 =	vld.msk [tilespmem:s16+$0x0 ss:$0x1], $0xffff;
	vm1 =	vgt.s32 v2, $0x0;
	(ifvalue) =	ssetifvalue $0x7FFFFFFF  }
.LBB2_3:
0x33: {  	[tilespmem:s18], [sflag:$0x1] =	stream.indirect_vreg.gather [hbm4b:s2+s10], $0x1, v1, vm0, $0x4038;
	[tilespmem:$0xBB80] =	vst v63  }
0x34: {  	s17 =	sadd.s32 $0x10, s17  }
0x35: {  	v2 =	vnsel vm1, $0x0, v2;
	p0 =	slt.u32 s17, $0x2ED0  }
.Ltmp3:
0x36: {  	s18 =	smov.u32 s15;
	v1 =	vmin.u32 v2, $0x927BF;
	(pc) =	sbr.rel @p0 .LBB2_3-.Ltmp3, $3  }
0x37: {  	_ =	sdelay $0x1  }
0x38: {  	s16 =	sadd.s32 $0x10, s16  }
0x39: {  	vm1 =	vgt.s32 v0, $0x0;
	s15 =	sadd.s32 $0x10, s15;
	v2 =	vmov v0;
	(ifvalue) =	ssetifvalue $0x7FFFFFFF;
	v0 =	vld.msk [tilespmem:s16+$0x0 ss:$0x1], $0xffff  }
.Ltmp4:
0x3a: {  	_ = 	snop;
	(pc) =	sbr.rel .LBB2_4-.Ltmp4, $1  }
0x3b: {  	_ =	sdelay $0x3  }
.LBB2_6:
0x3c: {  	_ =	sfence.sel $0x180000  }
0x3d: {  	s2 =	simm.s32 $0x2;
	[bflag:$0x0] =	sbarrier.arrive $0xFFFF  }
0x3e: {  	s30 =	simm.s32 $0x3;
	[sflag:s2] =	ssyncpa.u1 $0x1  }
0x3f: {  	s31 =	simm.s32 $0x1;
	[sflag:s30] =	ssyncpa.u1 $0x1  }
0x40: {  	[sflag:s31] =	ssyncpa.u1 $0x1  }
0x41: {  	p0 =	sne.s32 s1, $0x0;
	_ =	strace $0x90000047  }
0x42: {  	s0 =	sadd.s32 @!p0 $0x100000, s0;
	[bflag:$0x2] =	sbarrier.arrive $0xFFFF  }
0x43: {  	[sflag:s0] =	ssyncadd.tile.s32 @!p0 $0x1;
	_ =	shalt  }
.Lfunc_end2:
_tile_overlayer_lowered:
.L_overlay_start_2:
0x44: {  	(tag) =	ssettag $0x2  }
0x45: {  	s0 =	rddreg [dreg:$0x0];
	s2 =	stileid.u32  }
0x46: {  	s1 =	rddreg [dreg:$0x1];
	p0 =	sne.s32 s2, $0x0  }
0x47: {  	s3 =	rddreg [dreg:$0x2];
	[bflag:$0x3] =	sbarrier.arrive $0xFFFF;
	s2 =	simm.s32 @!p0 $0x1C01  }
0x48: {  	[timem:s3], [sflag:s2] =	dma.local @!p0 [hbm:s0], s1  }
0x49: {  	s0 =	simm.s32 @!p0 $0x1  }
0x4a: {  	_ =	swait.ge @!p0 [sflag:s0], s1  }
0x4b: {  	s1 =	ssub.s32 @!p0 $0x0, s1;
	[sflag:s0] =	ssyncset.done @!p0 $0x0  }
0x4c: {  	[sflag:s0] =	ssyncadd.s32 @!p0 s1  }
0x4d: {  	[bflag:$0x3] =	sbarrier.arrive $0xFFFF  }
0x4e: {  	_ =	shalt  }

// kernel: kernel.6.cloned.1.call-start
scs
__scs_entry_jumppad:
0x0: {  	(pc) =	sbr.rel $0x88, $3  }
0x1: {  	(tag) =	ssettag $0x0;
	lr =	simm.s32 $0x1  }
0x2: {  	[smem:$0x3E90] =	sst lr;
	_ =	strace $0xD0000000  }
0x3: {  	_ = 	snop  }
0x4: {  	_ = 	snop  }
0x5: {  	_ = 	snop  }
0x6: {  	_ = 	snop  }
0x7: {  	_ = 	snop  }
__scs_overlays_trampoline_lowered:
0x8: {  	[smem:$0x3E9F] =	sst s0  }
0x9: {  	[smem:$0x3EA0] =	sst s1  }
0xa: {  	[smem:$0x3EA1] =	sst s2  }
0xb: {  	[smem:$0x3EA2] =	sst s3  }
0xc: {  	[smem:$0x3EA3] =	sst s4  }
0xd: {  	[smem:$0x3EA4] =	sst s5  }
0xe: {  	[smem:$0x3EA5] =	sst s6  }
0xf: {  	[smem:$0x3EA6] =	sst s7  }
0x10: {  	[smem:$0x3EA7] =	sst s8  }
0x11: {  	[smem:$0x3EA8] =	sst s9;
	s0 =	simm.s32 @!p0 $0x0  }
0x12: {  	s1 =	sld [smem:$0x3E8E];
	s0 =	simm.s32 @p0 $0x1  }
0x13: {  	[smem:$0x3EA9] =	sst s0;
	s0 =	simm.s32 @!p1 $0x0  }
0x14: {  	s2 =	sld [smem:$0x3E8D];
	s0 =	simm.s32 @p1 $0x1  }
0x15: {  	[smem:$0x3EAA] =	sst s0;
	s0 =	simm.s32 @!p2 $0x0  }
0x16: {  	s3 =	sld [smem:$0x3FDB];
	s0 =	simm.s32 @p2 $0x1  }
0x17: {  	s4 =	simm.s32 $0x1BF5;
	[smem:$0x3EAC] =	sst s0  }
0x18: {  	s0 =	sld [smem:$0x3E8F];
	_ =	swait.ge [sflag:s4], $0x0  }
0x19: {  	s7 =	sld [smem:$0x3E90]  }
0x1a: {  	s8 =	sadd.s32 $0xFFFFE003, lr  }
0x1b: {  	s9 =	sadd.s32 $0xFFFFFEF7, lr;
	s5 =	simm.s32 $0xFFFFFFFF;
	p2 =	slt.u32 s8, $0xFFFFF086  }
0x1c: {  	p1 =	slt.u32 s9, $0xF7A;
	s5 =	simm.s32 @!p2 $0x0  }
0x1d: {  	s5 =	simm.s32 @p1 $0x1;
	p0 =	seq.s32 s7, s2  }
0x1e: {  	s7 =	smul.u32 @!p0 $0xF7A, s2;
	p2 =	seq.s32 @!p0 s5, $0x0  }
0x1f: {  	s9 =	smul.u32 $0xF7A, s1;
	s8 =	simm.s32 @!p0 $0x1BF5;
	p2 =	por !p2, p0  }
0x20: {  	[sflag:s8] =	ssyncset.s32 @!p0 $0xFFFFF086;
	s6 =	sadd.s32 @!p0 s3, s7;
	s7 =	simm.s32 @!p0 $0x108  }
0x21: {  	s3 =	sadd.s32 s3, s9;
	s6 =	sadd.s32 @!p0 $0x88, s6;
	s7 =	simm.s32 @p2 $0x1082  }
0x22: {  	[simem:s7], [sflag:s8] =	dma.local @!p0 [hbm:s6], $0xF7A  }
0x23: {  	s9 =	sor.u32 $0xD0000000, s2;
	s6 =	simm.s32 $0x108;
	_ =	swait.ge @!p0 [sflag:s8], $0x0  }
0x24: {  	s3 =	sadd.s32 $0x88, s3;
	s6 =	simm.s32 @!p1 $0x1082;
	[sflag:s4] =	ssyncset.s32 $0xFFFFF086  }
0x25: {  	[simem:s6], [sflag:s4] =	dma.local [hbm:s3], $0xF7A  }
0x26: {  	[smem:$0x3E90] =	sst s1;
	(tag) =	ssettag s2;
	_ =	strace s9  }
0x27: {  	s1 =	sld [smem:$0x3EA0]  }
0x28: {  	s2 =	sld [smem:$0x3EA1]  }
0x29: {  	s4 =	sld [smem:$0x3EA3]  }
0x2a: {  	p0 =	seq.s32 s5, $0x0;
	s5 =	sld [smem:$0x3EA4]  }
0x2b: {  	s6 =	sld [smem:$0x3EA5]  }
0x2c: {  	s7 =	sld [smem:$0x3EA6]  }
0x2d: {  	s3 =	simm.s32 $0x108;
	s8 =	sld [smem:$0x3EA7]  }
0x2e: {  	s3 =	simm.s32 @!p0 $0x1082;
	s9 =	sld [smem:$0x3EA8]  }
0x2f: {  	lr =	sadd.s32 s0, s3;
	s0 =	sld [smem:$0x3E9F]  }
0x30: {  	s3 =	sld [smem:$0x3EA2]  }
0x31: {  	[smem:$0x3EAB] =	sst s10  }
0x32: {  	s10 =	sld [smem:$0x3EA9];
	_ =	sdelay $0x3  }
0x33: {  	p0 =	seq.s32 s10, $0x1;
	s10 =	sld [smem:$0x3EAB];
	_ =	sdelay $0x3  }
0x34: {  	[smem:$0x3EAB] =	sst s10  }
0x35: {  	s10 =	sld [smem:$0x3EAA];
	_ =	sdelay $0x3  }
0x36: {  	p1 =	seq.s32 s10, $0x1;
	s10 =	sld [smem:$0x3EAB];
	_ =	sdelay $0x3  }
0x37: {  	[smem:$0x3EAB] =	sst s10  }
0x38: {  	s10 =	sld [smem:$0x3EAC]  }
0x39: {  	_ = 	snop;
	(pc) =	sbr.ind lr, $3  }
0x3a: {  	_ = 	snop  }
0x3b: {  	_ = 	snop  }
0x3c: {  	p2 =	seq.s32 s10, $0x1;
	s10 =	sld [smem:$0x3EAB]  }
0x3d: {  	_ =	shalt  }
0x3e: {  	_ =	shalt  }
0x3f: {  	_ =	shalt  }
0x40: {  	_ =	shalt  }
0x41: {  	_ =	shalt  }
0x42: {  	_ =	shalt  }
0x43: {  	_ =	shalt  }
0x44: {  	_ =	shalt  }
0x45: {  	_ =	shalt  }
0x46: {  	_ =	shalt  }
0x47: {  	_ =	shalt  }
0x48: {  	_ =	shalt  }
0x49: {  	_ =	shalt  }
0x4a: {  	_ =	shalt  }
0x4b: {  	_ =	shalt  }
0x4c: {  	_ =	shalt  }
0x4d: {  	_ =	shalt  }
0x4e: {  	_ =	shalt  }
0x4f: {  	_ =	shalt  }
0x50: {  	_ =	shalt  }
0x51: {  	_ =	shalt  }
0x52: {  	_ =	shalt  }
0x53: {  	_ =	shalt  }
0x54: {  	_ =	shalt  }
0x55: {  	_ =	shalt  }
0x56: {  	_ =	shalt  }
0x57: {  	_ =	shalt  }
0x58: {  	_ =	shalt  }
0x59: {  	_ =	shalt  }
0x5a: {  	_ =	shalt  }
0x5b: {  	_ =	shalt  }
0x5c: {  	_ =	shalt  }
0x5d: {  	_ =	shalt  }
0x5e: {  	_ =	shalt  }
0x5f: {  	_ =	shalt  }
0x60: {  	_ =	shalt  }
0x61: {  	_ =	shalt  }
0x62: {  	_ =	shalt  }
0x63: {  	_ =	shalt  }
0x64: {  	_ =	shalt  }
0x65: {  	_ =	shalt  }
0x66: {  	_ =	shalt  }
0x67: {  	_ =	shalt  }
0x68: {  	_ =	shalt  }
0x69: {  	_ =	shalt  }
0x6a: {  	_ =	shalt  }
0x6b: {  	_ =	shalt  }
0x6c: {  	_ =	shalt  }
0x6d: {  	_ =	shalt  }
0x6e: {  	_ =	shalt  }
0x6f: {  	_ =	shalt  }
0x70: {  	_ =	shalt  }
0x71: {  	_ =	shalt  }
0x72: {  	_ =	shalt  }
0x73: {  	_ =	shalt  }
0x74: {  	_ =	shalt  }
0x75: {  	_ =	shalt  }
0x76: {  	_ =	shalt  }
0x77: {  	_ =	shalt  }
0x78: {  	_ =	shalt  }
0x79: {  	_ =	shalt  }
0x7a: {  	_ =	shalt  }
0x7b: {  	_ =	shalt  }
0x7c: {  	_ =	shalt  }
0x7d: {  	_ =	shalt  }
0x7e: {  	_ =	shalt  }
0x7f: {  	_ =	shalt  }
0x80: {  	_ =	shalt  }
0x81: {  	_ =	shalt  }
0x82: {  	_ =	shalt  }
0x83: {  	_ =	shalt  }
0x84: {  	_ =	shalt  }
0x85: {  	_ =	shalt  }
0x86: {  	_ =	shalt  }
0x87: {  	_ =	shalt  }
.Lfunc_end0:
.L_simem_size_0:
called_computation.5_lowered:
.L_overlay_start_0:
0x88: {  	s2 =	sld [smem:$0x3FD9]  }
0x89: {  	s3 =	sld [smem:$0x3FFE];
	_ =	sdelay $0x1  }
0x8a: {  	s1 =	srdreg.scid  }
0x8b: {  	s0 =	sand.u32 $0x1, s1  }
0x8c: {  	s17 =	sshll.u32 s0, $0xA;
	s2 =	sadd.s32 s3, s2  }
0x8d: {  	s2 =	sadd.s32 s2, s17  }
0x8e: {  	[smem:$0x3EB7] =	sst s2  }
0x8f: {  	_ = 	snop  }
0x90: {  	(tm) =	ssettm $0x1  }
0x91: {  	s18 =	sld [smem:$0x3FFB];
	_ =	sdelay $0x3  }
0x92: {  	_ =	strace s18  }
0x93: {  	s2 =	sld [smem:$0x3FFC];
	_ =	sdelay $0x3  }
0x94: {  	_ =	strace s2  }
0x95: {  	s2 =	sld [smem:$0x3FFD];
	_ =	sdelay $0x3  }
0x96: {  	_ =	strace s2  }
0x97: {  	_ =	strace $0x8FFFFFFF  }
0x98: {  	s19 =	sld [smem:$0x3FDB];
	_ =	sdelay $0x1  }
0x99: {  	s20 =	simm.s32 $_scs_section_size  }
0x9a: {  	s4 =	simm.s32 $_size__tile_overlayer_lowered;
	s5 =	simm.s32 $_tile_overlayer_lowered  }
0x9b: {  	s6 =	simm.s32 $0x1BFF;
	s21 =	sshll.u32 s5, $0x1;
	s3 =	sadd.s32 s20, s19  }
0x9c: {  	s22 =	simm.s32 $0x0;
	s4 =	sshll.u32 s4, $0x1;
	s5 =	sadd.s32 s21, s3  }
0x9d: {  	[timem:s22], [sflag:s6] =	dma.local [hbm:s5], s4  }
0x9e: {  	_ =	swait.ge [sflag:s6], s4  }
0x9f: {  	s4 =	ssub.s32 $0x0, s4;
	[sflag:s6] =	ssyncset.done $0x0  }
0xa0: {  	[sflag:s6] =	ssyncadd.s32 s4;
	_ =	sdelay $0x1  }
0xa1: {  	s23 =	simm.s32 $0x1B8B  }
0xa2: {  	_ =	swait.ge [sflag:s23], $0x1  }
0xa3: {  	[sflag:s23] =	ssyncset.done $0x0  }
0xa4: {  	[sflag:s23] =	ssyncadd.s32 $0xFFFFFFFF  }
0xa5: {  	s4 =	sld [smem:$0x0]  }
0xa6: {  	s5 =	sand.u32 $0xFFFFFFFE, s1  }
0xa7: {  	p0 =	sne.s32 s1, s5  }
0xa8: {  	s5 =	sshll.u32 @p0 s5, $0xE  }
0xa9: {  	s5 =	sadd.s32 @p0 $0x11B8D, s5;
	s6 =	sshll.u32 @p0 s4, $0x11  }
0xaa: {  	s5 =	sor.u32 @p0 s6, s5  }
0xab: {  	[sflag:s5] =	ssyncadd.remote.s32 @p0 $0x1;
	_ =	sdelay $0x1  }
0xac: {  	s5 =	simm.s32 @p0 $0x1B8D  }
0xad: {  	_ =	swait.eq @p0 [sflag:s5], $0x1  }
0xae: {  	[sflag:s5] =	ssyncadd.s32 @p0 $0xFFFFFFFF  }
0xaf: {  	s6 =	sshll.u32 @!p0 s1, $0xE  }
0xb0: {  	s6 =	sor.u32 @!p0 $0x4000, s6;
	s5 =	simm.s32 @!p0 $0x1B8D  }
0xb1: {  	s4 =	sshll.u32 @!p0 s4, $0x11;
	s6 =	sadd.s32 @!p0 $0x11B8D, s6;
	_ =	swait.eq @!p0 [sflag:s5], $0x1  }
0xb2: {  	s4 =	sor.u32 @!p0 s4, s6;
	[sflag:s5] =	ssyncadd.s32 @!p0 $0xFFFFFFFF  }
0xb3: {  	s25 =	simm.s32 $0x1B8E;
	s24 =	sld [smem:$0x3FFE];
	[sflag:s4] =	ssyncadd.remote.s32 @!p0 $0x1  }
0xb4: {  	s26 =	simm.s32 $execute0_lowered;
	[smem:$0x3FD2] =	sst s25  }
0xb5: {  	s5 =	sshll.u32 s26, $0x1;
	_ =	strace $0x8000004F;
	[dreg:$0x1] =	wrdreg $0xFFFFFFFF  }
0xb6: {  	s28 =	simm.s32 $_size_execute0_lowered;
	s3 =	sadd.s32 s3, s5;
	[dreg:$0x0] =	wrdreg $0x0  }
0xb7: {  	s5 =	sshll.u32 s28, $0x1;
	[dreg:$0x2] =	wrdreg s3  }
0xb8: {  	[dreg:$0x3] =	wrdreg s5  }
0xb9: {  	[dreg:$0x4] =	wrdreg $0xC0  }
0xba: {  	_ =	task [dreg:s22], $0x5FFFF  }
0xbb: {  	[dreg:$0x1] =	wrdreg $0xFFFFFFFF  }
0xbc: {  	[dreg:$0x0] =	wrdreg $0x60  }
0xbd: {  	[dreg:$0x2] =	wrdreg s24  }
0xbe: {  	[dreg:$0x3] =	wrdreg $0xA  }
0xbf: {  	_ =	task.clear_ibuf [dreg:s22], $0x4FFFF;
	_ =	strace $0x9000004F  }
0xc0: {  	s29 =	simm.s32 $0xA;
	_ =	strace $0x80000051  }
0xc1: {  	_ =	swait.ge [sflag:s29], $0x1  }
0xc2: {  	[sflag:s29] =	ssyncadd.s32 $0xFFFFFFFF  }
0xc3: {  	_ =	strace $0x90000051  }
0xc4: {  	_ =	sfence  }
0xc5: {  	s30 =	sld [smem:$0x0];
	_ =	sdelay $0x2  }
0xc6: {  	s31 =	sshll.u32 s1, $0xD;
	s1 =	sshrl.u32 s1, $0x2  }
0xc7: {  	s4 =	sand.u32 $0x4000, s31;
	s1 =	sadd.s32 s1, s30  }
0xc8: {  	s0 =	sor.u32 s4, s0;
	s1 =	sshll.u32 s1, $0x11  }
0xc9: {  	s0 =	sor.u32 s1, s0  }
0xca: {  	s0 =	sadd.s32 $0x8F2B, s0  }
0xcb: {  	[sflag:s0] =	ssyncadd.remote.s32 $0x1  }
0xcc: {  	_ =	sfence.sel $0xFFFF  }
0xcd: {  	[dreg:$0x0] =	wrdreg $0xFFFFFFFF;
	(pc) =	sbr.abs _section_cstart, $3  }
0xce: {  	[dreg:$0x1] =	wrdreg $0xFFFFFFFF  }
0xcf: {  	_ =	task.clear_ibuf [dreg:s22], $0x2FFFF;
	_ =	strace $0x9FFFFFFF  }
0xd0: {  	(tm) =	ssettm $0x7FFFFFFF  }
0xd1: {  	_ =	shalt  }
tec
execute0_lowered:
.L_overlay_start_1:
0x0: {  	(tag) =	ssettag $0x1  }
0x1: {  	s4 =	rddreg [dreg:$0x0]  }
0x2: {  	s1 =	srdreg.scid;
	s0 =	rddreg [dreg:$0x1];
	s2 =	simm.s32 $0x0  }
0x3: {  	s10 =	simm.s32 $0x2;
	s11 =	simm.s32 $0x10980;
	s12 =	simm.s32 $0x80  }
0x4: {  	s13 =	simm.s32 $0x4000;
	s14 =	simm.s32 $0x8000;
	s5 =	sand.u32 $0x1, s1  }
0x5: {  	s1 =	stileid.u32;
	s3 =	sshll.u32 s5, $0x4;
	s7 =	smul.u32 $0x498000, s5  }
0x6: {  	s15 =	simm.s32 $0x1;
	s8 =	smul.u32 $0x49800, s1;
	s3 =	sor.u32 s1, s3  }
0x7: {  	s16 =	simm.s32 $0x0;
	[smem:$0x7FF] =	sst s2;
	s6 =	smul.u32 $0x4980, s3  }
0x8: {  	_ =	strace $0x80000050;
	s5 =	ssub.s32 $0x2, s5;
	s7 =	sadd.s32 s7, s4  }
0x9: {  	s31 =	sshrl.u32 s5, $0x1;
	s8 =	sadd.s32 s8, s7;
	s6 =	sshrl.u32 s6, $0x3  }
0xa: {  	s3 =	sadd.s32 $0x1EB600, s4;
	s7 =	sadd.s32 $0x2AEC00, s8;
	s6 =	sadd.s32 s6, s4  }
0xb: {  	s9 =	ssub.s32 s5, s31;
	s8 =	sadd.s32 $0xBDEC00, s8;
	s4 =	sadd.s32 $0x2D200, s6  }
0xc: {  	s5 =	sadd.s32 $0x115A00, s6;
	s6 =	smax.u32 s9, $0x1;
	s9 =	simm.s32 $0xC000  }
.LBB2_1:
0xd: {  	[tilespmem:s9], [sflag:$0x2] =	stream.linear.gather [hbm4b:s4+s2], $0x4980, $0x38;
	[tilespmem:$0x15300] =	vst v63  }
0xe: {  	_ =	swait.ge [sflag:s10], $0x4980  }
0xf: {  	[sflag:s10] =	ssyncset.done $0x0  }
0x10: {  	[sflag:s10] =	ssyncadd.s32 $0xFFFFB680  }
0x11: {  	[tilespmem:s11], [sflag:$0x2] =	stream.linear.gather [hbm4b:s5+s2], $0x4980, $0x38;
	[tilespmem:$0x15300] =	vst v63  }
0x12: {  	_ =	swait.ge [sflag:s10], $0x4980  }
0x13: {  	[sflag:s10] =	ssyncset.done $0x0  }
0x14: {  	s17 =	simm.s32 $0xC000;
	[sflag:s10] =	ssyncadd.s32 $0xFFFFB680  }
0x15: {  	[tilespmem:s2], [sflag:$0x1] =	stream.indirect.gather [hbm4b:s3+s12], $0x80, s17, s12, $0xb8;
	[tilespmem:$0x15300] =	vst v63  }
0x16: {  	s29 =	simm.s32 $0xC080  }
0x17: {  	[tilespmem:s13], [sflag:$0x1] =	stream.indirect.gather [hbm4b:s3+s12], $0x80, s29, s12, $0xb8;
	[tilespmem:$0x15300] =	vst v63  }
0x18: {  	s30 =	simm.s32 $0xC100  }
0x19: {  	[tilespmem:s14], [sflag:$0x1] =	stream.indirect.gather [hbm4b:s3+s12], $0x80, s30, s12, $0xb8;
	[tilespmem:$0x15300] =	vst v63  }
0x1a: {  	_ =	swait.ge [sflag:s15], $0x4000  }
0x1b: {  	[sflag:s15] =	ssyncset.done $0x0  }
0x1c: {  	[sflag:s15] =	ssyncadd.s32 $0xFFFFC000  }
0x1d: {  	_ =	swait.ge [sflag:s15], $0x4000  }
0x1e: {  	[sflag:s15] =	ssyncset.done $0x0  }
0x1f: {  	[sflag:s15] =	ssyncadd.s32 $0xFFFFC000  }
0x20: {  	_ =	swait.ge [sflag:s15], $0x4000  }
0x21: {  	[sflag:s15] =	ssyncset.done $0x0  }
0x22: {  	s18 =	simm.s32 $0x1800;
	s31 =	sadd.s32 $0x0, s7;
	[sflag:s15] =	ssyncadd.s32 $0xFFFFC000  }
0x23: {  	[hbm4b:s31+s2] =	stream.linear.scatter [tilespmem:s2], [sflag:$0x2], $0xC000, $0x38;
	[tilespmem:$0x15300] =	vst v63  }
0x24: {  	s19 =	simm.s32 $0xC280;
	s22 =	simm.s32 $0xC180;
	_ =	swait.ge [sflag:s10], $0xC000  }
0x25: {  	s20 =	simm.s32 $0x3000;
	s21 =	simm.s32 $0xC400;
	[sflag:s10] =	ssyncset.done $0x0  }
.LBB2_2:
0x26: {  	s23 =	sadd.s32 $0xFFFFFF00, s21  }
0x27: {  	s17 =	simm.s32 $0x0;
	[sflag:s10] =	ssyncadd.s32 $0xFFFF4000;
	s24 =	smov.u32 s20  }
0x28: {  	[tilespmem:s17], [sflag:$0x1] =	stream.indirect.gather [hbm4b:s3+s12], $0x80, s22, s12, $0xb8;
	[tilespmem:$0x15300] =	vst v63  }
0x29: {  	p0 =	sne.s32 s20, $0x48000;
	s20 =	sadd.s32 $0x1800, s20;
	s22 =	sadd.s32 $0xFFFFFF80, s19  }
0x2a: {  	[tilespmem:s13], [sflag:$0x1] =	stream.indirect.gather [hbm4b:s3+s12], $0x80, s22, s12, $0xb8;
	[tilespmem:$0x15300] =	vst v63  }
0x2b: {  	s22 =	smov.u32 s23  }
0x2c: {  	[tilespmem:s14], [sflag:$0x1] =	stream.indirect.gather [hbm4b:s3+s12], $0x80, s19, s12, $0xb8;
	[tilespmem:$0x15300] =	vst v63  }
0x2d: {  	s19 =	smov.u32 s21;
	_ =	swait.ge [sflag:s15], $0x4000  }
0x2e: {  	[sflag:s15] =	ssyncset.done $0x0  }
0x2f: {  	[sflag:s15] =	ssyncadd.s32 $0xFFFFC000  }
0x30: {  	_ =	swait.ge [sflag:s15], $0x4000  }
0x31: {  	[sflag:s15] =	ssyncset.done $0x0  }
0x32: {  	[sflag:s15] =	ssyncadd.s32 $0xFFFFC000  }
0x33: {  	_ =	swait.ge [sflag:s15], $0x4000  }
.Ltmp0:
0x34: {  	[sflag:s15] =	ssyncset.done $0x0;
	(pc) =	sbr.rel @p0 .LBB2_2-.Ltmp0, $4  }
0x35: {  	s23 =	sadd.s32 s18, s7;
	s18 =	smov.u32 s24;
	[sflag:s15] =	ssyncadd.s32 $0xFFFFC000  }
0x36: {  	[hbm4b:s23+s17] =	stream.linear.scatter [tilespmem:s17], [sflag:$0x2], $0xC000, $0x38;
	[tilespmem:$0x15300] =	vst v63  }
0x37: {  	_ =	swait.ge [sflag:s10], $0xC000  }
0x38: {  	s21 =	sadd.s32 $0x180, s21;
	[sflag:s10] =	ssyncset.done $0x0  }
0x39: {  	[sflag:s10] =	ssyncadd.s32 $0xFFFF4000  }
0x3a: {  	[tilespmem:s17], [sflag:$0x1] =	stream.indirect.gather [hbm4b:s3+s12], $0x80, s22, s12, $0xb8;
	[tilespmem:$0x15300] =	vst v63  }
0x3b: {  	s20 =	sadd.s32 $0xFFFFFF80, s19  }
0x3c: {  	[tilespmem:s13], [sflag:$0x1] =	stream.indirect.gather [hbm4b:s3+s12], $0x80, s20, s12, $0xb8;
	[tilespmem:$0x15300] =	vst v63  }
0x3d: {  	_ = 	snop  }
0x3e: {  	[tilespmem:s14], [sflag:$0x1] =	stream.indirect.gather [hbm4b:s3+s12], $0x80, s19, s12, $0xb8;
	[tilespmem:$0x15300] =	vst v63  }
0x3f: {  	_ =	swait.ge [sflag:s15], $0x4000  }
0x40: {  	[sflag:s15] =	ssyncset.done $0x0  }
0x41: {  	[sflag:s15] =	ssyncadd.s32 $0xFFFFC000  }
0x42: {  	_ =	swait.ge [sflag:s15], $0x4000  }
0x43: {  	[sflag:s15] =	ssyncset.done $0x0  }
0x44: {  	[sflag:s15] =	ssyncadd.s32 $0xFFFFC000  }
0x45: {  	_ =	swait.ge [sflag:s15], $0x4000  }
0x46: {  	p1 =	por $0x1, $0x1;
	[sflag:s15] =	ssyncset.done $0x0  }
.Ltmp1:
0x47: {  	s18 =	sadd.s32 s18, s7;
	[sflag:s15] =	ssyncadd.s32 $0xFFFFC000;
	(pc) =	sbr.rel @!p1 .LBB2_8-.Ltmp1, $4  }
0x48: {  	[hbm4b:s18+s17] =	stream.linear.scatter [tilespmem:s17], [sflag:$0x2], $0xC000, $0x38;
	[tilespmem:$0x15300] =	vst v63  }
0x49: {  	_ =	swait.ge [sflag:s10], $0xC000  }
0x4a: {  	p0 =	por $0x0, $0x0;
	[sflag:s10] =	ssyncset.done $0x0  }
0x4b: {  	s19 =	simm.s32 $0x10A80;
	s18 =	simm.s32 $0x1800;
	[sflag:s10] =	ssyncadd.s32 $0xFFFF4000  }
0x4c: {  	s17 =	simm.s32 $0x10980  }
0x4d: {  	[tilespmem:s2], [sflag:$0x1] =	stream.indirect.gather [hbm4b:s3+s12], $0x80, s17, s12, $0xb8;
	[tilespmem:$0x15300] =	vst v63  }
0x4e: {  	s30 =	simm.s32 $0x10A00  }
0x4f: {  	[tilespmem:s13], [sflag:$0x1] =	stream.indirect.gather [hbm4b:s3+s12], $0x80, s30, s12, $0xb8;
	[tilespmem:$0x15300] =	vst v63  }
0x50: {  	_ = 	snop  }
0x51: {  	[tilespmem:s14], [sflag:$0x1] =	stream.indirect.gather [hbm4b:s3+s12], $0x80, s19, s12, $0xb8;
	[tilespmem:$0x15300] =	vst v63  }
0x52: {  	_ =	swait.ge [sflag:s15], $0x4000  }
0x53: {  	[sflag:s15] =	ssyncset.done $0x0  }
0x54: {  	[sflag:s15] =	ssyncadd.s32 $0xFFFFC000  }
0x55: {  	_ =	swait.ge [sflag:s15], $0x4000  }
0x56: {  	[sflag:s15] =	ssyncset.done $0x0  }
0x57: {  	[sflag:s15] =	ssyncadd.s32 $0xFFFFC000  }
0x58: {  	p1 =	por $0x1, $0x1;
	_ =	swait.ge [sflag:s15], $0x4000  }
.Ltmp2:
0x59: {  	[sflag:s15] =	ssyncset.done $0x0;
	(pc) =	sbr.rel @!p1 .LBB2_5-.Ltmp2, $4  }
0x5a: {  	s31 =	sadd.s32 $0x0, s8;
	[sflag:s15] =	ssyncadd.s32 $0xFFFFC000  }
0x5b: {  	[hbm4b:s31+s2] =	stream.linear.scatter [tilespmem:s2], [sflag:$0x2], $0xC000, $0x38;
	[tilespmem:$0x15300] =	vst v63  }
0x5c: {  	p0 =	por $0x1, $0x1;
	_ =	swait.ge [sflag:s10], $0xC000  }
0x5d: {  	s17 =	simm.s32 $0x3000;
	s19 =	simm.s32 $0x10C00;
	[sflag:s10] =	ssyncset.done $0x0  }
.LBB2_6:
0x5e: {  	p1 =	sne.s32 s17, $0x48000;
	s20 =	sadd.s32 $0xFFFFFF00, s19;
	[sflag:s10] =	ssyncadd.s32 $0xFFFF4000  }
0x5f: {  	[tilespmem:s2], [sflag:$0x1] =	stream.indirect.gather [hbm4b:s3+s12], $0x80, s20, s12, $0xb8;
	[tilespmem:$0x15300] =	vst v63  }
0x60: {  	s21 =	smov.u32 s17;
	s17 =	sadd.s32 $0x1800, s17;
	s20 =	sadd.s32 $0xFFFFFF80, s19  }
0x61: {  	[tilespmem:s13], [sflag:$0x1] =	stream.indirect.gather [hbm4b:s3+s12], $0x80, s20, s12, $0xb8;
	[tilespmem:$0x15300] =	vst v63  }
0x62: {  	_ = 	snop  }
0x63: {  	[tilespmem:s14], [sflag:$0x1] =	stream.indirect.gather [hbm4b:s3+s12], $0x80, s19, s12, $0xb8;
	[tilespmem:$0x15300] =	vst v63  }
0x64: {  	_ =	swait.ge [sflag:s15], $0x4000  }
0x65: {  	[sflag:s15] =	ssyncset.done $0x0  }
0x66: {  	[sflag:s15] =	ssyncadd.s32 $0xFFFFC000  }
0x67: {  	_ =	swait.ge [sflag:s15], $0x4000  }
0x68: {  	[sflag:s15] =	ssyncset.done $0x0  }
0x69: {  	[sflag:s15] =	ssyncadd.s32 $0xFFFFC000  }
0x6a: {  	_ =	swait.ge [sflag:s15], $0x4000  }
.Ltmp3:
0x6b: {  	[sflag:s15] =	ssyncset.done $0x0;
	(pc) =	sbr.rel @p1 .LBB2_6-.Ltmp3, $4  }
0x6c: {  	s20 =	sadd.s32 s18, s8;
	s18 =	smov.u32 s21;
	[sflag:s15] =	ssyncadd.s32 $0xFFFFC000  }
0x6d: {  	[hbm4b:s20+s2] =	stream.linear.scatter [tilespmem:s2], [sflag:$0x2], $0xC000, $0x38;
	[tilespmem:$0x15300] =	vst v63  }
0x6e: {  	_ =	swait.ge [sflag:s10], $0xC000  }
0x6f: {  	s19 =	sadd.s32 $0x180, s19;
	[sflag:s10] =	ssyncset.done $0x0  }
0x70: {  	s17 =	smov.u32 s18  }
.LBB2_8:
0x71: {  	s18 =	sadd.s32 $0xFFFFFF00, s19;
	[sflag:s10] =	ssyncadd.s32 @p0 $0xFFFF4000  }
0x72: {  	[tilespmem:s2], [sflag:$0x1] =	stream.indirect.gather [hbm4b:s3+s12], $0x80, s18, s12, $0xb8;
	[tilespmem:$0x15300] =	vst v63  }
0x73: {  	s31 =	sadd.s32 $0xFFFFFF80, s19  }
0x74: {  	[tilespmem:s13], [sflag:$0x1] =	stream.indirect.gather [hbm4b:s3+s12], $0x80, s31, s12, $0xb8;
	[tilespmem:$0x15300] =	vst v63  }
0x75: {  	_ = 	snop  }
0x76: {  	[tilespmem:s14], [sflag:$0x1] =	stream.indirect.gather [hbm4b:s3+s12], $0x80, s19, s12, $0xb8;
	[tilespmem:$0x15300] =	vst v63  }
0x77: {  	_ =	swait.ge [sflag:s15], $0x4000  }
0x78: {  	[sflag:s15] =	ssyncset.done $0x0  }
0x79: {  	[sflag:s15] =	ssyncadd.s32 $0xFFFFC000  }
0x7a: {  	_ =	swait.ge [sflag:s15], $0x4000  }
0x7b: {  	[sflag:s15] =	ssyncset.done $0x0  }
0x7c: {  	[sflag:s15] =	ssyncadd.s32 $0xFFFFC000  }
0x7d: {  	_ =	swait.ge [sflag:s15], $0x4000  }
0x7e: {  	s16 =	sadd.s32 $0x1, s16;
	[sflag:s15] =	ssyncset.done $0x0  }
0x7f: {  	s17 =	sadd.s32 s17, s8;
	p0 =	sne.s32 s16, s6;
	[sflag:s15] =	ssyncadd.s32 $0xFFFFC000  }
0x80: {  	[hbm4b:s17+s2] =	stream.linear.scatter [tilespmem:s2], [sflag:$0x2], $0xC000, $0x38;
	[tilespmem:$0x15300] =	vst v63  }
.Ltmp4:
0x81: {  	_ = 	snop;
	(pc) =	sbr.rel @p0 .LBB2_1-.Ltmp4, $4  }
.Ltmp5:
0x82: {  	_ = 	snop;
	(pc) =	sbr.rel @!p0 .LBB2_9-.Ltmp5, $4  }
0x83: {  	_ =	swait.ge [sflag:s10], $0xC000  }
0x84: {  	[sflag:s10] =	ssyncset.done $0x0  }
0x85: {  	[sflag:s10] =	ssyncadd.s32 $0xFFFF4000  }
0x86: {  	_ = 	snop  }
.LBB2_5:
.Ltmp6:
0x87: {  	(pc) =	sbr.rel .LBB2_8-.Ltmp6, $2  }
0x88: {  	_ =	sdelay $0x2  }
0x89: {  	s17 =	simm.s32 $0x1800  }
.LBB2_9:
0x8a: {  	_ =	sfence.sel $0x180000  }
0x8b: {  	[bflag:$0x0] =	sbarrier.arrive $0xFFFF  }
0x8c: {  	p0 =	sne.s32 s1, $0x0;
	_ =	strace $0x90000050  }
0x8d: {  	s0 =	sadd.s32 @!p0 $0x100000, s0;
	[bflag:$0x2] =	sbarrier.arrive $0xFFFF  }
0x8e: {  	[sflag:s0] =	ssyncadd.tile.s32 @!p0 $0x1;
	_ =	shalt  }
.Lfunc_end2:
_tile_overlayer_lowered:
.L_overlay_start_2:
0x8f: {  	(tag) =	ssettag $0x2  }
0x90: {  	s0 =	rddreg [dreg:$0x0];
	s2 =	stileid.u32  }
0x91: {  	s1 =	rddreg [dreg:$0x1];
	p0 =	sne.s32 s2, $0x0  }
0x92: {  	s3 =	rddreg [dreg:$0x2];
	[bflag:$0x3] =	sbarrier.arrive $0xFFFF;
	s2 =	simm.s32 @!p0 $0x1C02  }
0x93: {  	[timem:s3], [sflag:s2] =	dma.local @!p0 [hbm:s0], s1  }
0x94: {  	s0 =	simm.s32 @!p0 $0x2  }
0x95: {  	_ =	swait.ge @!p0 [sflag:s0], s1  }
0x96: {  	s1 =	ssub.s32 @!p0 $0x0, s1;
	[sflag:s0] =	ssyncset.done @!p0 $0x0  }
0x97: {  	[sflag:s0] =	ssyncadd.s32 @!p0 s1  }
0x98: {  	[bflag:$0x3] =	sbarrier.arrive $0xFFFF  }
0x99: {  	_ =	shalt  }

</sc_bundles>
